<compile_context>
chip_gen: v7x
topology: tpu7x:2x2x1
jax: 0.10.2.dev20260603
libtpu: 0.0.44.dev20260713+nightly
codegen_flags: <defaults>
</compile_context>

<pallas_src>
import functools

import numpy as np

import jax
import jax.numpy as jnp
from jax import lax
from jax.experimental import pallas as pl
from jax.experimental.pallas import tpu as pltpu
from jax.experimental.pallas import tpu_sc as plsc

N = 10000
E = 320000
D = 128
NEG_SLOPE = 0.2
EPS_BN = 1e-5

NP = 10240
NC = 2
NS = 16
NW = NC * NS
T = E + N
CHUNK = 128
STEPS = 82
C_PER_W = STEPS * CHUNK
T_PAD = NW * C_PER_W
ROWS_PER_TILE = NP // NS

_S2O = np.arange(D)
_S2O = (_S2O // 32) * 32 + np.where(
    _S2O % 32 < 16, 2 * (_S2O % 32), 2 * (_S2O % 32 - 16) + 1)
_O2S = np.argsort(_S2O)


def _mm_body(nf_ref, w_ref, att_ref, x_ref, av_ref):
    xb = jnp.dot(nf_ref[...], w_ref[...], preferred_element_type=jnp.float32)
    x_ref[...] = xb.astype(jnp.bfloat16)
    av_ref[...] = lax.dot_general(att_ref[...], xb, (((1,), (1,)), ((), ())),
                                  preferred_element_type=jnp.float32)


def _matmul(nf_p, W, att8):
    B = 1024
    return pl.pallas_call(
        _mm_body,
        grid=(NP // B,),
        in_specs=[pl.BlockSpec((B, D), lambda i: (i, 0)),
                  pl.BlockSpec((D, D), lambda i: (0, 0)),
                  pl.BlockSpec((8, D), lambda i: (0, 0))],
        out_specs=[pl.BlockSpec((B, D), lambda i: (i, 0)),
                   pl.BlockSpec((8, B), lambda i: (0, i))],
        out_shape=[jax.ShapeDtypeStruct((NP, D), jnp.bfloat16),
                   jax.ShapeDtypeStruct((8, NP), jnp.float32)],
    )(nf_p, W, att8)


def _sc_edges_body(x_hbm, asrc_hbm, adst_hbm, sd_hbm,
                   part_hbm, den_hbm,
                   sdb, dsts, asb, adb, wb, rows16, rowsf,
                   acc_sh, den_sh,
                   sa0, sa1, sd0, sd1, sx0, sx1, sw0, sw1, sem_s):
    cid = lax.axis_index("c")
    sid = lax.axis_index("s")
    wid = sid * NC + cid
    sem_a, sem_d, sem_x = (sa0, sa1), (sd0, sd1), (sx0, sx1)
    sem_w = (sw0, sw1)

    zero16 = jnp.zeros((16,), jnp.float32)

    def _zrow(r, carry):
        for v in range(8):
            rowsf[r, pl.ds(v * 16, 16)] = zero16
        return carry

    lax.fori_loop(0, CHUNK, _zrow, 0)
    for k in range(ROWS_PER_TILE // CHUNK):
        off = sid * ROWS_PER_TILE + k * CHUNK
        pltpu.sync_copy(rowsf, acc_sh.at[pl.ds(off, CHUNK)])
        pltpu.sync_copy(rowsf.at[0], den_sh.at[pl.ds(off, CHUNK)])
    plsc.subcore_barrier()

    ebase = wid * C_PER_W
    mask_hi = jnp.full((16,), jnp.int32(-65536))

    def _start(j, p):
        pltpu.sync_copy(sd_hbm.at[wid, j], sdb.at[p])
        pltpu.async_copy(asrc_hbm.at[sdb.at[p, 0]], asb.at[p], sem_a[p])
        pltpu.async_copy(adst_hbm.at[sdb.at[p, 1]], adb.at[p], sem_d[p])
        pltpu.async_copy(x_hbm.at[sdb.at[p, 0]], rows16.at[p], sem_x[p])

    def _finish(j, p):
        pltpu.make_async_copy(asrc_hbm.at[sdb.at[p, 0]], asb.at[p],
                              sem_a[p]).wait()
        pltpu.make_async_copy(adst_hbm.at[sdb.at[p, 1]], adb.at[p],
                              sem_d[p]).wait()

        @pl.when(j >= 2)
        def _():
            pltpu.make_async_copy(asrc_hbm.at[pl.ds(0, CHUNK)], wb.at[p],
                                  sem_w[p]).wait()

        @pl.when(j >= 1)
        def _():
            pltpu.make_async_copy(part_hbm.at[0, pl.ds(0, CHUNK)], rowsf,
                                  sem_s).wait()

        for v in range(8):
            dsts[p, pl.ds(v * 16, 16)] = sdb[p, 1, pl.ds(v * 16, 16)]

        for v in range(8):
            a = asb[p, pl.ds(v * 16, 16)] + adb[p, pl.ds(v * 16, 16)]
            a = jnp.where(a >= 0.0, a, a * NEG_SLOPE)
            w = jnp.exp(a)
            gid = ebase + j * CHUNK + v * 16 + lax.iota(jnp.int32, 16)
            w = jnp.where(gid < T, w, 0.0)
            wb[p, pl.ds(v * 16, 16)] = w
        pltpu.async_copy(wb.at[p], den_sh.at[dsts.at[p]], sem_w[p],
                         add=True)

        pltpu.make_async_copy(x_hbm.at[sdb.at[p, 0]], rows16.at[p],
                              sem_x[p]).wait()

        def _scale(i, c2):
            wsp = plsc.load_gather(wb.at[p], [jnp.full((16,), i, jnp.int32)])
            for v in range(4):
                g = rows16[p, i, pl.ds(v * 16, 16)]
                lo = plsc.bitcast(lax.shift_left(g, 16), jnp.float32)
                hi = plsc.bitcast(lax.bitwise_and(g, mask_hi), jnp.float32)
                rowsf[i, pl.ds(v * 32, 16)] = lo * wsp
                rowsf[i, pl.ds(v * 32 + 16, 16)] = hi * wsp
            return c2

        lax.fori_loop(0, CHUNK, _scale, 0)
        pltpu.async_copy(rowsf, acc_sh.at[dsts.at[p]], sem_s, add=True)

    _start(0, 0)
    NHALF = STEPS // 2

    def _body(g, carry):
        j0 = 2 * g
        _start(j0 + 1, 1)
        _finish(j0, 0)

        @pl.when(g < NHALF - 1)
        def _():
            _start(j0 + 2, 0)

        _finish(j0 + 1, 1)
        return carry

    lax.fori_loop(0, NHALF, _body, 0)

    pltpu.make_async_copy(asrc_hbm.at[pl.ds(0, CHUNK)], wb.at[0],
                          sem_w[0]).wait()
    pltpu.make_async_copy(asrc_hbm.at[pl.ds(0, CHUNK)], wb.at[1],
                          sem_w[1]).wait()
    pltpu.make_async_copy(part_hbm.at[0, pl.ds(0, CHUNK)], rowsf,
                          sem_s).wait()

    plsc.subcore_barrier()
    for k in range(ROWS_PER_TILE // CHUNK):
        off = sid * ROWS_PER_TILE + k * CHUNK
        pltpu.sync_copy(acc_sh.at[pl.ds(off, CHUNK)],
                        part_hbm.at[cid, pl.ds(off, CHUNK)])
        pltpu.sync_copy(den_sh.at[pl.ds(off, CHUNK)],
                        den_hbm.at[cid, 0, pl.ds(off, CHUNK)])


_sc_edges = functools.partial(
    pl.kernel,
    out_type=[jax.ShapeDtypeStruct((NC, NP, D), jnp.float32),
              jax.ShapeDtypeStruct((NC, 1, NP), jnp.float32)],
    mesh=plsc.VectorSubcoreMesh(core_axis_name="c", subcore_axis_name="s"),
    compiler_params=pltpu.CompilerParams(needs_layout_passes=False,
                                         use_tc_tiling_on_sc=False),
    scratch_types=(
        [pltpu.VMEM((2, 2, CHUNK), jnp.int32),
         pltpu.VMEM((2, CHUNK), jnp.int32),
         pltpu.VMEM((2, CHUNK), jnp.float32),
         pltpu.VMEM((2, CHUNK), jnp.float32),
         pltpu.VMEM((2, CHUNK), jnp.float32),
         pltpu.VMEM((2, CHUNK, D // 2), jnp.int32),
         pltpu.VMEM((CHUNK, D), jnp.float32),
         pltpu.VMEM_SHARED((NP, D), jnp.float32),
         pltpu.VMEM_SHARED((NP,), jnp.float32)]
        + [pltpu.SemaphoreType.DMA] * 9),
)(_sc_edges_body)


def _fin1_body(p_ref, d_ref, b_ref, o_ref, st_ref):
    i = pl.program_id(0)
    p = p_ref[0] + p_ref[1]
    den = d_ref[:, 0] + d_ref[:, 1] + 1e-16
    o = p / den[:, None] + b_ref[...]
    o_ref[...] = o

    @pl.when(i == 0)
    def _():
        st_ref[...] = jnp.zeros_like(st_ref)

    st_ref[0, :] += jnp.sum(o, axis=0)
    st_ref[1, :] += jnp.sum(o * o, axis=0)


def _fin1(part, den, bias_row):
    B = 400
    return pl.pallas_call(
        _fin1_body,
        grid=(N // B,),
        in_specs=[pl.BlockSpec((NC, B, D), lambda i: (0, i, 0)),
                  pl.BlockSpec((B, NC), lambda i: (i, 0)),
                  pl.BlockSpec((1, D), lambda i: (0, 0))],
        out_specs=[pl.BlockSpec((B, D), lambda i: (i, 0)),
                   pl.BlockSpec((8, D), lambda i: (0, 0))],
        out_shape=[jax.ShapeDtypeStruct((N, D), jnp.float32),
                   jax.ShapeDtypeStruct((8, D), jnp.float32)],
    )(part, den, bias_row)


def _fin2_body(o_ref, st_ref, g_ref, bt_ref, y_ref):
    mu = st_ref[0, :] / N
    var = st_ref[1, :] / N - mu * mu
    scale = g_ref[...] * lax.rsqrt(var + EPS_BN)
    y = (o_ref[...] - mu) * scale + bt_ref[...]
    y_ref[...] = jnp.maximum(y, 0.0)


def _fin2(o, st, gamma_row, beta_row):
    B = 400
    return pl.pallas_call(
        _fin2_body,
        grid=(N // B,),
        in_specs=[pl.BlockSpec((B, D), lambda i: (i, 0)),
                  pl.BlockSpec((8, D), lambda i: (0, 0)),
                  pl.BlockSpec((1, D), lambda i: (0, 0)),
                  pl.BlockSpec((1, D), lambda i: (0, 0))],
        out_specs=pl.BlockSpec((B, D), lambda i: (i, 0)),
        out_shape=jax.ShapeDtypeStruct((N, D), jnp.float32),
    )(o, st, gamma_row, beta_row)


def kernel(node_feats, edge_index, W, att_src, att_dst, bias, gamma, beta):
    nf_p = jnp.pad(node_feats, ((0, NP - N), (0, 0)))
    att8 = jnp.zeros((8, D), jnp.float32).at[0].set(att_src).at[1].set(att_dst)
    x, av = _matmul(nf_p, W, att8)

    self_idx = jnp.arange(N, dtype=edge_index.dtype)
    src = jnp.concatenate([edge_index[0], self_idx])
    dst = jnp.concatenate([edge_index[1], self_idx])
    src = jnp.pad(src, (0, T_PAD - T)).reshape(NW, STEPS, 1, CHUNK)
    dst = jnp.pad(dst, (0, T_PAD - T)).reshape(NW, STEPS, 1, CHUNK)
    sd = jnp.concatenate([src, dst], axis=2)

    x32 = lax.bitcast_convert_type(x.reshape(NP, D // 2, 2), jnp.int32)
    part, den = _sc_edges(x32, av[0], av[1], sd)
    s2o = jnp.asarray(_S2O)
    o, st = _fin1(part, den.reshape(NC, NP).T, bias[s2o].reshape(1, D))
    y = _fin2(o, st, gamma[s2o].reshape(1, D), beta[s2o].reshape(1, D))
    return y[:, jnp.asarray(_O2S)]

# --- scband reference (transcript-rebuilt; emitter-appended) ---
"""Pipeline reference for scband-gatconv-node-layer-77257871720739 (READ-ONLY COPY).

The authoritative reference and input builder live on the scoring server;
editing this copy changes nothing except your own understanding.
"""

import jax, jax.numpy as jnp
import numpy as np

N = 10000
E = 320000
D_IN = 128
D_OUT = 128
NEG_SLOPE = 0.2
EPS_BN = 1e-5


def setup_inputs(seed: int = 0) -> dict:
    key = jax.random.key(seed)
    k1, k2, k3, k4, k5, k6 = jax.random.split(key, 6)
    node_feats = jax.random.normal(k1, (N, D_IN), dtype=jnp.float32)
    edge_index = jax.random.randint(k2, (2, E), 0, N, dtype=jnp.int32)
    W = jax.random.normal(k3, (D_IN, D_OUT), dtype=jnp.float32) * (1.0 / np.sqrt(D_IN))
    att_src = jax.random.normal(k4, (D_OUT,), dtype=jnp.float32) * (1.0 / np.sqrt(D_OUT))
    att_dst = jax.random.normal(k5, (D_OUT,), dtype=jnp.float32) * (1.0 / np.sqrt(D_OUT))
    bias = jnp.zeros((D_OUT,), dtype=jnp.float32)
    gamma = jnp.ones((D_OUT,), dtype=jnp.float32)
    beta = jnp.zeros((D_OUT,), dtype=jnp.float32)
    return {"node_feats": node_feats, "edge_index": edge_index, "W": W,
            "att_src": att_src, "att_dst": att_dst, "bias": bias,
            "gamma": gamma, "beta": beta}


def reference(node_feats, edge_index, W, att_src, att_dst, bias, gamma, beta):
    # GATConv (single head, concat=True, add_self_loops=True) per PyG semantics
    x = node_feats @ W  # [N, D_OUT]
    self_idx = jnp.arange(N, dtype=edge_index.dtype)
    src = jnp.concatenate([edge_index[0], self_idx])
    dst = jnp.concatenate([edge_index[1], self_idx])
    alpha_src = (x * att_src).sum(axis=-1)  # [N]
    alpha_dst = (x * att_dst).sum(axis=-1)  # [N]
    a = alpha_src[src] + alpha_dst[dst]  # [E+N]
    a = jax.nn.leaky_relu(a, NEG_SLOPE)
    # softmax over incoming edges per destination node
    m = jax.ops.segment_max(a, dst, num_segments=N)  # self-loops guarantee coverage
    e = jnp.exp(a - m[dst])
    denom = jax.ops.segment_sum(e, dst, num_segments=N)
    alpha = e / (denom[dst] + 1e-16)
    out = jax.ops.segment_sum(x[src] * alpha[:, None], dst, num_segments=N)
    out = out + bias
    # BatchNorm1d (training mode: batch statistics over nodes)
    mu = out.mean(axis=0)
    var = out.var(axis=0)
    xn = (out - mu) / jnp.sqrt(var + EPS_BN)
    y = gamma * xn + beta
    # ReLU activation
    return jax.nn.relu(y)

if __name__ == "__main__":
    import jax
    _d = setup_inputs()
    print(jax.jit(kernel)(*tuple(_d.values())))

</pallas_src>

<mosaic_0001>
#map = affine_map<(d0, d1) -> (0, 0)>
#map1 = affine_map<(d0, d1) -> (0)>
#map2 = affine_map<(d0, d1) -> (0, 0, 0, 0)>
#map3 = affine_map<(d0, d1) -> (0, 0, 0)>
module attributes {stable_mosaic.version = 14 : i64} {
  func.func @_sc_edges_body(%arg0: i32, %arg1: i32, %arg2: memref<10240x64xi32, #tpu.memory_space<hbm>>, %arg3: memref<10240xf32, #tpu.memory_space<hbm>>, %arg4: memref<10240xf32, #tpu.memory_space<hbm>>, %arg5: memref<32x82x2x128xi32, #tpu.memory_space<hbm>>, %arg6: memref<2x10240x128xf32, #tpu.memory_space<hbm>>, %arg7: memref<2x1x10240xf32, #tpu.memory_space<hbm>>, %arg8: memref<2x2x128xi32, #tpu.memory_space<vmem>>, %arg9: memref<2x128xi32, #tpu.memory_space<vmem>>, %arg10: memref<2x128xf32, #tpu.memory_space<vmem>>, %arg11: memref<2x128xf32, #tpu.memory_space<vmem>>, %arg12: memref<2x128xf32, #tpu.memory_space<vmem>>, %arg13: memref<2x128x64xi32, #tpu.memory_space<vmem>>, %arg14: memref<128x128xf32, #tpu.memory_space<vmem>>, %arg15: memref<10240x128xf32, #tpu.memory_space<vmem_shared>>, %arg16: memref<10240xf32, #tpu.memory_space<vmem_shared>>, %arg17: memref<!tpu.dma_semaphore, #tpu.memory_space<semaphore_mem>>, %arg18: memref<!tpu.dma_semaphore, #tpu.memory_space<semaphore_mem>>, %arg19: memref<!tpu.dma_semaphore, #tpu.memory_space<semaphore_mem>>, %arg20: memref<!tpu.dma_semaphore, #tpu.memory_space<semaphore_mem>>, %arg21: memref<!tpu.dma_semaphore, #tpu.memory_space<semaphore_mem>>, %arg22: memref<!tpu.dma_semaphore, #tpu.memory_space<semaphore_mem>>, %arg23: memref<!tpu.dma_semaphore, #tpu.memory_space<semaphore_mem>>, %arg24: memref<!tpu.dma_semaphore, #tpu.memory_space<semaphore_mem>>, %arg25: memref<!tpu.dma_semaphore, #tpu.memory_space<semaphore_mem>>) attributes {dimension_semantics = [#tpu.dimension_semantics<core_parallel>, #tpu.dimension_semantics<subcore_parallel>], iteration_bounds = array<i64: 2, 16>, scalar_prefetch = 0 : i64, scratch_operands = 18 : i64, tpu.core_type = #tpu.core_type<sc_vector_subcore>, window_params = [{transform_indices = #map}, {transform_indices = #map1}, {transform_indices = #map1}, {transform_indices = #map2}, {transform_indices = #map3}, {transform_indices = #map3}]} {
    %mul3A = arith.constant 2 : i32
    %mul3A_0 = arith.muli %arg1, %mul3A : i32
    %add3A = arith.addi %mul3A_0, %arg0 : i32
    %broadcast_in_dim3A = arith.constant 0.000000e+00 : f32
    %broadcast_in_dim3A_1 = vector.broadcast %broadcast_in_dim3A : f32 to vector<16xf32>
    %scan3A = arith.constant 0 : i32
    %scan3A_2 = arith.constant 0 : i32
    %scan3A_3 = arith.constant 128 : i32
    %scan3A_4 = arith.addi %scan3A_2, %scan3A_3 : i32
    %scan3A_5 = arith.constant 1 : i32
    scf.for %scan3A_133 = %scan3A_2 to %scan3A_4 step %scan3A_5  : i32 {
      %swap3A = arith.index_cast %scan3A_133 : i32 to index
      %swap3A_134 = arith.constant 0 : index
      %swap3A_135 = tpu.vector_load %arg14[%swap3A, %swap3A_134] {strides = array<i32>} : memref<128x128xf32, #tpu.memory_space<vmem>>, vector<16xf32>,
      tpu.vector_store %arg14[%swap3A, %swap3A_134], %broadcast_in_dim3A_1 {strides = array<i32>} : memref<128x128xf32, #tpu.memory_space<vmem>>, vector<16xf32>,
      %swap3A_136 = arith.index_cast %scan3A_133 : i32 to index
      %swap3A_137 = arith.constant 16 : index
      %swap3A_138 = tpu.vector_load %arg14[%swap3A_136, %swap3A_137] {strides = array<i32>} : memref<128x128xf32, #tpu.memory_space<vmem>>, vector<16xf32>,
      tpu.vector_store %arg14[%swap3A_136, %swap3A_137], %broadcast_in_dim3A_1 {strides = array<i32>} : memref<128x128xf32, #tpu.memory_space<vmem>>, vector<16xf32>,
      %swap3A_139 = arith.index_cast %scan3A_133 : i32 to index
      %swap3A_140 = arith.constant 32 : index
      %swap3A_141 = tpu.vector_load %arg14[%swap3A_139, %swap3A_140] {strides = array<i32>} : memref<128x128xf32, #tpu.memory_space<vmem>>, vector<16xf32>,
      tpu.vector_store %arg14[%swap3A_139, %swap3A_140], %broadcast_in_dim3A_1 {strides = array<i32>} : memref<128x128xf32, #tpu.memory_space<vmem>>, vector<16xf32>,
      %swap3A_142 = arith.index_cast %scan3A_133 : i32 to index
      %swap3A_143 = arith.constant 48 : index
      %swap3A_144 = tpu.vector_load %arg14[%swap3A_142, %swap3A_143] {strides = array<i32>} : memref<128x128xf32, #tpu.memory_space<vmem>>, vector<16xf32>,
      tpu.vector_store %arg14[%swap3A_142, %swap3A_143], %broadcast_in_dim3A_1 {strides = array<i32>} : memref<128x128xf32, #tpu.memory_space<vmem>>, vector<16xf32>,
      %swap3A_145 = arith.index_cast %scan3A_133 : i32 to index
      %swap3A_146 = arith.constant 64 : index
      %swap3A_147 = tpu.vector_load %arg14[%swap3A_145, %swap3A_146] {strides = array<i32>} : memref<128x128xf32, #tpu.memory_space<vmem>>, vector<16xf32>,
      tpu.vector_store %arg14[%swap3A_145, %swap3A_146], %broadcast_in_dim3A_1 {strides = array<i32>} : memref<128x128xf32, #tpu.memory_space<vmem>>, vector<16xf32>,
      %swap3A_148 = arith.index_cast %scan3A_133 : i32 to index
      %swap3A_149 = arith.constant 80 : index
      %swap3A_150 = tpu.vector_load %arg14[%swap3A_148, %swap3A_149] {strides = array<i32>} : memref<128x128xf32, #tpu.memory_space<vmem>>, vector<16xf32>,
      tpu.vector_store %arg14[%swap3A_148, %swap3A_149], %broadcast_in_dim3A_1 {strides = array<i32>} : memref<128x128xf32, #tpu.memory_space<vmem>>, vector<16xf32>,
      %swap3A_151 = arith.index_cast %scan3A_133 : i32 to index
      %swap3A_152 = arith.constant 96 : index
      %swap3A_153 = tpu.vector_load %arg14[%swap3A_151, %swap3A_152] {strides = array<i32>} : memref<128x128xf32, #tpu.memory_space<vmem>>, vector<16xf32>,
      tpu.vector_store %arg14[%swap3A_151, %swap3A_152], %broadcast_in_dim3A_1 {strides = array<i32>} : memref<128x128xf32, #tpu.memory_space<vmem>>, vector<16xf32>,
      %swap3A_154 = arith.index_cast %scan3A_133 : i32 to index
      %swap3A_155 = arith.constant 112 : index
      %swap3A_156 = tpu.vector_load %arg14[%swap3A_154, %swap3A_155] {strides = array<i32>} : memref<128x128xf32, #tpu.memory_space<vmem>>, vector<16xf32>,
      tpu.vector_store %arg14[%swap3A_154, %swap3A_155], %broadcast_in_dim3A_1 {strides = array<i32>} : memref<128x128xf32, #tpu.memory_space<vmem>>, vector<16xf32>,
    }
    %scan3A_6 = arith.constant 128 : i32
    %mul3A_7 = arith.constant 640 : i32
    %mul3A_8 = arith.muli %arg1, %mul3A_7 : i32
    %add3A_9 = arith.constant 0 : i32
    %add3A_10 = arith.addi %mul3A_8, %add3A_9 : i32
    "tpu.region"() ({
      %run_scoped3A_133 = tpu.sem_alloc : memref<!tpu.dma_semaphore, #tpu.memory_space<semaphore_mem>>
      %dma_start3A_134 = arith.constant 0 : i32
      %dma_start3A_135 = tpu.memref_slice %arg15[%add3A_10, %dma_start3A_134] : memref<10240x128xf32, #tpu.memory_space<vmem_shared>> -> memref<128x128xf32, #tpu.memory_space<vmem_shared>>
      %dma_start3A_136 = arith.constant 0 : i32
      %dma_start3A_137 = tpu.memref_slice %arg15[%add3A_10, %dma_start3A_136] : memref<10240x128xf32, #tpu.memory_space<vmem_shared>> -> memref<128x128xf32, #tpu.memory_space<vmem_shared>>
      tpu.enqueue_dma source(%arg14 : memref<128x128xf32, #tpu.memory_space<vmem>>) target(%dma_start3A_137 : memref<128x128xf32, #tpu.memory_space<vmem_shared>>) target_semaphore(%run_scoped3A_133 : memref<!tpu.dma_semaphore, #tpu.memory_space<semaphore_mem>>)
      %dma_wait3A_138 = arith.constant 0 : i32
      %dma_wait3A_139 = tpu.memref_slice %arg15[%add3A_10, %dma_wait3A_138] : memref<10240x128xf32, #tpu.memory_space<vmem_shared>> -> memref<128x128xf32, #tpu.memory_space<vmem_shared>>
      %dma_wait3A_140 = arith.constant 0 : i32
      %dma_wait3A_141 = tpu.memref_slice %arg15[%add3A_10, %dma_wait3A_140] : memref<10240x128xf32, #tpu.memory_space<vmem_shared>> -> memref<128x128xf32, #tpu.memory_space<vmem_shared>>
      tpu.wait_dma2 semaphore(%run_scoped3A_133 : memref<!tpu.dma_semaphore, #tpu.memory_space<semaphore_mem>>) src(%arg14 : memref<128x128xf32, #tpu.memory_space<vmem>>) dst(%dma_wait3A_141 : memref<128x128xf32, #tpu.memory_space<vmem_shared>>)
      tpu.yield
    }) : () -> ()
    %run_scoped3A = arith.constant 0 : i32
    "tpu.region"() ({
      %run_scoped3A_133 = tpu.sem_alloc : memref<!tpu.dma_semaphore, #tpu.memory_space<semaphore_mem>>
      %dma_start3A_134 = arith.constant 0 : i32
      %dma_start3A_135 = tpu.memref_slice %arg14[%run_scoped3A, %dma_start3A_134] : memref<128x128xf32, #tpu.memory_space<vmem>> -> memref<1x128xf32, #tpu.memory_space<vmem>>
      %dma_start3A_136 = tpu.memref_squeeze %dma_start3A_135 : memref<1x128xf32, #tpu.memory_space<vmem>> -> memref<128xf32, #tpu.memory_space<vmem>>
      %dma_start3A_137 = tpu.memref_slice %arg16[%add3A_10] : memref<10240xf32, #tpu.memory_space<vmem_shared>> -> memref<128xf32, #tpu.memory_space<vmem_shared>>
      %dma_start3A_138 = tpu.memref_slice %arg16[%add3A_10] : memref<10240xf32, #tpu.memory_space<vmem_shared>> -> memref<128xf32, #tpu.memory_space<vmem_shared>>
      %dma_start3A_139 = arith.constant 0 : i32
      %dma_start3A_140 = tpu.memref_slice %arg14[%run_scoped3A, %dma_start3A_139] : memref<128x128xf32, #tpu.memory_space<vmem>> -> memref<1x128xf32, #tpu.memory_space<vmem>>
      %dma_start3A_141 = tpu.memref_squeeze %dma_start3A_140 : memref<1x128xf32, #tpu.memory_space<vmem>> -> memref<128xf32, #tpu.memory_space<vmem>>
      tpu.enqueue_dma source(%dma_start3A_141 : memref<128xf32, #tpu.memory_space<vmem>>) target(%dma_start3A_138 : memref<128xf32, #tpu.memory_space<vmem_shared>>) target_semaphore(%run_scoped3A_133 : memref<!tpu.dma_semaphore, #tpu.memory_space<semaphore_mem>>)
      %dma_wait3A_142 = arith.constant 0 : i32
      %dma_wait3A_143 = tpu.memref_slice %arg14[%run_scoped3A, %dma_wait3A_142] : memref<128x128xf32, #tpu.memory_space<vmem>> -> memref<1x128xf32, #tpu.memory_space<vmem>>
      %dma_wait3A_144 = tpu.memref_squeeze %dma_wait3A_143 : memref<1x128xf32, #tpu.memory_space<vmem>> -> memref<128xf32, #tpu.memory_space<vmem>>
      %dma_wait3A_145 = tpu.memref_slice %arg16[%add3A_10] : memref<10240xf32, #tpu.memory_space<vmem_shared>> -> memref<128xf32, #tpu.memory_space<vmem_shared>>
      %dma_wait3A_146 = tpu.memref_slice %arg16[%add3A_10] : memref<10240xf32, #tpu.memory_space<vmem_shared>> -> memref<128xf32, #tpu.memory_space<vmem_shared>>
      %dma_wait3A_147 = arith.constant 0 : i32
      %dma_wait3A_148 = tpu.memref_slice %arg14[%run_scoped3A, %dma_wait3A_147] : memref<128x128xf32, #tpu.memory_space<vmem>> -> memref<1x128xf32, #tpu.memory_space<vmem>>
      %dma_wait3A_149 = tpu.memref_squeeze %dma_wait3A_148 : memref<1x128xf32, #tpu.memory_space<vmem>> -> memref<128xf32, #tpu.memory_space<vmem>>
      tpu.wait_dma2 semaphore(%run_scoped3A_133 : memref<!tpu.dma_semaphore, #tpu.memory_space<semaphore_mem>>) src(%dma_wait3A_149 : memref<128xf32, #tpu.memory_space<vmem>>) dst(%dma_wait3A_146 : memref<128xf32, #tpu.memory_space<vmem_shared>>)
      tpu.yield
    }) : () -> ()
    %mul3A_11 = arith.constant 640 : i32
    %mul3A_12 = arith.muli %arg1, %mul3A_11 : i32
    %add3A_13 = arith.constant 128 : i32
    %add3A_14 = arith.addi %mul3A_12, %add3A_13 : i32
    "tpu.region"() ({
      %run_scoped3A_133 = tpu.sem_alloc : memref<!tpu.dma_semaphore, #tpu.memory_space<semaphore_mem>>
      %dma_start3A_134 = arith.constant 0 : i32
      %dma_start3A_135 = tpu.memref_slice %arg15[%add3A_14, %dma_start3A_134] : memref<10240x128xf32, #tpu.memory_space<vmem_shared>> -> memref<128x128xf32, #tpu.memory_space<vmem_shared>>
      %dma_start3A_136 = arith.constant 0 : i32
      %dma_start3A_137 = tpu.memref_slice %arg15[%add3A_14, %dma_start3A_136] : memref<10240x128xf32, #tpu.memory_space<vmem_shared>> -> memref<128x128xf32, #tpu.memory_space<vmem_shared>>
      tpu.enqueue_dma source(%arg14 : memref<128x128xf32, #tpu.memory_space<vmem>>) target(%dma_start3A_137 : memref<128x128xf32, #tpu.memory_space<vmem_shared>>) target_semaphore(%run_scoped3A_133 : memref<!tpu.dma_semaphore, #tpu.memory_space<semaphore_mem>>)
      %dma_wait3A_138 = arith.constant 0 : i32
      %dma_wait3A_139 = tpu.memref_slice %arg15[%add3A_14, %dma_wait3A_138] : memref<10240x128xf32, #tpu.memory_space<vmem_shared>> -> memref<128x128xf32, #tpu.memory_space<vmem_shared>>
      %dma_wait3A_140 = arith.constant 0 : i32
      %dma_wait3A_141 = tpu.memref_slice %arg15[%add3A_14, %dma_wait3A_140] : memref<10240x128xf32, #tpu.memory_space<vmem_shared>> -> memref<128x128xf32, #tpu.memory_space<vmem_shared>>
      tpu.wait_dma2 semaphore(%run_scoped3A_133 : memref<!tpu.dma_semaphore, #tpu.memory_space<semaphore_mem>>) src(%arg14 : memref<128x128xf32, #tpu.memory_space<vmem>>) dst(%dma_wait3A_141 : memref<128x128xf32, #tpu.memory_space<vmem_shared>>)
      tpu.yield
    }) : () -> ()
    %run_scoped3A_15 = arith.constant 0 : i32
    "tpu.region"() ({
      %run_scoped3A_133 = tpu.sem_alloc : memref<!tpu.dma_semaphore, #tpu.memory_space<semaphore_mem>>
      %dma_start3A_134 = arith.constant 0 : i32
      %dma_start3A_135 = tpu.memref_slice %arg14[%run_scoped3A_15, %dma_start3A_134] : memref<128x128xf32, #tpu.memory_space<vmem>> -> memref<1x128xf32, #tpu.memory_space<vmem>>
      %dma_start3A_136 = tpu.memref_squeeze %dma_start3A_135 : memref<1x128xf32, #tpu.memory_space<vmem>> -> memref<128xf32, #tpu.memory_space<vmem>>
      %dma_start3A_137 = tpu.memref_slice %arg16[%add3A_14] : memref<10240xf32, #tpu.memory_space<vmem_shared>> -> memref<128xf32, #tpu.memory_space<vmem_shared>>
      %dma_start3A_138 = tpu.memref_slice %arg16[%add3A_14] : memref<10240xf32, #tpu.memory_space<vmem_shared>> -> memref<128xf32, #tpu.memory_space<vmem_shared>>
      %dma_start3A_139 = arith.constant 0 : i32
      %dma_start3A_140 = tpu.memref_slice %arg14[%run_scoped3A_15, %dma_start3A_139] : memref<128x128xf32, #tpu.memory_space<vmem>> -> memref<1x128xf32, #tpu.memory_space<vmem>>
      %dma_start3A_141 = tpu.memref_squeeze %dma_start3A_140 : memref<1x128xf32, #tpu.memory_space<vmem>> -> memref<128xf32, #tpu.memory_space<vmem>>
      tpu.enqueue_dma source(%dma_start3A_141 : memref<128xf32, #tpu.memory_space<vmem>>) target(%dma_start3A_138 : memref<128xf32, #tpu.memory_space<vmem_shared>>) target_semaphore(%run_scoped3A_133 : memref<!tpu.dma_semaphore, #tpu.memory_space<semaphore_mem>>)
      %dma_wait3A_142 = arith.constant 0 : i32
      %dma_wait3A_143 = tpu.memref_slice %arg14[%run_scoped3A_15, %dma_wait3A_142] : memref<128x128xf32, #tpu.memory_space<vmem>> -> memref<1x128xf32, #tpu.memory_space<vmem>>
      %dma_wait3A_144 = tpu.memref_squeeze %dma_wait3A_143 : memref<1x128xf32, #tpu.memory_space<vmem>> -> memref<128xf32, #tpu.memory_space<vmem>>
      %dma_wait3A_145 = tpu.memref_slice %arg16[%add3A_14] : memref<10240xf32, #tpu.memory_space<vmem_shared>> -> memref<128xf32, #tpu.memory_space<vmem_shared>>
      %dma_wait3A_146 = tpu.memref_slice %arg16[%add3A_14] : memref<10240xf32, #tpu.memory_space<vmem_shared>> -> memref<128xf32, #tpu.memory_space<vmem_shared>>
      %dma_wait3A_147 = arith.constant 0 : i32
      %dma_wait3A_148 = tpu.memref_slice %arg14[%run_scoped3A_15, %dma_wait3A_147] : memref<128x128xf32, #tpu.memory_space<vmem>> -> memref<1x128xf32, #tpu.memory_space<vmem>>
      %dma_wait3A_149 = tpu.memref_squeeze %dma_wait3A_148 : memref<1x128xf32, #tpu.memory_space<vmem>> -> memref<128xf32, #tpu.memory_space<vmem>>
      tpu.wait_dma2 semaphore(%run_scoped3A_133 : memref<!tpu.dma_semaphore, #tpu.memory_space<semaphore_mem>>) src(%dma_wait3A_149 : memref<128xf32, #tpu.memory_space<vmem>>) dst(%dma_wait3A_146 : memref<128xf32, #tpu.memory_space<vmem_shared>>)
      tpu.yield
    }) : () -> ()
    %mul3A_16 = arith.constant 640 : i32
    %mul3A_17 = arith.muli %arg1, %mul3A_16 : i32
    %add3A_18 = arith.constant 256 : i32
    %add3A_19 = arith.addi %mul3A_17, %add3A_18 : i32
    "tpu.region"() ({
      %run_scoped3A_133 = tpu.sem_alloc : memref<!tpu.dma_semaphore, #tpu.memory_space<semaphore_mem>>
      %dma_start3A_134 = arith.constant 0 : i32
      %dma_start3A_135 = tpu.memref_slice %arg15[%add3A_19, %dma_start3A_134] : memref<10240x128xf32, #tpu.memory_space<vmem_shared>> -> memref<128x128xf32, #tpu.memory_space<vmem_shared>>
      %dma_start3A_136 = arith.constant 0 : i32
      %dma_start3A_137 = tpu.memref_slice %arg15[%add3A_19, %dma_start3A_136] : memref<10240x128xf32, #tpu.memory_space<vmem_shared>> -> memref<128x128xf32, #tpu.memory_space<vmem_shared>>
      tpu.enqueue_dma source(%arg14 : memref<128x128xf32, #tpu.memory_space<vmem>>) target(%dma_start3A_137 : memref<128x128xf32, #tpu.memory_space<vmem_shared>>) target_semaphore(%run_scoped3A_133 : memref<!tpu.dma_semaphore, #tpu.memory_space<semaphore_mem>>)
      %dma_wait3A_138 = arith.constant 0 : i32
      %dma_wait3A_139 = tpu.memref_slice %arg15[%add3A_19, %dma_wait3A_138] : memref<10240x128xf32, #tpu.memory_space<vmem_shared>> -> memref<128x128xf32, #tpu.memory_space<vmem_shared>>
      %dma_wait3A_140 = arith.constant 0 : i32
      %dma_wait3A_141 = tpu.memref_slice %arg15[%add3A_19, %dma_wait3A_140] : memref<10240x128xf32, #tpu.memory_space<vmem_shared>> -> memref<128x128xf32, #tpu.memory_space<vmem_shared>>
      tpu.wait_dma2 semaphore(%run_scoped3A_133 : memref<!tpu.dma_semaphore, #tpu.memory_space<semaphore_mem>>) src(%arg14 : memref<128x128xf32, #tpu.memory_space<vmem>>) dst(%dma_wait3A_141 : memref<128x128xf32, #tpu.memory_space<vmem_shared>>)
      tpu.yield
    }) : () -> ()
    %run_scoped3A_20 = arith.constant 0 : i32
    "tpu.region"() ({
      %run_scoped3A_133 = tpu.sem_alloc : memref<!tpu.dma_semaphore, #tpu.memory_space<semaphore_mem>>
      %dma_start3A_134 = arith.constant 0 : i32
      %dma_start3A_135 = tpu.memref_slice %arg14[%run_scoped3A_20, %dma_start3A_134] : memref<128x128xf32, #tpu.memory_space<vmem>> -> memref<1x128xf32, #tpu.memory_space<vmem>>
      %dma_start3A_136 = tpu.memref_squeeze %dma_start3A_135 : memref<1x128xf32, #tpu.memory_space<vmem>> -> memref<128xf32, #tpu.memory_space<vmem>>
      %dma_start3A_137 = tpu.memref_slice %arg16[%add3A_19] : memref<10240xf32, #tpu.memory_space<vmem_shared>> -> memref<128xf32, #tpu.memory_space<vmem_shared>>
      %dma_start3A_138 = tpu.memref_slice %arg16[%add3A_19] : memref<10240xf32, #tpu.memory_space<vmem_shared>> -> memref<128xf32, #tpu.memory_space<vmem_shared>>
      %dma_start3A_139 = arith.constant 0 : i32
      %dma_start3A_140 = tpu.memref_slice %arg14[%run_scoped3A_20, %dma_start3A_139] : memref<128x128xf32, #tpu.memory_space<vmem>> -> memref<1x128xf32, #tpu.memory_space<vmem>>
      %dma_start3A_141 = tpu.memref_squeeze %dma_start3A_140 : memref<1x128xf32, #tpu.memory_space<vmem>> -> memref<128xf32, #tpu.memory_space<vmem>>
      tpu.enqueue_dma source(%dma_start3A_141 : memref<128xf32, #tpu.memory_space<vmem>>) target(%dma_start3A_138 : memref<128xf32, #tpu.memory_space<vmem_shared>>) target_semaphore(%run_scoped3A_133 : memref<!tpu.dma_semaphore, #tpu.memory_space<semaphore_mem>>)
      %dma_wait3A_142 = arith.constant 0 : i32
      %dma_wait3A_143 = tpu.memref_slice %arg14[%run_scoped3A_20, %dma_wait3A_142] : memref<128x128xf32, #tpu.memory_space<vmem>> -> memref<1x128xf32, #tpu.memory_space<vmem>>
      %dma_wait3A_144 = tpu.memref_squeeze %dma_wait3A_143 : memref<1x128xf32, #tpu.memory_space<vmem>> -> memref<128xf32, #tpu.memory_space<vmem>>
      %dma_wait3A_145 = tpu.memref_slice %arg16[%add3A_19] : memref<10240xf32, #tpu.memory_space<vmem_shared>> -> memref<128xf32, #tpu.memory_space<vmem_shared>>
      %dma_wait3A_146 = tpu.memref_slice %arg16[%add3A_19] : memref<10240xf32, #tpu.memory_space<vmem_shared>> -> memref<128xf32, #tpu.memory_space<vmem_shared>>
      %dma_wait3A_147 = arith.constant 0 : i32
      %dma_wait3A_148 = tpu.memref_slice %arg14[%run_scoped3A_20, %dma_wait3A_147] : memref<128x128xf32, #tpu.memory_space<vmem>> -> memref<1x128xf32, #tpu.memory_space<vmem>>
      %dma_wait3A_149 = tpu.memref_squeeze %dma_wait3A_148 : memref<1x128xf32, #tpu.memory_space<vmem>> -> memref<128xf32, #tpu.memory_space<vmem>>
      tpu.wait_dma2 semaphore(%run_scoped3A_133 : memref<!tpu.dma_semaphore, #tpu.memory_space<semaphore_mem>>) src(%dma_wait3A_149 : memref<128xf32, #tpu.memory_space<vmem>>) dst(%dma_wait3A_146 : memref<128xf32, #tpu.memory_space<vmem_shared>>)
      tpu.yield
    }) : () -> ()
    %mul3A_21 = arith.constant 640 : i32
    %mul3A_22 = arith.muli %arg1, %mul3A_21 : i32
    %add3A_23 = arith.constant 384 : i32
    %add3A_24 = arith.addi %mul3A_22, %add3A_23 : i32
    "tpu.region"() ({
      %run_scoped3A_133 = tpu.sem_alloc : memref<!tpu.dma_semaphore, #tpu.memory_space<semaphore_mem>>
      %dma_start3A_134 = arith.constant 0 : i32
      %dma_start3A_135 = tpu.memref_slice %arg15[%add3A_24, %dma_start3A_134] : memref<10240x128xf32, #tpu.memory_space<vmem_shared>> -> memref<128x128xf32, #tpu.memory_space<vmem_shared>>
      %dma_start3A_136 = arith.constant 0 : i32
      %dma_start3A_137 = tpu.memref_slice %arg15[%add3A_24, %dma_start3A_136] : memref<10240x128xf32, #tpu.memory_space<vmem_shared>> -> memref<128x128xf32, #tpu.memory_space<vmem_shared>>
      tpu.enqueue_dma source(%arg14 : memref<128x128xf32, #tpu.memory_space<vmem>>) target(%dma_start3A_137 : memref<128x128xf32, #tpu.memory_space<vmem_shared>>) target_semaphore(%run_scoped3A_133 : memref<!tpu.dma_semaphore, #tpu.memory_space<semaphore_mem>>)
      %dma_wait3A_138 = arith.constant 0 : i32
      %dma_wait3A_139 = tpu.memref_slice %arg15[%add3A_24, %dma_wait3A_138] : memref<10240x128xf32, #tpu.memory_space<vmem_shared>> -> memref<128x128xf32, #tpu.memory_space<vmem_shared>>
      %dma_wait3A_140 = arith.constant 0 : i32
      %dma_wait3A_141 = tpu.memref_slice %arg15[%add3A_24, %dma_wait3A_140] : memref<10240x128xf32, #tpu.memory_space<vmem_shared>> -> memref<128x128xf32, #tpu.memory_space<vmem_shared>>
      tpu.wait_dma2 semaphore(%run_scoped3A_133 : memref<!tpu.dma_semaphore, #tpu.memory_space<semaphore_mem>>) src(%arg14 : memref<128x128xf32, #tpu.memory_space<vmem>>) dst(%dma_wait3A_141 : memref<128x128xf32, #tpu.memory_space<vmem_shared>>)
      tpu.yield
    }) : () -> ()
    %run_scoped3A_25 = arith.constant 0 : i32
    "tpu.region"() ({
      %run_scoped3A_133 = tpu.sem_alloc : memref<!tpu.dma_semaphore, #tpu.memory_space<semaphore_mem>>
      %dma_start3A_134 = arith.constant 0 : i32
      %dma_start3A_135 = tpu.memref_slice %arg14[%run_scoped3A_25, %dma_start3A_134] : memref<128x128xf32, #tpu.memory_space<vmem>> -> memref<1x128xf32, #tpu.memory_space<vmem>>
      %dma_start3A_136 = tpu.memref_squeeze %dma_start3A_135 : memref<1x128xf32, #tpu.memory_space<vmem>> -> memref<128xf32, #tpu.memory_space<vmem>>
      %dma_start3A_137 = tpu.memref_slice %arg16[%add3A_24] : memref<10240xf32, #tpu.memory_space<vmem_shared>> -> memref<128xf32, #tpu.memory_space<vmem_shared>>
      %dma_start3A_138 = tpu.memref_slice %arg16[%add3A_24] : memref<10240xf32, #tpu.memory_space<vmem_shared>> -> memref<128xf32, #tpu.memory_space<vmem_shared>>
      %dma_start3A_139 = arith.constant 0 : i32
      %dma_start3A_140 = tpu.memref_slice %arg14[%run_scoped3A_25, %dma_start3A_139] : memref<128x128xf32, #tpu.memory_space<vmem>> -> memref<1x128xf32, #tpu.memory_space<vmem>>
      %dma_start3A_141 = tpu.memref_squeeze %dma_start3A_140 : memref<1x128xf32, #tpu.memory_space<vmem>> -> memref<128xf32, #tpu.memory_space<vmem>>
      tpu.enqueue_dma source(%dma_start3A_141 : memref<128xf32, #tpu.memory_space<vmem>>) target(%dma_start3A_138 : memref<128xf32, #tpu.memory_space<vmem_shared>>) target_semaphore(%run_scoped3A_133 : memref<!tpu.dma_semaphore, #tpu.memory_space<semaphore_mem>>)
      %dma_wait3A_142 = arith.constant 0 : i32
      %dma_wait3A_143 = tpu.memref_slice %arg14[%run_scoped3A_25, %dma_wait3A_142] : memref<128x128xf32, #tpu.memory_space<vmem>> -> memref<1x128xf32, #tpu.memory_space<vmem>>
      %dma_wait3A_144 = tpu.memref_squeeze %dma_wait3A_143 : memref<1x128xf32, #tpu.memory_space<vmem>> -> memref<128xf32, #tpu.memory_space<vmem>>
      %dma_wait3A_145 = tpu.memref_slice %arg16[%add3A_24] : memref<10240xf32, #tpu.memory_space<vmem_shared>> -> memref<128xf32, #tpu.memory_space<vmem_shared>>
      %dma_wait3A_146 = tpu.memref_slice %arg16[%add3A_24] : memref<10240xf32, #tpu.memory_space<vmem_shared>> -> memref<128xf32, #tpu.memory_space<vmem_shared>>
      %dma_wait3A_147 = arith.constant 0 : i32
      %dma_wait3A_148 = tpu.memref_slice %arg14[%run_scoped3A_25, %dma_wait3A_147] : memref<128x128xf32, #tpu.memory_space<vmem>> -> memref<1x128xf32, #tpu.memory_space<vmem>>
      %dma_wait3A_149 = tpu.memref_squeeze %dma_wait3A_148 : memref<1x128xf32, #tpu.memory_space<vmem>> -> memref<128xf32, #tpu.memory_space<vmem>>
      tpu.wait_dma2 semaphore(%run_scoped3A_133 : memref<!tpu.dma_semaphore, #tpu.memory_space<semaphore_mem>>) src(%dma_wait3A_149 : memref<128xf32, #tpu.memory_space<vmem>>) dst(%dma_wait3A_146 : memref<128xf32, #tpu.memory_space<vmem_shared>>)
      tpu.yield
    }) : () -> ()
    %mul3A_26 = arith.constant 640 : i32
    %mul3A_27 = arith.muli %arg1, %mul3A_26 : i32
    %add3A_28 = arith.constant 512 : i32
    %add3A_29 = arith.addi %mul3A_27, %add3A_28 : i32
    "tpu.region"() ({
      %run_scoped3A_133 = tpu.sem_alloc : memref<!tpu.dma_semaphore, #tpu.memory_space<semaphore_mem>>
      %dma_start3A_134 = arith.constant 0 : i32
      %dma_start3A_135 = tpu.memref_slice %arg15[%add3A_29, %dma_start3A_134] : memref<10240x128xf32, #tpu.memory_space<vmem_shared>> -> memref<128x128xf32, #tpu.memory_space<vmem_shared>>
      %dma_start3A_136 = arith.constant 0 : i32
      %dma_start3A_137 = tpu.memref_slice %arg15[%add3A_29, %dma_start3A_136] : memref<10240x128xf32, #tpu.memory_space<vmem_shared>> -> memref<128x128xf32, #tpu.memory_space<vmem_shared>>
      tpu.enqueue_dma source(%arg14 : memref<128x128xf32, #tpu.memory_space<vmem>>) target(%dma_start3A_137 : memref<128x128xf32, #tpu.memory_space<vmem_shared>>) target_semaphore(%run_scoped3A_133 : memref<!tpu.dma_semaphore, #tpu.memory_space<semaphore_mem>>)
      %dma_wait3A_138 = arith.constant 0 : i32
      %dma_wait3A_139 = tpu.memref_slice %arg15[%add3A_29, %dma_wait3A_138] : memref<10240x128xf32, #tpu.memory_space<vmem_shared>> -> memref<128x128xf32, #tpu.memory_space<vmem_shared>>
      %dma_wait3A_140 = arith.constant 0 : i32
      %dma_wait3A_141 = tpu.memref_slice %arg15[%add3A_29, %dma_wait3A_140] : memref<10240x128xf32, #tpu.memory_space<vmem_shared>> -> memref<128x128xf32, #tpu.memory_space<vmem_shared>>
      tpu.wait_dma2 semaphore(%run_scoped3A_133 : memref<!tpu.dma_semaphore, #tpu.memory_space<semaphore_mem>>) src(%arg14 : memref<128x128xf32, #tpu.memory_space<vmem>>) dst(%dma_wait3A_141 : memref<128x128xf32, #tpu.memory_space<vmem_shared>>)
      tpu.yield
    }) : () -> ()
    %run_scoped3A_30 = arith.constant 0 : i32
    "tpu.region"() ({
      %run_scoped3A_133 = tpu.sem_alloc : memref<!tpu.dma_semaphore, #tpu.memory_space<semaphore_mem>>
      %dma_start3A_134 = arith.constant 0 : i32
      %dma_start3A_135 = tpu.memref_slice %arg14[%run_scoped3A_30, %dma_start3A_134] : memref<128x128xf32, #tpu.memory_space<vmem>> -> memref<1x128xf32, #tpu.memory_space<vmem>>
      %dma_start3A_136 = tpu.memref_squeeze %dma_start3A_135 : memref<1x128xf32, #tpu.memory_space<vmem>> -> memref<128xf32, #tpu.memory_space<vmem>>
      %dma_start3A_137 = tpu.memref_slice %arg16[%add3A_29] : memref<10240xf32, #tpu.memory_space<vmem_shared>> -> memref<128xf32, #tpu.memory_space<vmem_shared>>
      %dma_start3A_138 = tpu.memref_slice %arg16[%add3A_29] : memref<10240xf32, #tpu.memory_space<vmem_shared>> -> memref<128xf32, #tpu.memory_space<vmem_shared>>
      %dma_start3A_139 = arith.constant 0 : i32
      %dma_start3A_140 = tpu.memref_slice %arg14[%run_scoped3A_30, %dma_start3A_139] : memref<128x128xf32, #tpu.memory_space<vmem>> -> memref<1x128xf32, #tpu.memory_space<vmem>>
      %dma_start3A_141 = tpu.memref_squeeze %dma_start3A_140 : memref<1x128xf32, #tpu.memory_space<vmem>> -> memref<128xf32, #tpu.memory_space<vmem>>
      tpu.enqueue_dma source(%dma_start3A_141 : memref<128xf32, #tpu.memory_space<vmem>>) target(%dma_start3A_138 : memref<128xf32, #tpu.memory_space<vmem_shared>>) target_semaphore(%run_scoped3A_133 : memref<!tpu.dma_semaphore, #tpu.memory_space<semaphore_mem>>)
      %dma_wait3A_142 = arith.constant 0 : i32
      %dma_wait3A_143 = tpu.memref_slice %arg14[%run_scoped3A_30, %dma_wait3A_142] : memref<128x128xf32, #tpu.memory_space<vmem>> -> memref<1x128xf32, #tpu.memory_space<vmem>>
      %dma_wait3A_144 = tpu.memref_squeeze %dma_wait3A_143 : memref<1x128xf32, #tpu.memory_space<vmem>> -> memref<128xf32, #tpu.memory_space<vmem>>
      %dma_wait3A_145 = tpu.memref_slice %arg16[%add3A_29] : memref<10240xf32, #tpu.memory_space<vmem_shared>> -> memref<128xf32, #tpu.memory_space<vmem_shared>>
      %dma_wait3A_146 = tpu.memref_slice %arg16[%add3A_29] : memref<10240xf32, #tpu.memory_space<vmem_shared>> -> memref<128xf32, #tpu.memory_space<vmem_shared>>
      %dma_wait3A_147 = arith.constant 0 : i32
      %dma_wait3A_148 = tpu.memref_slice %arg14[%run_scoped3A_30, %dma_wait3A_147] : memref<128x128xf32, #tpu.memory_space<vmem>> -> memref<1x128xf32, #tpu.memory_space<vmem>>
      %dma_wait3A_149 = tpu.memref_squeeze %dma_wait3A_148 : memref<1x128xf32, #tpu.memory_space<vmem>> -> memref<128xf32, #tpu.memory_space<vmem>>
      tpu.wait_dma2 semaphore(%run_scoped3A_133 : memref<!tpu.dma_semaphore, #tpu.memory_space<semaphore_mem>>) src(%dma_wait3A_149 : memref<128xf32, #tpu.memory_space<vmem>>) dst(%dma_wait3A_146 : memref<128xf32, #tpu.memory_space<vmem_shared>>)
      tpu.yield
    }) : () -> ()
    %barrier3A = arith.constant 0 : index
    tpu.barrier barrier_id(%barrier3A)
    %mul3A_31 = arith.constant 10496 : i32
    %mul3A_32 = arith.muli %add3A, %mul3A_31 : i32
    %broadcast_in_dim3A_33 = arith.constant -65536 : i32
    %broadcast_in_dim3A_34 = vector.broadcast %broadcast_in_dim3A_33 : i32 to vector<16xi32>
    %run_scoped3A_35 = arith.constant 0 : i32
    %run_scoped3A_36 = arith.constant 0 : i32
    "tpu.region"() ({
      %run_scoped3A_133 = tpu.sem_alloc : memref<!tpu.dma_semaphore, #tpu.memory_space<semaphore_mem>>
      %dma_start3A_134 = arith.constant 0 : i32
      %dma_start3A_135 = arith.constant 0 : i32
      %dma_start3A_136 = tpu.memref_slice %arg8[%run_scoped3A_36, %dma_start3A_134, %dma_start3A_135] : memref<2x2x128xi32, #tpu.memory_space<vmem>> -> memref<1x2x128xi32, #tpu.memory_space<vmem>>
      %dma_start3A_137 = tpu.memref_squeeze %dma_start3A_136 : memref<1x2x128xi32, #tpu.memory_space<vmem>> -> memref<2x128xi32, #tpu.memory_space<vmem>>
      %dma_start3A_138 = arith.constant 0 : i32
      %dma_start3A_139 = arith.constant 0 : i32
      %dma_start3A_140 = tpu.memref_slice %arg5[%add3A, %run_scoped3A_35, %dma_start3A_138, %dma_start3A_139] : memref<32x82x2x128xi32, #tpu.memory_space<hbm>> -> memref<1x1x2x128xi32, #tpu.memory_space<hbm>>
      %dma_start3A_141 = tpu.memref_squeeze %dma_start3A_140 : memref<1x1x2x128xi32, #tpu.memory_space<hbm>> -> memref<2x128xi32, #tpu.memory_space<hbm>>
      %dma_start3A_142 = arith.constant 0 : i32
      %dma_start3A_143 = arith.constant 0 : i32
      %dma_start3A_144 = tpu.memref_slice %arg8[%run_scoped3A_36, %dma_start3A_142, %dma_start3A_143] : memref<2x2x128xi32, #tpu.memory_space<vmem>> -> memref<1x2x128xi32, #tpu.memory_space<vmem>>
      %dma_start3A_145 = tpu.memref_squeeze %dma_start3A_144 : memref<1x2x128xi32, #tpu.memory_space<vmem>> -> memref<2x128xi32, #tpu.memory_space<vmem>>
      %dma_start3A_146 = arith.constant 0 : i32
      %dma_start3A_147 = arith.constant 0 : i32
      %dma_start3A_148 = tpu.memref_slice %arg5[%add3A, %run_scoped3A_35, %dma_start3A_146, %dma_start3A_147] : memref<32x82x2x128xi32, #tpu.memory_space<hbm>> -> memref<1x1x2x128xi32, #tpu.memory_space<hbm>>
      %dma_start3A_149 = tpu.memref_squeeze %dma_start3A_148 : memref<1x1x2x128xi32, #tpu.memory_space<hbm>> -> memref<2x128xi32, #tpu.memory_space<hbm>>
      tpu.enqueue_dma source(%dma_start3A_149 : memref<2x128xi32, #tpu.memory_space<hbm>>) target(%dma_start3A_145 : memref<2x128xi32, #tpu.memory_space<vmem>>) target_semaphore(%run_scoped3A_133 : memref<!tpu.dma_semaphore, #tpu.memory_space<semaphore_mem>>)
      %dma_wait3A_150 = arith.constant 0 : i32
      %dma_wait3A_151 = arith.constant 0 : i32
      %dma_wait3A_152 = tpu.memref_slice %arg8[%run_scoped3A_36, %dma_wait3A_150, %dma_wait3A_151] : memref<2x2x128xi32, #tpu.memory_space<vmem>> -> memref<1x2x128xi32, #tpu.memory_space<vmem>>
      %dma_wait3A_153 = tpu.memref_squeeze %dma_wait3A_152 : memref<1x2x128xi32, #tpu.memory_space<vmem>> -> memref<2x128xi32, #tpu.memory_space<vmem>>
      %dma_wait3A_154 = arith.constant 0 : i32
      %dma_wait3A_155 = arith.constant 0 : i32
      %dma_wait3A_156 = tpu.memref_slice %arg5[%add3A, %run_scoped3A_35, %dma_wait3A_154, %dma_wait3A_155] : memref<32x82x2x128xi32, #tpu.memory_space<hbm>> -> memref<1x1x2x128xi32, #tpu.memory_space<hbm>>
      %dma_wait3A_157 = tpu.memref_squeeze %dma_wait3A_156 : memref<1x1x2x128xi32, #tpu.memory_space<hbm>> -> memref<2x128xi32, #tpu.memory_space<hbm>>
      %dma_wait3A_158 = arith.constant 0 : i32
      %dma_wait3A_159 = arith.constant 0 : i32
      %dma_wait3A_160 = tpu.memref_slice %arg8[%run_scoped3A_36, %dma_wait3A_158, %dma_wait3A_159] : memref<2x2x128xi32, #tpu.memory_space<vmem>> -> memref<1x2x128xi32, #tpu.memory_space<vmem>>
      %dma_wait3A_161 = tpu.memref_squeeze %dma_wait3A_160 : memref<1x2x128xi32, #tpu.memory_space<vmem>> -> memref<2x128xi32, #tpu.memory_space<vmem>>
      %dma_wait3A_162 = arith.constant 0 : i32
      %dma_wait3A_163 = arith.constant 0 : i32
      %dma_wait3A_164 = tpu.memref_slice %arg5[%add3A, %run_scoped3A_35, %dma_wait3A_162, %dma_wait3A_163] : memref<32x82x2x128xi32, #tpu.memory_space<hbm>> -> memref<1x1x2x128xi32, #tpu.memory_space<hbm>>
      %dma_wait3A_165 = tpu.memref_squeeze %dma_wait3A_164 : memref<1x1x2x128xi32, #tpu.memory_space<hbm>> -> memref<2x128xi32, #tpu.memory_space<hbm>>
      tpu.wait_dma2 semaphore(%run_scoped3A_133 : memref<!tpu.dma_semaphore, #tpu.memory_space<semaphore_mem>>) src(%dma_wait3A_165 : memref<2x128xi32, #tpu.memory_space<hbm>>) dst(%dma_wait3A_161 : memref<2x128xi32, #tpu.memory_space<vmem>>)
      tpu.yield
    }) : () -> ()
    %dma_start3A = arith.constant 0 : i32
    %dma_start3A_37 = arith.constant 0 : i32
    %dma_start3A_38 = arith.constant 0 : i32
    %dma_start3A_39 = arith.constant 0 : i32
    %dma_start3A_40 = tpu.memref_slice %arg10[%dma_start3A_38, %dma_start3A_39] : memref<2x128xf32, #tpu.memory_space<vmem>> -> memref<1x128xf32, #tpu.memory_space<vmem>>
    %dma_start3A_41 = tpu.memref_squeeze %dma_start3A_40 : memref<1x128xf32, #tpu.memory_space<vmem>> -> memref<128xf32, #tpu.memory_space<vmem>>
    %dma_start3A_42 = arith.constant 0 : i32
    %dma_start3A_43 = tpu.memref_slice %arg8[%dma_start3A, %dma_start3A_37, %dma_start3A_42] : memref<2x2x128xi32, #tpu.memory_space<vmem>> -> memref<1x1x128xi32, #tpu.memory_space<vmem>>
    %dma_start3A_44 = tpu.memref_squeeze %dma_start3A_43 : memref<1x1x128xi32, #tpu.memory_space<vmem>> -> memref<128xi32, #tpu.memory_space<vmem>>
    %dma_start3A_45 = arith.constant 0 : i32
    %dma_start3A_46 = tpu.memref_slice %arg3[%dma_start3A_45] : memref<10240xf32, #tpu.memory_space<hbm>> -> memref<10240xf32, #tpu.memory_space<hbm>>
    tpu.enqueue_indirect_dma source(%dma_start3A_46 : memref<10240xf32, #tpu.memory_space<hbm>>) target(%dma_start3A_41 : memref<128xf32, #tpu.memory_space<vmem>>) offsets(%dma_start3A_44 : memref<128xi32, #tpu.memory_space<vmem>>) semaphore(%arg17 : memref<!tpu.dma_semaphore, #tpu.memory_space<semaphore_mem>>)
    %dma_start3A_47 = arith.constant 0 : i32
    %dma_start3A_48 = arith.constant 1 : i32
    %dma_start3A_49 = arith.constant 0 : i32
    %dma_start3A_50 = arith.constant 0 : i32
    %dma_start3A_51 = tpu.memref_slice %arg11[%dma_start3A_49, %dma_start3A_50] : memref<2x128xf32, #tpu.memory_space<vmem>> -> memref<1x128xf32, #tpu.memory_space<vmem>>
    %dma_start3A_52 = tpu.memref_squeeze %dma_start3A_51 : memref<1x128xf32, #tpu.memory_space<vmem>> -> memref<128xf32, #tpu.memory_space<vmem>>
    %dma_start3A_53 = arith.constant 0 : i32
    %dma_start3A_54 = tpu.memref_slice %arg8[%dma_start3A_47, %dma_start3A_48, %dma_start3A_53] : memref<2x2x128xi32, #tpu.memory_space<vmem>> -> memref<1x1x128xi32, #tpu.memory_space<vmem>>
    %dma_start3A_55 = tpu.memref_squeeze %dma_start3A_54 : memref<1x1x128xi32, #tpu.memory_space<vmem>> -> memref<128xi32, #tpu.memory_space<vmem>>
    %dma_start3A_56 = arith.constant 0 : i32
    %dma_start3A_57 = tpu.memref_slice %arg4[%dma_start3A_56] : memref<10240xf32, #tpu.memory_space<hbm>> -> memref<10240xf32, #tpu.memory_space<hbm>>
    tpu.enqueue_indirect_dma source(%dma_start3A_57 : memref<10240xf32, #tpu.memory_space<hbm>>) target(%dma_start3A_52 : memref<128xf32, #tpu.memory_space<vmem>>) offsets(%dma_start3A_55 : memref<128xi32, #tpu.memory_space<vmem>>) semaphore(%arg19 : memref<!tpu.dma_semaphore, #tpu.memory_space<semaphore_mem>>)
    %dma_start3A_58 = arith.constant 0 : i32
    %dma_start3A_59 = arith.constant 0 : i32
    %dma_start3A_60 = arith.constant 0 : i32
    %dma_start3A_61 = arith.constant 0 : i32
    %dma_start3A_62 = arith.constant 0 : i32
    %dma_start3A_63 = tpu.memref_slice %arg13[%dma_start3A_60, %dma_start3A_61, %dma_start3A_62] : memref<2x128x64xi32, #tpu.memory_space<vmem>> -> memref<1x128x64xi32, #tpu.memory_space<vmem>>
    %dma_start3A_64 = tpu.memref_squeeze %dma_start3A_63 : memref<1x128x64xi32, #tpu.memory_space<vmem>> -> memref<128x64xi32, #tpu.memory_space<vmem>>
    %dma_start3A_65 = arith.constant 0 : i32
    %dma_start3A_66 = tpu.memref_slice %arg8[%dma_start3A_58, %dma_start3A_59, %dma_start3A_65] : memref<2x2x128xi32, #tpu.memory_space<vmem>> -> memref<1x1x128xi32, #tpu.memory_space<vmem>>
    %dma_start3A_67 = tpu.memref_squeeze %dma_start3A_66 : memref<1x1x128xi32, #tpu.memory_space<vmem>> -> memref<128xi32, #tpu.memory_space<vmem>>
    %dma_start3A_68 = arith.constant 0 : i32
    %dma_start3A_69 = arith.constant 0 : i32
    %dma_start3A_70 = tpu.memref_slice %arg2[%dma_start3A_68, %dma_start3A_69] : memref<10240x64xi32, #tpu.memory_space<hbm>> -> memref<10240x64xi32, #tpu.memory_space<hbm>>
    tpu.enqueue_indirect_dma source(%dma_start3A_70 : memref<10240x64xi32, #tpu.memory_space<hbm>>) target(%dma_start3A_64 : memref<128x64xi32, #tpu.memory_space<vmem>>) offsets(%dma_start3A_67 : memref<128xi32, #tpu.memory_space<vmem>>) semaphore(%arg21 : memref<!tpu.dma_semaphore, #tpu.memory_space<semaphore_mem>>)
    %scan3A_71 = arith.constant 0 : i32
    %scan3A_72 = arith.constant 0 : i32
    %scan3A_73 = arith.constant 41 : i32
    %scan3A_74 = arith.addi %scan3A_72, %scan3A_73 : i32
    %scan3A_75 = arith.constant 1 : i32
    scf.for %scan3A_133 = %scan3A_72 to %scan3A_74 step %scan3A_75  : i32 {
      %mul3A_134 = arith.constant 2 : i32
      %mul3A_135 = arith.muli %mul3A_134, %scan3A_133 : i32
      %add3A_136 = arith.constant 1 : i32
      %add3A_137 = arith.addi %mul3A_135, %add3A_136 : i32
      %run_scoped3A_138 = arith.constant 1 : i32
      "tpu.region"() ({
        %run_scoped3A_1027 = tpu.sem_alloc : memref<!tpu.dma_semaphore, #tpu.memory_space<semaphore_mem>>
        %dma_start3A_1028 = arith.constant 0 : i32
        %dma_start3A_1029 = arith.constant 0 : i32
        %dma_start3A_1030 = tpu.memref_slice %arg8[%run_scoped3A_138, %dma_start3A_1028, %dma_start3A_1029] : memref<2x2x128xi32, #tpu.memory_space<vmem>> -> memref<1x2x128xi32, #tpu.memory_space<vmem>>
        %dma_start3A_1031 = tpu.memref_squeeze %dma_start3A_1030 : memref<1x2x128xi32, #tpu.memory_space<vmem>> -> memref<2x128xi32, #tpu.memory_space<vmem>>
        %dma_start3A_1032 = arith.constant 0 : i32
        %dma_start3A_1033 = arith.constant 0 : i32
        %dma_start3A_1034 = tpu.memref_slice %arg5[%add3A, %add3A_137, %dma_start3A_1032, %dma_start3A_1033] : memref<32x82x2x128xi32, #tpu.memory_space<hbm>> -> memref<1x1x2x128xi32, #tpu.memory_space<hbm>>
        %dma_start3A_1035 = tpu.memref_squeeze %dma_start3A_1034 : memref<1x1x2x128xi32, #tpu.memory_space<hbm>> -> memref<2x128xi32, #tpu.memory_space<hbm>>
        %dma_start3A_1036 = arith.constant 0 : i32
        %dma_start3A_1037 = arith.constant 0 : i32
        %dma_start3A_1038 = tpu.memref_slice %arg8[%run_scoped3A_138, %dma_start3A_1036, %dma_start3A_1037] : memref<2x2x128xi32, #tpu.memory_space<vmem>> -> memref<1x2x128xi32, #tpu.memory_space<vmem>>
        %dma_start3A_1039 = tpu.memref_squeeze %dma_start3A_1038 : memref<1x2x128xi32, #tpu.memory_space<vmem>> -> memref<2x128xi32, #tpu.memory_space<vmem>>
        %dma_start3A_1040 = arith.constant 0 : i32
        %dma_start3A_1041 = arith.constant 0 : i32
        %dma_start3A_1042 = tpu.memref_slice %arg5[%add3A, %add3A_137, %dma_start3A_1040, %dma_start3A_1041] : memref<32x82x2x128xi32, #tpu.memory_space<hbm>> -> memref<1x1x2x128xi32, #tpu.memory_space<hbm>>
        %dma_start3A_1043 = tpu.memref_squeeze %dma_start3A_1042 : memref<1x1x2x128xi32, #tpu.memory_space<hbm>> -> memref<2x128xi32, #tpu.memory_space<hbm>>
        tpu.enqueue_dma source(%dma_start3A_1043 : memref<2x128xi32, #tpu.memory_space<hbm>>) target(%dma_start3A_1039 : memref<2x128xi32, #tpu.memory_space<vmem>>) target_semaphore(%run_scoped3A_1027 : memref<!tpu.dma_semaphore, #tpu.memory_space<semaphore_mem>>)
        %dma_wait3A_1044 = arith.constant 0 : i32
        %dma_wait3A_1045 = arith.constant 0 : i32
        %dma_wait3A_1046 = tpu.memref_slice %arg8[%run_scoped3A_138, %dma_wait3A_1044, %dma_wait3A_1045] : memref<2x2x128xi32, #tpu.memory_space<vmem>> -> memref<1x2x128xi32, #tpu.memory_space<vmem>>
        %dma_wait3A_1047 = tpu.memref_squeeze %dma_wait3A_1046 : memref<1x2x128xi32, #tpu.memory_space<vmem>> -> memref<2x128xi32, #tpu.memory_space<vmem>>
        %dma_wait3A_1048 = arith.constant 0 : i32
        %dma_wait3A_1049 = arith.constant 0 : i32
        %dma_wait3A_1050 = tpu.memref_slice %arg5[%add3A, %add3A_137, %dma_wait3A_1048, %dma_wait3A_1049] : memref<32x82x2x128xi32, #tpu.memory_space<hbm>> -> memref<1x1x2x128xi32, #tpu.memory_space<hbm>>
        %dma_wait3A_1051 = tpu.memref_squeeze %dma_wait3A_1050 : memref<1x1x2x128xi32, #tpu.memory_space<hbm>> -> memref<2x128xi32, #tpu.memory_space<hbm>>
        %dma_wait3A_1052 = arith.constant 0 : i32
        %dma_wait3A_1053 = arith.constant 0 : i32
        %dma_wait3A_1054 = tpu.memref_slice %arg8[%run_scoped3A_138, %dma_wait3A_1052, %dma_wait3A_1053] : memref<2x2x128xi32, #tpu.memory_space<vmem>> -> memref<1x2x128xi32, #tpu.memory_space<vmem>>
        %dma_wait3A_1055 = tpu.memref_squeeze %dma_wait3A_1054 : memref<1x2x128xi32, #tpu.memory_space<vmem>> -> memref<2x128xi32, #tpu.memory_space<vmem>>
        %dma_wait3A_1056 = arith.constant 0 : i32
        %dma_wait3A_1057 = arith.constant 0 : i32
        %dma_wait3A_1058 = tpu.memref_slice %arg5[%add3A, %add3A_137, %dma_wait3A_1056, %dma_wait3A_1057] : memref<32x82x2x128xi32, #tpu.memory_space<hbm>> -> memref<1x1x2x128xi32, #tpu.memory_space<hbm>>
        %dma_wait3A_1059 = tpu.memref_squeeze %dma_wait3A_1058 : memref<1x1x2x128xi32, #tpu.memory_space<hbm>> -> memref<2x128xi32, #tpu.memory_space<hbm>>
        tpu.wait_dma2 semaphore(%run_scoped3A_1027 : memref<!tpu.dma_semaphore, #tpu.memory_space<semaphore_mem>>) src(%dma_wait3A_1059 : memref<2x128xi32, #tpu.memory_space<hbm>>) dst(%dma_wait3A_1055 : memref<2x128xi32, #tpu.memory_space<vmem>>)
        tpu.yield
      }) : () -> ()
      %dma_start3A_139 = arith.constant 1 : i32
      %dma_start3A_140 = arith.constant 0 : i32
      %dma_start3A_141 = arith.constant 1 : i32
      %dma_start3A_142 = arith.constant 0 : i32
      %dma_start3A_143 = tpu.memref_slice %arg10[%dma_start3A_141, %dma_start3A_142] : memref<2x128xf32, #tpu.memory_space<vmem>> -> memref<1x128xf32, #tpu.memory_space<vmem>>
      %dma_start3A_144 = tpu.memref_squeeze %dma_start3A_143 : memref<1x128xf32, #tpu.memory_space<vmem>> -> memref<128xf32, #tpu.memory_space<vmem>>
      %dma_start3A_145 = arith.constant 0 : i32
      %dma_start3A_146 = tpu.memref_slice %arg8[%dma_start3A_139, %dma_start3A_140, %dma_start3A_145] : memref<2x2x128xi32, #tpu.memory_space<vmem>> -> memref<1x1x128xi32, #tpu.memory_space<vmem>>
      %dma_start3A_147 = tpu.memref_squeeze %dma_start3A_146 : memref<1x1x128xi32, #tpu.memory_space<vmem>> -> memref<128xi32, #tpu.memory_space<vmem>>
      %dma_start3A_148 = arith.constant 0 : i32
      %dma_start3A_149 = tpu.memref_slice %arg3[%dma_start3A_148] : memref<10240xf32, #tpu.memory_space<hbm>> -> memref<10240xf32, #tpu.memory_space<hbm>>
      tpu.enqueue_indirect_dma source(%dma_start3A_149 : memref<10240xf32, #tpu.memory_space<hbm>>) target(%dma_start3A_144 : memref<128xf32, #tpu.memory_space<vmem>>) offsets(%dma_start3A_147 : memref<128xi32, #tpu.memory_space<vmem>>) semaphore(%arg18 : memref<!tpu.dma_semaphore, #tpu.memory_space<semaphore_mem>>)
      %dma_start3A_150 = arith.constant 1 : i32
      %dma_start3A_151 = arith.constant 1 : i32
      %dma_start3A_152 = arith.constant 1 : i32
      %dma_start3A_153 = arith.constant 0 : i32
      %dma_start3A_154 = tpu.memref_slice %arg11[%dma_start3A_152, %dma_start3A_153] : memref<2x128xf32, #tpu.memory_space<vmem>> -> memref<1x128xf32, #tpu.memory_space<vmem>>
      %dma_start3A_155 = tpu.memref_squeeze %dma_start3A_154 : memref<1x128xf32, #tpu.memory_space<vmem>> -> memref<128xf32, #tpu.memory_space<vmem>>
      %dma_start3A_156 = arith.constant 0 : i32
      %dma_start3A_157 = tpu.memref_slice %arg8[%dma_start3A_150, %dma_start3A_151, %dma_start3A_156] : memref<2x2x128xi32, #tpu.memory_space<vmem>> -> memref<1x1x128xi32, #tpu.memory_space<vmem>>
      %dma_start3A_158 = tpu.memref_squeeze %dma_start3A_157 : memref<1x1x128xi32, #tpu.memory_space<vmem>> -> memref<128xi32, #tpu.memory_space<vmem>>
      %dma_start3A_159 = arith.constant 0 : i32
      %dma_start3A_160 = tpu.memref_slice %arg4[%dma_start3A_159] : memref<10240xf32, #tpu.memory_space<hbm>> -> memref<10240xf32, #tpu.memory_space<hbm>>
      tpu.enqueue_indirect_dma source(%dma_start3A_160 : memref<10240xf32, #tpu.memory_space<hbm>>) target(%dma_start3A_155 : memref<128xf32, #tpu.memory_space<vmem>>) offsets(%dma_start3A_158 : memref<128xi32, #tpu.memory_space<vmem>>) semaphore(%arg20 : memref<!tpu.dma_semaphore, #tpu.memory_space<semaphore_mem>>)
      %dma_start3A_161 = arith.constant 1 : i32
      %dma_start3A_162 = arith.constant 0 : i32
      %dma_start3A_163 = arith.constant 1 : i32
      %dma_start3A_164 = arith.constant 0 : i32
      %dma_start3A_165 = arith.constant 0 : i32
      %dma_start3A_166 = tpu.memref_slice %arg13[%dma_start3A_163, %dma_start3A_164, %dma_start3A_165] : memref<2x128x64xi32, #tpu.memory_space<vmem>> -> memref<1x128x64xi32, #tpu.memory_space<vmem>>
      %dma_start3A_167 = tpu.memref_squeeze %dma_start3A_166 : memref<1x128x64xi32, #tpu.memory_space<vmem>> -> memref<128x64xi32, #tpu.memory_space<vmem>>
      %dma_start3A_168 = arith.constant 0 : i32
      %dma_start3A_169 = tpu.memref_slice %arg8[%dma_start3A_161, %dma_start3A_162, %dma_start3A_168] : memref<2x2x128xi32, #tpu.memory_space<vmem>> -> memref<1x1x128xi32, #tpu.memory_space<vmem>>
      %dma_start3A_170 = tpu.memref_squeeze %dma_start3A_169 : memref<1x1x128xi32, #tpu.memory_space<vmem>> -> memref<128xi32, #tpu.memory_space<vmem>>
      %dma_start3A_171 = arith.constant 0 : i32
      %dma_start3A_172 = arith.constant 0 : i32
      %dma_start3A_173 = tpu.memref_slice %arg2[%dma_start3A_171, %dma_start3A_172] : memref<10240x64xi32, #tpu.memory_space<hbm>> -> memref<10240x64xi32, #tpu.memory_space<hbm>>
      tpu.enqueue_indirect_dma source(%dma_start3A_173 : memref<10240x64xi32, #tpu.memory_space<hbm>>) target(%dma_start3A_167 : memref<128x64xi32, #tpu.memory_space<vmem>>) offsets(%dma_start3A_170 : memref<128xi32, #tpu.memory_space<vmem>>) semaphore(%arg22 : memref<!tpu.dma_semaphore, #tpu.memory_space<semaphore_mem>>)
      %dma_wait3A_174 = arith.constant 0 : i32
      %dma_wait3A_175 = arith.constant 0 : i32
      %dma_wait3A_176 = arith.constant 0 : i32
      %dma_wait3A_177 = arith.constant 0 : i32
      %dma_wait3A_178 = tpu.memref_slice %arg10[%dma_wait3A_176, %dma_wait3A_177] : memref<2x128xf32, #tpu.memory_space<vmem>> -> memref<1x128xf32, #tpu.memory_space<vmem>>
      %dma_wait3A_179 = tpu.memref_squeeze %dma_wait3A_178 : memref<1x128xf32, #tpu.memory_space<vmem>> -> memref<128xf32, #tpu.memory_space<vmem>>
      %dma_wait3A_180 = arith.constant 0 : i32
      %dma_wait3A_181 = tpu.memref_slice %arg8[%dma_wait3A_174, %dma_wait3A_175, %dma_wait3A_180] : memref<2x2x128xi32, #tpu.memory_space<vmem>> -> memref<1x1x128xi32, #tpu.memory_space<vmem>>
      %dma_wait3A_182 = tpu.memref_squeeze %dma_wait3A_181 : memref<1x1x128xi32, #tpu.memory_space<vmem>> -> memref<128xi32, #tpu.memory_space<vmem>>
      %dma_wait3A_183 = arith.constant 0 : i32
      %dma_wait3A_184 = tpu.memref_slice %arg3[%dma_wait3A_183] : memref<10240xf32, #tpu.memory_space<hbm>> -> memref<10240xf32, #tpu.memory_space<hbm>>
      tpu.wait_indirect_dma semaphore(%arg17 : memref<!tpu.dma_semaphore, #tpu.memory_space<semaphore_mem>>) src(%dma_wait3A_184 : memref<10240xf32, #tpu.memory_space<hbm>>) dst(%dma_wait3A_179 : memref<128xf32, #tpu.memory_space<vmem>>)
      %dma_wait3A_185 = arith.constant 0 : i32
      %dma_wait3A_186 = arith.constant 1 : i32
      %dma_wait3A_187 = arith.constant 0 : i32
      %dma_wait3A_188 = arith.constant 0 : i32
      %dma_wait3A_189 = tpu.memref_slice %arg11[%dma_wait3A_187, %dma_wait3A_188] : memref<2x128xf32, #tpu.memory_space<vmem>> -> memref<1x128xf32, #tpu.memory_space<vmem>>
      %dma_wait3A_190 = tpu.memref_squeeze %dma_wait3A_189 : memref<1x128xf32, #tpu.memory_space<vmem>> -> memref<128xf32, #tpu.memory_space<vmem>>
      %dma_wait3A_191 = arith.constant 0 : i32
      %dma_wait3A_192 = tpu.memref_slice %arg8[%dma_wait3A_185, %dma_wait3A_186, %dma_wait3A_191] : memref<2x2x128xi32, #tpu.memory_space<vmem>> -> memref<1x1x128xi32, #tpu.memory_space<vmem>>
      %dma_wait3A_193 = tpu.memref_squeeze %dma_wait3A_192 : memref<1x1x128xi32, #tpu.memory_space<vmem>> -> memref<128xi32, #tpu.memory_space<vmem>>
      %dma_wait3A_194 = arith.constant 0 : i32
      %dma_wait3A_195 = tpu.memref_slice %arg4[%dma_wait3A_194] : memref<10240xf32, #tpu.memory_space<hbm>> -> memref<10240xf32, #tpu.memory_space<hbm>>
      tpu.wait_indirect_dma semaphore(%arg19 : memref<!tpu.dma_semaphore, #tpu.memory_space<semaphore_mem>>) src(%dma_wait3A_195 : memref<10240xf32, #tpu.memory_space<hbm>>) dst(%dma_wait3A_190 : memref<128xf32, #tpu.memory_space<vmem>>)
      %ge3A = arith.constant 2 : i32
      %ge3A_196 = arith.cmpi sge, %mul3A_135, %ge3A : i32
      %convert_element_type3A = arith.extui %ge3A_196 : i1 to i32
      %cond3A = arith.constant 0 : i32
      %cond3A_197 = arith.cmpi ne, %convert_element_type3A, %cond3A : i32
      scf.if %cond3A_197 {
        %dma_wait3A_1027 = arith.constant 0 : i32
        %dma_wait3A_1028 = arith.constant 0 : i32
        %dma_wait3A_1029 = tpu.memref_slice %arg12[%dma_wait3A_1027, %dma_wait3A_1028] : memref<2x128xf32, #tpu.memory_space<vmem>> -> memref<1x128xf32, #tpu.memory_space<vmem>>
        %dma_wait3A_1030 = tpu.memref_squeeze %dma_wait3A_1029 : memref<1x128xf32, #tpu.memory_space<vmem>> -> memref<128xf32, #tpu.memory_space<vmem>>
        %dma_wait3A_1031 = arith.constant 0 : i32
        %dma_wait3A_1032 = tpu.memref_slice %arg3[%dma_wait3A_1031] : memref<10240xf32, #tpu.memory_space<hbm>> -> memref<128xf32, #tpu.memory_space<hbm>>
        %dma_wait3A_1033 = arith.constant 0 : i32
        %dma_wait3A_1034 = tpu.memref_slice %arg12[%dma_wait3A_1027, %dma_wait3A_1033] : memref<2x128xf32, #tpu.memory_space<vmem>> -> memref<1x128xf32, #tpu.memory_space<vmem>>
        %dma_wait3A_1035 = tpu.memref_squeeze %dma_wait3A_1034 : memref<1x128xf32, #tpu.memory_space<vmem>> -> memref<128xf32, #tpu.memory_space<vmem>>
        %dma_wait3A_1036 = arith.constant 0 : i32
        %dma_wait3A_1037 = tpu.memref_slice %arg3[%dma_wait3A_1036] : memref<10240xf32, #tpu.memory_space<hbm>> -> memref<128xf32, #tpu.memory_space<hbm>>
        tpu.wait_dma2 semaphore(%arg23 : memref<!tpu.dma_semaphore, #tpu.memory_space<semaphore_mem>>) src(%dma_wait3A_1037 : memref<128xf32, #tpu.memory_space<hbm>>) dst(%dma_wait3A_1035 : memref<128xf32, #tpu.memory_space<vmem>>)
      } else {
      }
      %ge3A_198 = arith.constant 1 : i32
      %ge3A_199 = arith.cmpi sge, %mul3A_135, %ge3A_198 : i32
      %convert_element_type3A_200 = arith.extui %ge3A_199 : i1 to i32
      %cond3A_201 = arith.constant 0 : i32
      %cond3A_202 = arith.cmpi ne, %convert_element_type3A_200, %cond3A_201 : i32
      scf.if %cond3A_202 {
        %dma_wait3A_1027 = arith.constant 0 : i32
        %dma_wait3A_1028 = arith.constant 0 : i32
        %dma_wait3A_1029 = arith.constant 0 : i32
        %dma_wait3A_1030 = tpu.memref_slice %arg6[%dma_wait3A_1027, %dma_wait3A_1028, %dma_wait3A_1029] : memref<2x10240x128xf32, #tpu.memory_space<hbm>> -> memref<1x128x128xf32, #tpu.memory_space<hbm>>
        %dma_wait3A_1031 = tpu.memref_squeeze %dma_wait3A_1030 : memref<1x128x128xf32, #tpu.memory_space<hbm>> -> memref<128x128xf32, #tpu.memory_space<hbm>>
        %dma_wait3A_1032 = arith.constant 0 : i32
        %dma_wait3A_1033 = arith.constant 0 : i32
        %dma_wait3A_1034 = tpu.memref_slice %arg6[%dma_wait3A_1027, %dma_wait3A_1032, %dma_wait3A_1033] : memref<2x10240x128xf32, #tpu.memory_space<hbm>> -> memref<1x128x128xf32, #tpu.memory_space<hbm>>
        %dma_wait3A_1035 = tpu.memref_squeeze %dma_wait3A_1034 : memref<1x128x128xf32, #tpu.memory_space<hbm>> -> memref<128x128xf32, #tpu.memory_space<hbm>>
        tpu.wait_dma2 semaphore(%arg25 : memref<!tpu.dma_semaphore, #tpu.memory_space<semaphore_mem>>) src(%dma_wait3A_1035 : memref<128x128xf32, #tpu.memory_space<hbm>>) dst(%arg14 : memref<128x128xf32, #tpu.memory_space<vmem>>)
      } else {
      }
      %get3A = arith.constant 0 : i32
      %get3A_203 = arith.constant 1 : i32
      %get3A_204 = arith.index_cast %get3A : i32 to index
      %get3A_205 = arith.index_cast %get3A_203 : i32 to index
      %get3A_206 = arith.constant 0 : index
      %get3A_207 = tpu.vector_load %arg8[%get3A_204, %get3A_205, %get3A_206] {strides = array<i32>} : memref<2x2x128xi32, #tpu.memory_space<vmem>>, vector<16xi32>,
      %swap3A = arith.constant 0 : i32
      %swap3A_208 = arith.index_cast %swap3A : i32 to index
      %swap3A_209 = arith.constant 0 : index
      %swap3A_210 = tpu.vector_load %arg9[%swap3A_208, %swap3A_209] {strides = array<i32>} : memref<2x128xi32, #tpu.memory_space<vmem>>, vector<16xi32>,
      tpu.vector_store %arg9[%swap3A_208, %swap3A_209], %get3A_207 {strides = array<i32>} : memref<2x128xi32, #tpu.memory_space<vmem>>, vector<16xi32>,
      %get3A_211 = arith.constant 0 : i32
      %get3A_212 = arith.constant 1 : i32
      %get3A_213 = arith.index_cast %get3A_211 : i32 to index
      %get3A_214 = arith.index_cast %get3A_212 : i32 to index
      %get3A_215 = arith.constant 16 : index
      %get3A_216 = tpu.vector_load %arg8[%get3A_213, %get3A_214, %get3A_215] {strides = array<i32>} : memref<2x2x128xi32, #tpu.memory_space<vmem>>, vector<16xi32>,
      %swap3A_217 = arith.constant 0 : i32
      %swap3A_218 = arith.index_cast %swap3A_217 : i32 to index
      %swap3A_219 = arith.constant 16 : index
      %swap3A_220 = tpu.vector_load %arg9[%swap3A_218, %swap3A_219] {strides = array<i32>} : memref<2x128xi32, #tpu.memory_space<vmem>>, vector<16xi32>,
      tpu.vector_store %arg9[%swap3A_218, %swap3A_219], %get3A_216 {strides = array<i32>} : memref<2x128xi32, #tpu.memory_space<vmem>>, vector<16xi32>,
      %get3A_221 = arith.constant 0 : i32
      %get3A_222 = arith.constant 1 : i32
      %get3A_223 = arith.index_cast %get3A_221 : i32 to index
      %get3A_224 = arith.index_cast %get3A_222 : i32 to index
      %get3A_225 = arith.constant 32 : index
      %get3A_226 = tpu.vector_load %arg8[%get3A_223, %get3A_224, %get3A_225] {strides = array<i32>} : memref<2x2x128xi32, #tpu.memory_space<vmem>>, vector<16xi32>,
      %swap3A_227 = arith.constant 0 : i32
      %swap3A_228 = arith.index_cast %swap3A_227 : i32 to index
      %swap3A_229 = arith.constant 32 : index
      %swap3A_230 = tpu.vector_load %arg9[%swap3A_228, %swap3A_229] {strides = array<i32>} : memref<2x128xi32, #tpu.memory_space<vmem>>, vector<16xi32>,
      tpu.vector_store %arg9[%swap3A_228, %swap3A_229], %get3A_226 {strides = array<i32>} : memref<2x128xi32, #tpu.memory_space<vmem>>, vector<16xi32>,
      %get3A_231 = arith.constant 0 : i32
      %get3A_232 = arith.constant 1 : i32
      %get3A_233 = arith.index_cast %get3A_231 : i32 to index
      %get3A_234 = arith.index_cast %get3A_232 : i32 to index
      %get3A_235 = arith.constant 48 : index
      %get3A_236 = tpu.vector_load %arg8[%get3A_233, %get3A_234, %get3A_235] {strides = array<i32>} : memref<2x2x128xi32, #tpu.memory_space<vmem>>, vector<16xi32>,
      %swap3A_237 = arith.constant 0 : i32
      %swap3A_238 = arith.index_cast %swap3A_237 : i32 to index
      %swap3A_239 = arith.constant 48 : index
      %swap3A_240 = tpu.vector_load %arg9[%swap3A_238, %swap3A_239] {strides = array<i32>} : memref<2x128xi32, #tpu.memory_space<vmem>>, vector<16xi32>,
      tpu.vector_store %arg9[%swap3A_238, %swap3A_239], %get3A_236 {strides = array<i32>} : memref<2x128xi32, #tpu.memory_space<vmem>>, vector<16xi32>,
      %get3A_241 = arith.constant 0 : i32
      %get3A_242 = arith.constant 1 : i32
      %get3A_243 = arith.index_cast %get3A_241 : i32 to index
      %get3A_244 = arith.index_cast %get3A_242 : i32 to index
      %get3A_245 = arith.constant 64 : index
      %get3A_246 = tpu.vector_load %arg8[%get3A_243, %get3A_244, %get3A_245] {strides = array<i32>} : memref<2x2x128xi32, #tpu.memory_space<vmem>>, vector<16xi32>,
      %swap3A_247 = arith.constant 0 : i32
      %swap3A_248 = arith.index_cast %swap3A_247 : i32 to index
      %swap3A_249 = arith.constant 64 : index
      %swap3A_250 = tpu.vector_load %arg9[%swap3A_248, %swap3A_249] {strides = array<i32>} : memref<2x128xi32, #tpu.memory_space<vmem>>, vector<16xi32>,
      tpu.vector_store %arg9[%swap3A_248, %swap3A_249], %get3A_246 {strides = array<i32>} : memref<2x128xi32, #tpu.memory_space<vmem>>, vector<16xi32>,
      %get3A_251 = arith.constant 0 : i32
      %get3A_252 = arith.constant 1 : i32
      %get3A_253 = arith.index_cast %get3A_251 : i32 to index
      %get3A_254 = arith.index_cast %get3A_252 : i32 to index
      %get3A_255 = arith.constant 80 : index
      %get3A_256 = tpu.vector_load %arg8[%get3A_253, %get3A_254, %get3A_255] {strides = array<i32>} : memref<2x2x128xi32, #tpu.memory_space<vmem>>, vector<16xi32>,
      %swap3A_257 = arith.constant 0 : i32
      %swap3A_258 = arith.index_cast %swap3A_257 : i32 to index
      %swap3A_259 = arith.constant 80 : index
      %swap3A_260 = tpu.vector_load %arg9[%swap3A_258, %swap3A_259] {strides = array<i32>} : memref<2x128xi32, #tpu.memory_space<vmem>>, vector<16xi32>,
      tpu.vector_store %arg9[%swap3A_258, %swap3A_259], %get3A_256 {strides = array<i32>} : memref<2x128xi32, #tpu.memory_space<vmem>>, vector<16xi32>,
      %get3A_261 = arith.constant 0 : i32
      %get3A_262 = arith.constant 1 : i32
      %get3A_263 = arith.index_cast %get3A_261 : i32 to index
      %get3A_264 = arith.index_cast %get3A_262 : i32 to index
      %get3A_265 = arith.constant 96 : index
      %get3A_266 = tpu.vector_load %arg8[%get3A_263, %get3A_264, %get3A_265] {strides = array<i32>} : memref<2x2x128xi32, #tpu.memory_space<vmem>>, vector<16xi32>,
      %swap3A_267 = arith.constant 0 : i32
      %swap3A_268 = arith.index_cast %swap3A_267 : i32 to index
      %swap3A_269 = arith.constant 96 : index
      %swap3A_270 = tpu.vector_load %arg9[%swap3A_268, %swap3A_269] {strides = array<i32>} : memref<2x128xi32, #tpu.memory_space<vmem>>, vector<16xi32>,
      tpu.vector_store %arg9[%swap3A_268, %swap3A_269], %get3A_266 {strides = array<i32>} : memref<2x128xi32, #tpu.memory_space<vmem>>, vector<16xi32>,
      %get3A_271 = arith.constant 0 : i32
      %get3A_272 = arith.constant 1 : i32
      %get3A_273 = arith.index_cast %get3A_271 : i32 to index
      %get3A_274 = arith.index_cast %get3A_272 : i32 to index
      %get3A_275 = arith.constant 112 : index
      %get3A_276 = tpu.vector_load %arg8[%get3A_273, %get3A_274, %get3A_275] {strides = array<i32>} : memref<2x2x128xi32, #tpu.memory_space<vmem>>, vector<16xi32>,
      %swap3A_277 = arith.constant 0 : i32
      %swap3A_278 = arith.index_cast %swap3A_277 : i32 to index
      %swap3A_279 = arith.constant 112 : index
      %swap3A_280 = tpu.vector_load %arg9[%swap3A_278, %swap3A_279] {strides = array<i32>} : memref<2x128xi32, #tpu.memory_space<vmem>>, vector<16xi32>,
      tpu.vector_store %arg9[%swap3A_278, %swap3A_279], %get3A_276 {strides = array<i32>} : memref<2x128xi32, #tpu.memory_space<vmem>>, vector<16xi32>,
      %get3A_281 = arith.constant 0 : i32
      %get3A_282 = arith.index_cast %get3A_281 : i32 to index
      %get3A_283 = arith.constant 0 : index
      %get3A_284 = tpu.vector_load %arg10[%get3A_282, %get3A_283] {strides = array<i32>} : memref<2x128xf32, #tpu.memory_space<vmem>>, vector<16xf32>,
      %get3A_285 = arith.constant 0 : i32
      %get3A_286 = arith.index_cast %get3A_285 : i32 to index
      %get3A_287 = arith.constant 0 : index
      %get3A_288 = tpu.vector_load %arg11[%get3A_286, %get3A_287] {strides = array<i32>} : memref<2x128xf32, #tpu.memory_space<vmem>>, vector<16xf32>,
      %add3A_289 = arith.addf %get3A_284, %get3A_288 : vector<16xf32>
      %ge3A_290 = arith.constant 0.000000e+00 : f32
      %ge3A_291 = vector.broadcast %ge3A_290 : f32 to vector<16xf32>
      %ge3A_292 = arith.cmpf oge, %add3A_289, %ge3A_291 : vector<16xf32>
      %mul3A_293 = arith.constant 2.000000e-01 : f32
      %mul3A_294 = vector.broadcast %mul3A_293 : f32 to vector<16xf32>
      %mul3A_295 = arith.mulf %add3A_289, %mul3A_294 : vector<16xf32>
      %select_n3A = arith.select %ge3A_292, %add3A_289, %mul3A_295 : vector<16xi1>, vector<16xf32>
      %exp3A = math.exp %select_n3A : vector<16xf32>
      %mul3A_296 = arith.constant 128 : i32
      %mul3A_297 = arith.muli %mul3A_135, %mul3A_296 : i32
      %add3A_298 = arith.addi %mul3A_32, %mul3A_297 : i32
      %add3A_299 = arith.constant 0 : i32
      %add3A_300 = arith.addi %add3A_298, %add3A_299 : i32
      %iota3A = tpu.iota {dimensions = array<i32: 0>} : vector<16xi32>
      %add3A_301 = vector.broadcast %add3A_300 : i32 to vector<16xi32>
      %add3A_302 = arith.addi %add3A_301, %iota3A : vector<16xi32>
      %lt3A = arith.constant 330000 : i32
      %lt3A_303 = vector.broadcast %lt3A : i32 to vector<16xi32>
      %lt3A_304 = arith.cmpi slt, %add3A_302, %lt3A_303 : vector<16xi32>
      %jit3A = arith.constant 0.000000e+00 : f32
      %broadcast_in_dim3A_305 = vector.broadcast %jit3A : f32 to vector<16xf32>
      %select_n3A_306 = arith.select %lt3A_304, %exp3A, %broadcast_in_dim3A_305 : vector<16xi1>, vector<16xf32>
      %swap3A_307 = arith.constant 0 : i32
      %swap3A_308 = arith.index_cast %swap3A_307 : i32 to index
      %swap3A_309 = arith.constant 0 : index
      %swap3A_310 = tpu.vector_load %arg12[%swap3A_308, %swap3A_309] {strides = array<i32>} : memref<2x128xf32, #tpu.memory_space<vmem>>, vector<16xf32>,
      tpu.vector_store %arg12[%swap3A_308, %swap3A_309], %select_n3A_306 {strides = array<i32>} : memref<2x128xf32, #tpu.memory_space<vmem>>, vector<16xf32>,
      %get3A_311 = arith.constant 0 : i32
      %get3A_312 = arith.index_cast %get3A_311 : i32 to index
      %get3A_313 = arith.constant 16 : index
      %get3A_314 = tpu.vector_load %arg10[%get3A_312, %get3A_313] {strides = array<i32>} : memref<2x128xf32, #tpu.memory_space<vmem>>, vector<16xf32>,
      %get3A_315 = arith.constant 0 : i32
      %get3A_316 = arith.index_cast %get3A_315 : i32 to index
      %get3A_317 = arith.constant 16 : index
      %get3A_318 = tpu.vector_load %arg11[%get3A_316, %get3A_317] {strides = array<i32>} : memref<2x128xf32, #tpu.memory_space<vmem>>, vector<16xf32>,
      %add3A_319 = arith.addf %get3A_314, %get3A_318 : vector<16xf32>
      %ge3A_320 = arith.constant 0.000000e+00 : f32
      %ge3A_321 = vector.broadcast %ge3A_320 : f32 to vector<16xf32>
      %ge3A_322 = arith.cmpf oge, %add3A_319, %ge3A_321 : vector<16xf32>
      %mul3A_323 = arith.constant 2.000000e-01 : f32
      %mul3A_324 = vector.broadcast %mul3A_323 : f32 to vector<16xf32>
      %mul3A_325 = arith.mulf %add3A_319, %mul3A_324 : vector<16xf32>
      %select_n3A_326 = arith.select %ge3A_322, %add3A_319, %mul3A_325 : vector<16xi1>, vector<16xf32>
      %exp3A_327 = math.exp %select_n3A_326 : vector<16xf32>
      %mul3A_328 = arith.constant 128 : i32
      %mul3A_329 = arith.muli %mul3A_135, %mul3A_328 : i32
      %add3A_330 = arith.addi %mul3A_32, %mul3A_329 : i32
      %add3A_331 = arith.constant 16 : i32
      %add3A_332 = arith.addi %add3A_330, %add3A_331 : i32
      %iota3A_333 = tpu.iota {dimensions = array<i32: 0>} : vector<16xi32>
      %add3A_334 = vector.broadcast %add3A_332 : i32 to vector<16xi32>
      %add3A_335 = arith.addi %add3A_334, %iota3A_333 : vector<16xi32>
      %lt3A_336 = arith.constant 330000 : i32
      %lt3A_337 = vector.broadcast %lt3A_336 : i32 to vector<16xi32>
      %lt3A_338 = arith.cmpi slt, %add3A_335, %lt3A_337 : vector<16xi32>
      %jit3A_339 = arith.constant 0.000000e+00 : f32
      %broadcast_in_dim3A_340 = vector.broadcast %jit3A_339 : f32 to vector<16xf32>
      %select_n3A_341 = arith.select %lt3A_338, %exp3A_327, %broadcast_in_dim3A_340 : vector<16xi1>, vector<16xf32>
      %swap3A_342 = arith.constant 0 : i32
      %swap3A_343 = arith.index_cast %swap3A_342 : i32 to index
      %swap3A_344 = arith.constant 16 : index
      %swap3A_345 = tpu.vector_load %arg12[%swap3A_343, %swap3A_344] {strides = array<i32>} : memref<2x128xf32, #tpu.memory_space<vmem>>, vector<16xf32>,
      tpu.vector_store %arg12[%swap3A_343, %swap3A_344], %select_n3A_341 {strides = array<i32>} : memref<2x128xf32, #tpu.memory_space<vmem>>, vector<16xf32>,
      %get3A_346 = arith.constant 0 : i32
      %get3A_347 = arith.index_cast %get3A_346 : i32 to index
      %get3A_348 = arith.constant 32 : index
      %get3A_349 = tpu.vector_load %arg10[%get3A_347, %get3A_348] {strides = array<i32>} : memref<2x128xf32, #tpu.memory_space<vmem>>, vector<16xf32>,
      %get3A_350 = arith.constant 0 : i32
      %get3A_351 = arith.index_cast %get3A_350 : i32 to index
      %get3A_352 = arith.constant 32 : index
      %get3A_353 = tpu.vector_load %arg11[%get3A_351, %get3A_352] {strides = array<i32>} : memref<2x128xf32, #tpu.memory_space<vmem>>, vector<16xf32>,
      %add3A_354 = arith.addf %get3A_349, %get3A_353 : vector<16xf32>
      %ge3A_355 = arith.constant 0.000000e+00 : f32
      %ge3A_356 = vector.broadcast %ge3A_355 : f32 to vector<16xf32>
      %ge3A_357 = arith.cmpf oge, %add3A_354, %ge3A_356 : vector<16xf32>
      %mul3A_358 = arith.constant 2.000000e-01 : f32
      %mul3A_359 = vector.broadcast %mul3A_358 : f32 to vector<16xf32>
      %mul3A_360 = arith.mulf %add3A_354, %mul3A_359 : vector<16xf32>
      %select_n3A_361 = arith.select %ge3A_357, %add3A_354, %mul3A_360 : vector<16xi1>, vector<16xf32>
      %exp3A_362 = math.exp %select_n3A_361 : vector<16xf32>
      %mul3A_363 = arith.constant 128 : i32
      %mul3A_364 = arith.muli %mul3A_135, %mul3A_363 : i32
      %add3A_365 = arith.addi %mul3A_32, %mul3A_364 : i32
      %add3A_366 = arith.constant 32 : i32
      %add3A_367 = arith.addi %add3A_365, %add3A_366 : i32
      %iota3A_368 = tpu.iota {dimensions = array<i32: 0>} : vector<16xi32>
      %add3A_369 = vector.broadcast %add3A_367 : i32 to vector<16xi32>
      %add3A_370 = arith.addi %add3A_369, %iota3A_368 : vector<16xi32>
      %lt3A_371 = arith.constant 330000 : i32
      %lt3A_372 = vector.broadcast %lt3A_371 : i32 to vector<16xi32>
      %lt3A_373 = arith.cmpi slt, %add3A_370, %lt3A_372 : vector<16xi32>
      %jit3A_374 = arith.constant 0.000000e+00 : f32
      %broadcast_in_dim3A_375 = vector.broadcast %jit3A_374 : f32 to vector<16xf32>
      %select_n3A_376 = arith.select %lt3A_373, %exp3A_362, %broadcast_in_dim3A_375 : vector<16xi1>, vector<16xf32>
      %swap3A_377 = arith.constant 0 : i32
      %swap3A_378 = arith.index_cast %swap3A_377 : i32 to index
      %swap3A_379 = arith.constant 32 : index
      %swap3A_380 = tpu.vector_load %arg12[%swap3A_378, %swap3A_379] {strides = array<i32>} : memref<2x128xf32, #tpu.memory_space<vmem>>, vector<16xf32>,
      tpu.vector_store %arg12[%swap3A_378, %swap3A_379], %select_n3A_376 {strides = array<i32>} : memref<2x128xf32, #tpu.memory_space<vmem>>, vector<16xf32>,
      %get3A_381 = arith.constant 0 : i32
      %get3A_382 = arith.index_cast %get3A_381 : i32 to index
      %get3A_383 = arith.constant 48 : index
      %get3A_384 = tpu.vector_load %arg10[%get3A_382, %get3A_383] {strides = array<i32>} : memref<2x128xf32, #tpu.memory_space<vmem>>, vector<16xf32>,
      %get3A_385 = arith.constant 0 : i32
      %get3A_386 = arith.index_cast %get3A_385 : i32 to index
      %get3A_387 = arith.constant 48 : index
      %get3A_388 = tpu.vector_load %arg11[%get3A_386, %get3A_387] {strides = array<i32>} : memref<2x128xf32, #tpu.memory_space<vmem>>, vector<16xf32>,
      %add3A_389 = arith.addf %get3A_384, %get3A_388 : vector<16xf32>
      %ge3A_390 = arith.constant 0.000000e+00 : f32
      %ge3A_391 = vector.broadcast %ge3A_390 : f32 to vector<16xf32>
      %ge3A_392 = arith.cmpf oge, %add3A_389, %ge3A_391 : vector<16xf32>
      %mul3A_393 = arith.constant 2.000000e-01 : f32
      %mul3A_394 = vector.broadcast %mul3A_393 : f32 to vector<16xf32>
      %mul3A_395 = arith.mulf %add3A_389, %mul3A_394 : vector<16xf32>
      %select_n3A_396 = arith.select %ge3A_392, %add3A_389, %mul3A_395 : vector<16xi1>, vector<16xf32>
      %exp3A_397 = math.exp %select_n3A_396 : vector<16xf32>
      %mul3A_398 = arith.constant 128 : i32
      %mul3A_399 = arith.muli %mul3A_135, %mul3A_398 : i32
      %add3A_400 = arith.addi %mul3A_32, %mul3A_399 : i32
      %add3A_401 = arith.constant 48 : i32
      %add3A_402 = arith.addi %add3A_400, %add3A_401 : i32
      %iota3A_403 = tpu.iota {dimensions = array<i32: 0>} : vector<16xi32>
      %add3A_404 = vector.broadcast %add3A_402 : i32 to vector<16xi32>
      %add3A_405 = arith.addi %add3A_404, %iota3A_403 : vector<16xi32>
      %lt3A_406 = arith.constant 330000 : i32
      %lt3A_407 = vector.broadcast %lt3A_406 : i32 to vector<16xi32>
      %lt3A_408 = arith.cmpi slt, %add3A_405, %lt3A_407 : vector<16xi32>
      %jit3A_409 = arith.constant 0.000000e+00 : f32
      %broadcast_in_dim3A_410 = vector.broadcast %jit3A_409 : f32 to vector<16xf32>
      %select_n3A_411 = arith.select %lt3A_408, %exp3A_397, %broadcast_in_dim3A_410 : vector<16xi1>, vector<16xf32>
      %swap3A_412 = arith.constant 0 : i32
      %swap3A_413 = arith.index_cast %swap3A_412 : i32 to index
      %swap3A_414 = arith.constant 48 : index
      %swap3A_415 = tpu.vector_load %arg12[%swap3A_413, %swap3A_414] {strides = array<i32>} : memref<2x128xf32, #tpu.memory_space<vmem>>, vector<16xf32>,
      tpu.vector_store %arg12[%swap3A_413, %swap3A_414], %select_n3A_411 {strides = array<i32>} : memref<2x128xf32, #tpu.memory_space<vmem>>, vector<16xf32>,
      %get3A_416 = arith.constant 0 : i32
      %get3A_417 = arith.index_cast %get3A_416 : i32 to index
      %get3A_418 = arith.constant 64 : index
      %get3A_419 = tpu.vector_load %arg10[%get3A_417, %get3A_418] {strides = array<i32>} : memref<2x128xf32, #tpu.memory_space<vmem>>, vector<16xf32>,
      %get3A_420 = arith.constant 0 : i32
      %get3A_421 = arith.index_cast %get3A_420 : i32 to index
      %get3A_422 = arith.constant 64 : index
      %get3A_423 = tpu.vector_load %arg11[%get3A_421, %get3A_422] {strides = array<i32>} : memref<2x128xf32, #tpu.memory_space<vmem>>, vector<16xf32>,
      %add3A_424 = arith.addf %get3A_419, %get3A_423 : vector<16xf32>
      %ge3A_425 = arith.constant 0.000000e+00 : f32
      %ge3A_426 = vector.broadcast %ge3A_425 : f32 to vector<16xf32>
      %ge3A_427 = arith.cmpf oge, %add3A_424, %ge3A_426 : vector<16xf32>
      %mul3A_428 = arith.constant 2.000000e-01 : f32
      %mul3A_429 = vector.broadcast %mul3A_428 : f32 to vector<16xf32>
      %mul3A_430 = arith.mulf %add3A_424, %mul3A_429 : vector<16xf32>
      %select_n3A_431 = arith.select %ge3A_427, %add3A_424, %mul3A_430 : vector<16xi1>, vector<16xf32>
      %exp3A_432 = math.exp %select_n3A_431 : vector<16xf32>
      %mul3A_433 = arith.constant 128 : i32
      %mul3A_434 = arith.muli %mul3A_135, %mul3A_433 : i32
      %add3A_435 = arith.addi %mul3A_32, %mul3A_434 : i32
      %add3A_436 = arith.constant 64 : i32
      %add3A_437 = arith.addi %add3A_435, %add3A_436 : i32
      %iota3A_438 = tpu.iota {dimensions = array<i32: 0>} : vector<16xi32>
      %add3A_439 = vector.broadcast %add3A_437 : i32 to vector<16xi32>
      %add3A_440 = arith.addi %add3A_439, %iota3A_438 : vector<16xi32>
      %lt3A_441 = arith.constant 330000 : i32
      %lt3A_442 = vector.broadcast %lt3A_441 : i32 to vector<16xi32>
      %lt3A_443 = arith.cmpi slt, %add3A_440, %lt3A_442 : vector<16xi32>
      %jit3A_444 = arith.constant 0.000000e+00 : f32
      %broadcast_in_dim3A_445 = vector.broadcast %jit3A_444 : f32 to vector<16xf32>
      %select_n3A_446 = arith.select %lt3A_443, %exp3A_432, %broadcast_in_dim3A_445 : vector<16xi1>, vector<16xf32>
      %swap3A_447 = arith.constant 0 : i32
      %swap3A_448 = arith.index_cast %swap3A_447 : i32 to index
      %swap3A_449 = arith.constant 64 : index
      %swap3A_450 = tpu.vector_load %arg12[%swap3A_448, %swap3A_449] {strides = array<i32>} : memref<2x128xf32, #tpu.memory_space<vmem>>, vector<16xf32>,
      tpu.vector_store %arg12[%swap3A_448, %swap3A_449], %select_n3A_446 {strides = array<i32>} : memref<2x128xf32, #tpu.memory_space<vmem>>, vector<16xf32>,
      %get3A_451 = arith.constant 0 : i32
      %get3A_452 = arith.index_cast %get3A_451 : i32 to index
      %get3A_453 = arith.constant 80 : index
      %get3A_454 = tpu.vector_load %arg10[%get3A_452, %get3A_453] {strides = array<i32>} : memref<2x128xf32, #tpu.memory_space<vmem>>, vector<16xf32>,
      %get3A_455 = arith.constant 0 : i32
      %get3A_456 = arith.index_cast %get3A_455 : i32 to index
      %get3A_457 = arith.constant 80 : index
      %get3A_458 = tpu.vector_load %arg11[%get3A_456, %get3A_457] {strides = array<i32>} : memref<2x128xf32, #tpu.memory_space<vmem>>, vector<16xf32>,
      %add3A_459 = arith.addf %get3A_454, %get3A_458 : vector<16xf32>
      %ge3A_460 = arith.constant 0.000000e+00 : f32
      %ge3A_461 = vector.broadcast %ge3A_460 : f32 to vector<16xf32>
      %ge3A_462 = arith.cmpf oge, %add3A_459, %ge3A_461 : vector<16xf32>
      %mul3A_463 = arith.constant 2.000000e-01 : f32
      %mul3A_464 = vector.broadcast %mul3A_463 : f32 to vector<16xf32>
      %mul3A_465 = arith.mulf %add3A_459, %mul3A_464 : vector<16xf32>
      %select_n3A_466 = arith.select %ge3A_462, %add3A_459, %mul3A_465 : vector<16xi1>, vector<16xf32>
      %exp3A_467 = math.exp %select_n3A_466 : vector<16xf32>
      %mul3A_468 = arith.constant 128 : i32
      %mul3A_469 = arith.muli %mul3A_135, %mul3A_468 : i32
      %add3A_470 = arith.addi %mul3A_32, %mul3A_469 : i32
      %add3A_471 = arith.constant 80 : i32
      %add3A_472 = arith.addi %add3A_470, %add3A_471 : i32
      %iota3A_473 = tpu.iota {dimensions = array<i32: 0>} : vector<16xi32>
      %add3A_474 = vector.broadcast %add3A_472 : i32 to vector<16xi32>
      %add3A_475 = arith.addi %add3A_474, %iota3A_473 : vector<16xi32>
      %lt3A_476 = arith.constant 330000 : i32
      %lt3A_477 = vector.broadcast %lt3A_476 : i32 to vector<16xi32>
      %lt3A_478 = arith.cmpi slt, %add3A_475, %lt3A_477 : vector<16xi32>
      %jit3A_479 = arith.constant 0.000000e+00 : f32
      %broadcast_in_dim3A_480 = vector.broadcast %jit3A_479 : f32 to vector<16xf32>
      %select_n3A_481 = arith.select %lt3A_478, %exp3A_467, %broadcast_in_dim3A_480 : vector<16xi1>, vector<16xf32>
      %swap3A_482 = arith.constant 0 : i32
      %swap3A_483 = arith.index_cast %swap3A_482 : i32 to index
      %swap3A_484 = arith.constant 80 : index
      %swap3A_485 = tpu.vector_load %arg12[%swap3A_483, %swap3A_484] {strides = array<i32>} : memref<2x128xf32, #tpu.memory_space<vmem>>, vector<16xf32>,
      tpu.vector_store %arg12[%swap3A_483, %swap3A_484], %select_n3A_481 {strides = array<i32>} : memref<2x128xf32, #tpu.memory_space<vmem>>, vector<16xf32>,
      %get3A_486 = arith.constant 0 : i32
      %get3A_487 = arith.index_cast %get3A_486 : i32 to index
      %get3A_488 = arith.constant 96 : index
      %get3A_489 = tpu.vector_load %arg10[%get3A_487, %get3A_488] {strides = array<i32>} : memref<2x128xf32, #tpu.memory_space<vmem>>, vector<16xf32>,
      %get3A_490 = arith.constant 0 : i32
      %get3A_491 = arith.index_cast %get3A_490 : i32 to index
      %get3A_492 = arith.constant 96 : index
      %get3A_493 = tpu.vector_load %arg11[%get3A_491, %get3A_492] {strides = array<i32>} : memref<2x128xf32, #tpu.memory_space<vmem>>, vector<16xf32>,
      %add3A_494 = arith.addf %get3A_489, %get3A_493 : vector<16xf32>
      %ge3A_495 = arith.constant 0.000000e+00 : f32
      %ge3A_496 = vector.broadcast %ge3A_495 : f32 to vector<16xf32>
      %ge3A_497 = arith.cmpf oge, %add3A_494, %ge3A_496 : vector<16xf32>
      %mul3A_498 = arith.constant 2.000000e-01 : f32
      %mul3A_499 = vector.broadcast %mul3A_498 : f32 to vector<16xf32>
      %mul3A_500 = arith.mulf %add3A_494, %mul3A_499 : vector<16xf32>
      %select_n3A_501 = arith.select %ge3A_497, %add3A_494, %mul3A_500 : vector<16xi1>, vector<16xf32>
      %exp3A_502 = math.exp %select_n3A_501 : vector<16xf32>
      %mul3A_503 = arith.constant 128 : i32
      %mul3A_504 = arith.muli %mul3A_135, %mul3A_503 : i32
      %add3A_505 = arith.addi %mul3A_32, %mul3A_504 : i32
      %add3A_506 = arith.constant 96 : i32
      %add3A_507 = arith.addi %add3A_505, %add3A_506 : i32
      %iota3A_508 = tpu.iota {dimensions = array<i32: 0>} : vector<16xi32>
      %add3A_509 = vector.broadcast %add3A_507 : i32 to vector<16xi32>
      %add3A_510 = arith.addi %add3A_509, %iota3A_508 : vector<16xi32>
      %lt3A_511 = arith.constant 330000 : i32
      %lt3A_512 = vector.broadcast %lt3A_511 : i32 to vector<16xi32>
      %lt3A_513 = arith.cmpi slt, %add3A_510, %lt3A_512 : vector<16xi32>
      %jit3A_514 = arith.constant 0.000000e+00 : f32
      %broadcast_in_dim3A_515 = vector.broadcast %jit3A_514 : f32 to vector<16xf32>
      %select_n3A_516 = arith.select %lt3A_513, %exp3A_502, %broadcast_in_dim3A_515 : vector<16xi1>, vector<16xf32>
      %swap3A_517 = arith.constant 0 : i32
      %swap3A_518 = arith.index_cast %swap3A_517 : i32 to index
      %swap3A_519 = arith.constant 96 : index
      %swap3A_520 = tpu.vector_load %arg12[%swap3A_518, %swap3A_519] {strides = array<i32>} : memref<2x128xf32, #tpu.memory_space<vmem>>, vector<16xf32>,
      tpu.vector_store %arg12[%swap3A_518, %swap3A_519], %select_n3A_516 {strides = array<i32>} : memref<2x128xf32, #tpu.memory_space<vmem>>, vector<16xf32>,
      %get3A_521 = arith.constant 0 : i32
      %get3A_522 = arith.index_cast %get3A_521 : i32 to index
      %get3A_523 = arith.constant 112 : index
      %get3A_524 = tpu.vector_load %arg10[%get3A_522, %get3A_523] {strides = array<i32>} : memref<2x128xf32, #tpu.memory_space<vmem>>, vector<16xf32>,
      %get3A_525 = arith.constant 0 : i32
      %get3A_526 = arith.index_cast %get3A_525 : i32 to index
      %get3A_527 = arith.constant 112 : index
      %get3A_528 = tpu.vector_load %arg11[%get3A_526, %get3A_527] {strides = array<i32>} : memref<2x128xf32, #tpu.memory_space<vmem>>, vector<16xf32>,
      %add3A_529 = arith.addf %get3A_524, %get3A_528 : vector<16xf32>
      %ge3A_530 = arith.constant 0.000000e+00 : f32
      %ge3A_531 = vector.broadcast %ge3A_530 : f32 to vector<16xf32>
      %ge3A_532 = arith.cmpf oge, %add3A_529, %ge3A_531 : vector<16xf32>
      %mul3A_533 = arith.constant 2.000000e-01 : f32
      %mul3A_534 = vector.broadcast %mul3A_533 : f32 to vector<16xf32>
      %mul3A_535 = arith.mulf %add3A_529, %mul3A_534 : vector<16xf32>
      %select_n3A_536 = arith.select %ge3A_532, %add3A_529, %mul3A_535 : vector<16xi1>, vector<16xf32>
      %exp3A_537 = math.exp %select_n3A_536 : vector<16xf32>
      %mul3A_538 = arith.constant 128 : i32
      %mul3A_539 = arith.muli %mul3A_135, %mul3A_538 : i32
      %add3A_540 = arith.addi %mul3A_32, %mul3A_539 : i32
      %add3A_541 = arith.constant 112 : i32
      %add3A_542 = arith.addi %add3A_540, %add3A_541 : i32
      %iota3A_543 = tpu.iota {dimensions = array<i32: 0>} : vector<16xi32>
      %add3A_544 = vector.broadcast %add3A_542 : i32 to vector<16xi32>
      %add3A_545 = arith.addi %add3A_544, %iota3A_543 : vector<16xi32>
      %lt3A_546 = arith.constant 330000 : i32
      %lt3A_547 = vector.broadcast %lt3A_546 : i32 to vector<16xi32>
      %lt3A_548 = arith.cmpi slt, %add3A_545, %lt3A_547 : vector<16xi32>
      %jit3A_549 = arith.constant 0.000000e+00 : f32
      %broadcast_in_dim3A_550 = vector.broadcast %jit3A_549 : f32 to vector<16xf32>
      %select_n3A_551 = arith.select %lt3A_548, %exp3A_537, %broadcast_in_dim3A_550 : vector<16xi1>, vector<16xf32>
      %swap3A_552 = arith.constant 0 : i32
      %swap3A_553 = arith.index_cast %swap3A_552 : i32 to index
      %swap3A_554 = arith.constant 112 : index
      %swap3A_555 = tpu.vector_load %arg12[%swap3A_553, %swap3A_554] {strides = array<i32>} : memref<2x128xf32, #tpu.memory_space<vmem>>, vector<16xf32>,
      tpu.vector_store %arg12[%swap3A_553, %swap3A_554], %select_n3A_551 {strides = array<i32>} : memref<2x128xf32, #tpu.memory_space<vmem>>, vector<16xf32>,
      %dma_start3A_556 = arith.constant 0 : i32
      %dma_start3A_557 = arith.constant 0 : i32
      %dma_start3A_558 = arith.constant 0 : i32
      %dma_start3A_559 = tpu.memref_slice %arg12[%dma_start3A_556, %dma_start3A_558] : memref<2x128xf32, #tpu.memory_space<vmem>> -> memref<1x128xf32, #tpu.memory_space<vmem>>
      %dma_start3A_560 = tpu.memref_squeeze %dma_start3A_559 : memref<1x128xf32, #tpu.memory_space<vmem>> -> memref<128xf32, #tpu.memory_space<vmem>>
      %dma_start3A_561 = arith.constant 0 : i32
      %dma_start3A_562 = tpu.memref_slice %arg9[%dma_start3A_557, %dma_start3A_561] : memref<2x128xi32, #tpu.memory_space<vmem>> -> memref<1x128xi32, #tpu.memory_space<vmem>>
      %dma_start3A_563 = tpu.memref_squeeze %dma_start3A_562 : memref<1x128xi32, #tpu.memory_space<vmem>> -> memref<128xi32, #tpu.memory_space<vmem>>
      %dma_start3A_564 = arith.constant 0 : i32
      %dma_start3A_565 = tpu.memref_slice %arg16[%dma_start3A_564] : memref<10240xf32, #tpu.memory_space<vmem_shared>> -> memref<10240xf32, #tpu.memory_space<vmem_shared>>
      tpu.enqueue_indirect_dma source(%dma_start3A_560 : memref<128xf32, #tpu.memory_space<vmem>>) target(%dma_start3A_565 : memref<10240xf32, #tpu.memory_space<vmem_shared>>) offsets(%dma_start3A_563 : memref<128xi32, #tpu.memory_space<vmem>>) semaphore(%arg23 : memref<!tpu.dma_semaphore, #tpu.memory_space<semaphore_mem>>) {add = true}
      %dma_wait3A_566 = arith.constant 0 : i32
      %dma_wait3A_567 = arith.constant 0 : i32
      %dma_wait3A_568 = arith.constant 0 : i32
      %dma_wait3A_569 = arith.constant 0 : i32
      %dma_wait3A_570 = arith.constant 0 : i32
      %dma_wait3A_571 = tpu.memref_slice %arg13[%dma_wait3A_568, %dma_wait3A_569, %dma_wait3A_570] : memref<2x128x64xi32, #tpu.memory_space<vmem>> -> memref<1x128x64xi32, #tpu.memory_space<vmem>>
      %dma_wait3A_572 = tpu.memref_squeeze %dma_wait3A_571 : memref<1x128x64xi32, #tpu.memory_space<vmem>> -> memref<128x64xi32, #tpu.memory_space<vmem>>
      %dma_wait3A_573 = arith.constant 0 : i32
      %dma_wait3A_574 = tpu.memref_slice %arg8[%dma_wait3A_566, %dma_wait3A_567, %dma_wait3A_573] : memref<2x2x128xi32, #tpu.memory_space<vmem>> -> memref<1x1x128xi32, #tpu.memory_space<vmem>>
      %dma_wait3A_575 = tpu.memref_squeeze %dma_wait3A_574 : memref<1x1x128xi32, #tpu.memory_space<vmem>> -> memref<128xi32, #tpu.memory_space<vmem>>
      %dma_wait3A_576 = arith.constant 0 : i32
      %dma_wait3A_577 = arith.constant 0 : i32
      %dma_wait3A_578 = tpu.memref_slice %arg2[%dma_wait3A_576, %dma_wait3A_577] : memref<10240x64xi32, #tpu.memory_space<hbm>> -> memref<10240x64xi32, #tpu.memory_space<hbm>>
      tpu.wait_indirect_dma semaphore(%arg21 : memref<!tpu.dma_semaphore, #tpu.memory_space<semaphore_mem>>) src(%dma_wait3A_578 : memref<10240x64xi32, #tpu.memory_space<hbm>>) dst(%dma_wait3A_572 : memref<128x64xi32, #tpu.memory_space<vmem>>)
      %scan3A_579 = arith.constant 0 : i32
      %scan3A_580 = arith.constant 0 : i32
      %scan3A_581 = arith.constant 128 : i32
      %scan3A_582 = arith.addi %scan3A_580, %scan3A_581 : i32
      %scan3A_583 = arith.constant 1 : i32
      scf.for %scan3A_1027 = %scan3A_580 to %scan3A_582 step %scan3A_583  : i32 {
        %broadcast_in_dim3A_1028 = vector.broadcast %scan3A_1027 : i32 to vector<16xi32>
        %gather3A = arith.constant 0 : i32
        %gather3A_1029 = arith.constant 0 : i32
        %gather3A_1030 = tpu.memref_slice %arg12[%gather3A, %gather3A_1029] : memref<2x128xf32, #tpu.memory_space<vmem>> -> memref<1x128xf32, #tpu.memory_space<vmem>>
        %gather3A_1031 = tpu.memref_squeeze %gather3A_1030 : memref<1x128xf32, #tpu.memory_space<vmem>> -> memref<128xf32, #tpu.memory_space<vmem>>
        %gather3A_1032 = tpu.vector_load_idx %gather3A_1031[%broadcast_in_dim3A_1028] : memref<128xf32, #tpu.memory_space<vmem>>[vector<16xi32>], vector<16xf32>,
        %get3A_1033 = arith.constant 0 : i32
        %get3A_1034 = arith.index_cast %get3A_1033 : i32 to index
        %get3A_1035 = arith.index_cast %scan3A_1027 : i32 to index
        %get3A_1036 = arith.constant 0 : index
        %get3A_1037 = tpu.vector_load %arg13[%get3A_1034, %get3A_1035, %get3A_1036] {strides = array<i32>} : memref<2x128x64xi32, #tpu.memory_space<vmem>>, vector<16xi32>,
        %shift_left3A = arith.constant 16 : i32
        %shift_left3A_1038 = vector.broadcast %shift_left3A : i32 to vector<16xi32>
        %shift_left3A_1039 = arith.shli %get3A_1037, %shift_left3A_1038 : vector<16xi32>
        %bitcast3A = vector.bitcast %shift_left3A_1039 : vector<16xi32> to vector<16xf32>
        %and3A = arith.andi %get3A_1037, %broadcast_in_dim3A_34 : vector<16xi32>
        %bitcast3A_1040 = vector.bitcast %and3A : vector<16xi32> to vector<16xf32>
        %mul3A_1041 = arith.mulf %bitcast3A, %gather3A_1032 : vector<16xf32>
        %swap3A_1042 = arith.index_cast %scan3A_1027 : i32 to index
        %swap3A_1043 = arith.constant 0 : index
        %swap3A_1044 = tpu.vector_load %arg14[%swap3A_1042, %swap3A_1043] {strides = array<i32>} : memref<128x128xf32, #tpu.memory_space<vmem>>, vector<16xf32>,
        tpu.vector_store %arg14[%swap3A_1042, %swap3A_1043], %mul3A_1041 {strides = array<i32>} : memref<128x128xf32, #tpu.memory_space<vmem>>, vector<16xf32>,
        %mul3A_1045 = arith.mulf %bitcast3A_1040, %gather3A_1032 : vector<16xf32>
        %swap3A_1046 = arith.index_cast %scan3A_1027 : i32 to index
        %swap3A_1047 = arith.constant 16 : index
        %swap3A_1048 = tpu.vector_load %arg14[%swap3A_1046, %swap3A_1047] {strides = array<i32>} : memref<128x128xf32, #tpu.memory_space<vmem>>, vector<16xf32>,
        tpu.vector_store %arg14[%swap3A_1046, %swap3A_1047], %mul3A_1045 {strides = array<i32>} : memref<128x128xf32, #tpu.memory_space<vmem>>, vector<16xf32>,
        %get3A_1049 = arith.constant 0 : i32
        %get3A_1050 = arith.index_cast %get3A_1049 : i32 to index
        %get3A_1051 = arith.index_cast %scan3A_1027 : i32 to index
        %get3A_1052 = arith.constant 16 : index
        %get3A_1053 = tpu.vector_load %arg13[%get3A_1050, %get3A_1051, %get3A_1052] {strides = array<i32>} : memref<2x128x64xi32, #tpu.memory_space<vmem>>, vector<16xi32>,
        %shift_left3A_1054 = arith.constant 16 : i32
        %shift_left3A_1055 = vector.broadcast %shift_left3A_1054 : i32 to vector<16xi32>
        %shift_left3A_1056 = arith.shli %get3A_1053, %shift_left3A_1055 : vector<16xi32>
        %bitcast3A_1057 = vector.bitcast %shift_left3A_1056 : vector<16xi32> to vector<16xf32>
        %and3A_1058 = arith.andi %get3A_1053, %broadcast_in_dim3A_34 : vector<16xi32>
        %bitcast3A_1059 = vector.bitcast %and3A_1058 : vector<16xi32> to vector<16xf32>
        %mul3A_1060 = arith.mulf %bitcast3A_1057, %gather3A_1032 : vector<16xf32>
        %swap3A_1061 = arith.index_cast %scan3A_1027 : i32 to index
        %swap3A_1062 = arith.constant 32 : index
        %swap3A_1063 = tpu.vector_load %arg14[%swap3A_1061, %swap3A_1062] {strides = array<i32>} : memref<128x128xf32, #tpu.memory_space<vmem>>, vector<16xf32>,
        tpu.vector_store %arg14[%swap3A_1061, %swap3A_1062], %mul3A_1060 {strides = array<i32>} : memref<128x128xf32, #tpu.memory_space<vmem>>, vector<16xf32>,
        %mul3A_1064 = arith.mulf %bitcast3A_1059, %gather3A_1032 : vector<16xf32>
        %swap3A_1065 = arith.index_cast %scan3A_1027 : i32 to index
        %swap3A_1066 = arith.constant 48 : index
        %swap3A_1067 = tpu.vector_load %arg14[%swap3A_1065, %swap3A_1066] {strides = array<i32>} : memref<128x128xf32, #tpu.memory_space<vmem>>, vector<16xf32>,
        tpu.vector_store %arg14[%swap3A_1065, %swap3A_1066], %mul3A_1064 {strides = array<i32>} : memref<128x128xf32, #tpu.memory_space<vmem>>, vector<16xf32>,
        %get3A_1068 = arith.constant 0 : i32
        %get3A_1069 = arith.index_cast %get3A_1068 : i32 to index
        %get3A_1070 = arith.index_cast %scan3A_1027 : i32 to index
        %get3A_1071 = arith.constant 32 : index
        %get3A_1072 = tpu.vector_load %arg13[%get3A_1069, %get3A_1070, %get3A_1071] {strides = array<i32>} : memref<2x128x64xi32, #tpu.memory_space<vmem>>, vector<16xi32>,
        %shift_left3A_1073 = arith.constant 16 : i32
        %shift_left3A_1074 = vector.broadcast %shift_left3A_1073 : i32 to vector<16xi32>
        %shift_left3A_1075 = arith.shli %get3A_1072, %shift_left3A_1074 : vector<16xi32>
        %bitcast3A_1076 = vector.bitcast %shift_left3A_1075 : vector<16xi32> to vector<16xf32>
        %and3A_1077 = arith.andi %get3A_1072, %broadcast_in_dim3A_34 : vector<16xi32>
        %bitcast3A_1078 = vector.bitcast %and3A_1077 : vector<16xi32> to vector<16xf32>
        %mul3A_1079 = arith.mulf %bitcast3A_1076, %gather3A_1032 : vector<16xf32>
        %swap3A_1080 = arith.index_cast %scan3A_1027 : i32 to index
        %swap3A_1081 = arith.constant 64 : index
        %swap3A_1082 = tpu.vector_load %arg14[%swap3A_1080, %swap3A_1081] {strides = array<i32>} : memref<128x128xf32, #tpu.memory_space<vmem>>, vector<16xf32>,
        tpu.vector_store %arg14[%swap3A_1080, %swap3A_1081], %mul3A_1079 {strides = array<i32>} : memref<128x128xf32, #tpu.memory_space<vmem>>, vector<16xf32>,
        %mul3A_1083 = arith.mulf %bitcast3A_1078, %gather3A_1032 : vector<16xf32>
        %swap3A_1084 = arith.index_cast %scan3A_1027 : i32 to index
        %swap3A_1085 = arith.constant 80 : index
        %swap3A_1086 = tpu.vector_load %arg14[%swap3A_1084, %swap3A_1085] {strides = array<i32>} : memref<128x128xf32, #tpu.memory_space<vmem>>, vector<16xf32>,
        tpu.vector_store %arg14[%swap3A_1084, %swap3A_1085], %mul3A_1083 {strides = array<i32>} : memref<128x128xf32, #tpu.memory_space<vmem>>, vector<16xf32>,
        %get3A_1087 = arith.constant 0 : i32
        %get3A_1088 = arith.index_cast %get3A_1087 : i32 to index
        %get3A_1089 = arith.index_cast %scan3A_1027 : i32 to index
        %get3A_1090 = arith.constant 48 : index
        %get3A_1091 = tpu.vector_load %arg13[%get3A_1088, %get3A_1089, %get3A_1090] {strides = array<i32>} : memref<2x128x64xi32, #tpu.memory_space<vmem>>, vector<16xi32>,
        %shift_left3A_1092 = arith.constant 16 : i32
        %shift_left3A_1093 = vector.broadcast %shift_left3A_1092 : i32 to vector<16xi32>
        %shift_left3A_1094 = arith.shli %get3A_1091, %shift_left3A_1093 : vector<16xi32>
        %bitcast3A_1095 = vector.bitcast %shift_left3A_1094 : vector<16xi32> to vector<16xf32>
        %and3A_1096 = arith.andi %get3A_1091, %broadcast_in_dim3A_34 : vector<16xi32>
        %bitcast3A_1097 = vector.bitcast %and3A_1096 : vector<16xi32> to vector<16xf32>
        %mul3A_1098 = arith.mulf %bitcast3A_1095, %gather3A_1032 : vector<16xf32>
        %swap3A_1099 = arith.index_cast %scan3A_1027 : i32 to index
        %swap3A_1100 = arith.constant 96 : index
        %swap3A_1101 = tpu.vector_load %arg14[%swap3A_1099, %swap3A_1100] {strides = array<i32>} : memref<128x128xf32, #tpu.memory_space<vmem>>, vector<16xf32>,
        tpu.vector_store %arg14[%swap3A_1099, %swap3A_1100], %mul3A_1098 {strides = array<i32>} : memref<128x128xf32, #tpu.memory_space<vmem>>, vector<16xf32>,
        %mul3A_1102 = arith.mulf %bitcast3A_1097, %gather3A_1032 : vector<16xf32>
        %swap3A_1103 = arith.index_cast %scan3A_1027 : i32 to index
        %swap3A_1104 = arith.constant 112 : index
        %swap3A_1105 = tpu.vector_load %arg14[%swap3A_1103, %swap3A_1104] {strides = array<i32>} : memref<128x128xf32, #tpu.memory_space<vmem>>, vector<16xf32>,
        tpu.vector_store %arg14[%swap3A_1103, %swap3A_1104], %mul3A_1102 {strides = array<i32>} : memref<128x128xf32, #tpu.memory_space<vmem>>, vector<16xf32>,
      }
      %scan3A_584 = arith.constant 128 : i32
      %dma_start3A_585 = arith.constant 0 : i32
      %dma_start3A_586 = arith.constant 0 : i32
      %dma_start3A_587 = tpu.memref_slice %arg9[%dma_start3A_585, %dma_start3A_586] : memref<2x128xi32, #tpu.memory_space<vmem>> -> memref<1x128xi32, #tpu.memory_space<vmem>>
      %dma_start3A_588 = tpu.memref_squeeze %dma_start3A_587 : memref<1x128xi32, #tpu.memory_space<vmem>> -> memref<128xi32, #tpu.memory_space<vmem>>
      %dma_start3A_589 = arith.constant 0 : i32
      %dma_start3A_590 = arith.constant 0 : i32
      %dma_start3A_591 = tpu.memref_slice %arg15[%dma_start3A_589, %dma_start3A_590] : memref<10240x128xf32, #tpu.memory_space<vmem_shared>> -> memref<10240x128xf32, #tpu.memory_space<vmem_shared>>
      tpu.enqueue_indirect_dma source(%arg14 : memref<128x128xf32, #tpu.memory_space<vmem>>) target(%dma_start3A_591 : memref<10240x128xf32, #tpu.memory_space<vmem_shared>>) offsets(%dma_start3A_588 : memref<128xi32, #tpu.memory_space<vmem>>) semaphore(%arg25 : memref<!tpu.dma_semaphore, #tpu.memory_space<semaphore_mem>>) {add = true}
      %lt3A_592 = arith.constant 40 : i32
      %lt3A_593 = arith.cmpi slt, %scan3A_133, %lt3A_592 : i32
      %convert_element_type3A_594 = arith.extui %lt3A_593 : i1 to i32
      %cond3A_595 = arith.constant 0 : i32
      %cond3A_596 = arith.cmpi ne, %convert_element_type3A_594, %cond3A_595 : i32
      scf.if %cond3A_596 {
        %add3A_1027 = arith.constant 2 : i32
        %add3A_1028 = arith.addi %mul3A_135, %add3A_1027 : i32
        %run_scoped3A_1029 = arith.constant 0 : i32
        "tpu.region"() ({
          %run_scoped3A_1065 = tpu.sem_alloc : memref<!tpu.dma_semaphore, #tpu.memory_space<semaphore_mem>>
          %dma_start3A_1066 = arith.constant 0 : i32
          %dma_start3A_1067 = arith.constant 0 : i32
          %dma_start3A_1068 = tpu.memref_slice %arg8[%run_scoped3A_1029, %dma_start3A_1066, %dma_start3A_1067] : memref<2x2x128xi32, #tpu.memory_space<vmem>> -> memref<1x2x128xi32, #tpu.memory_space<vmem>>
          %dma_start3A_1069 = tpu.memref_squeeze %dma_start3A_1068 : memref<1x2x128xi32, #tpu.memory_space<vmem>> -> memref<2x128xi32, #tpu.memory_space<vmem>>
          %dma_start3A_1070 = arith.constant 0 : i32
          %dma_start3A_1071 = arith.constant 0 : i32
          %dma_start3A_1072 = tpu.memref_slice %arg5[%add3A, %add3A_1028, %dma_start3A_1070, %dma_start3A_1071] : memref<32x82x2x128xi32, #tpu.memory_space<hbm>> -> memref<1x1x2x128xi32, #tpu.memory_space<hbm>>
          %dma_start3A_1073 = tpu.memref_squeeze %dma_start3A_1072 : memref<1x1x2x128xi32, #tpu.memory_space<hbm>> -> memref<2x128xi32, #tpu.memory_space<hbm>>
          %dma_start3A_1074 = arith.constant 0 : i32
          %dma_start3A_1075 = arith.constant 0 : i32
          %dma_start3A_1076 = tpu.memref_slice %arg8[%run_scoped3A_1029, %dma_start3A_1074, %dma_start3A_1075] : memref<2x2x128xi32, #tpu.memory_space<vmem>> -> memref<1x2x128xi32, #tpu.memory_space<vmem>>
          %dma_start3A_1077 = tpu.memref_squeeze %dma_start3A_1076 : memref<1x2x128xi32, #tpu.memory_space<vmem>> -> memref<2x128xi32, #tpu.memory_space<vmem>>
          %dma_start3A_1078 = arith.constant 0 : i32
          %dma_start3A_1079 = arith.constant 0 : i32
          %dma_start3A_1080 = tpu.memref_slice %arg5[%add3A, %add3A_1028, %dma_start3A_1078, %dma_start3A_1079] : memref<32x82x2x128xi32, #tpu.memory_space<hbm>> -> memref<1x1x2x128xi32, #tpu.memory_space<hbm>>
          %dma_start3A_1081 = tpu.memref_squeeze %dma_start3A_1080 : memref<1x1x2x128xi32, #tpu.memory_space<hbm>> -> memref<2x128xi32, #tpu.memory_space<hbm>>
          tpu.enqueue_dma source(%dma_start3A_1081 : memref<2x128xi32, #tpu.memory_space<hbm>>) target(%dma_start3A_1077 : memref<2x128xi32, #tpu.memory_space<vmem>>) target_semaphore(%run_scoped3A_1065 : memref<!tpu.dma_semaphore, #tpu.memory_space<semaphore_mem>>)
          %dma_wait3A_1082 = arith.constant 0 : i32
          %dma_wait3A_1083 = arith.constant 0 : i32
          %dma_wait3A_1084 = tpu.memref_slice %arg8[%run_scoped3A_1029, %dma_wait3A_1082, %dma_wait3A_1083] : memref<2x2x128xi32, #tpu.memory_space<vmem>> -> memref<1x2x128xi32, #tpu.memory_space<vmem>>
          %dma_wait3A_1085 = tpu.memref_squeeze %dma_wait3A_1084 : memref<1x2x128xi32, #tpu.memory_space<vmem>> -> memref<2x128xi32, #tpu.memory_space<vmem>>
          %dma_wait3A_1086 = arith.constant 0 : i32
          %dma_wait3A_1087 = arith.constant 0 : i32
          %dma_wait3A_1088 = tpu.memref_slice %arg5[%add3A, %add3A_1028, %dma_wait3A_1086, %dma_wait3A_1087] : memref<32x82x2x128xi32, #tpu.memory_space<hbm>> -> memref<1x1x2x128xi32, #tpu.memory_space<hbm>>
          %dma_wait3A_1089 = tpu.memref_squeeze %dma_wait3A_1088 : memref<1x1x2x128xi32, #tpu.memory_space<hbm>> -> memref<2x128xi32, #tpu.memory_space<hbm>>
          %dma_wait3A_1090 = arith.constant 0 : i32
          %dma_wait3A_1091 = arith.constant 0 : i32
          %dma_wait3A_1092 = tpu.memref_slice %arg8[%run_scoped3A_1029, %dma_wait3A_1090, %dma_wait3A_1091] : memref<2x2x128xi32, #tpu.memory_space<vmem>> -> memref<1x2x128xi32, #tpu.memory_space<vmem>>
          %dma_wait3A_1093 = tpu.memref_squeeze %dma_wait3A_1092 : memref<1x2x128xi32, #tpu.memory_space<vmem>> -> memref<2x128xi32, #tpu.memory_space<vmem>>
          %dma_wait3A_1094 = arith.constant 0 : i32
          %dma_wait3A_1095 = arith.constant 0 : i32
          %dma_wait3A_1096 = tpu.memref_slice %arg5[%add3A, %add3A_1028, %dma_wait3A_1094, %dma_wait3A_1095] : memref<32x82x2x128xi32, #tpu.memory_space<hbm>> -> memref<1x1x2x128xi32, #tpu.memory_space<hbm>>
          %dma_wait3A_1097 = tpu.memref_squeeze %dma_wait3A_1096 : memref<1x1x2x128xi32, #tpu.memory_space<hbm>> -> memref<2x128xi32, #tpu.memory_space<hbm>>
          tpu.wait_dma2 semaphore(%run_scoped3A_1065 : memref<!tpu.dma_semaphore, #tpu.memory_space<semaphore_mem>>) src(%dma_wait3A_1097 : memref<2x128xi32, #tpu.memory_space<hbm>>) dst(%dma_wait3A_1093 : memref<2x128xi32, #tpu.memory_space<vmem>>)
          tpu.yield
        }) : () -> ()
        %dma_start3A_1030 = arith.constant 0 : i32
        %dma_start3A_1031 = arith.constant 0 : i32
        %dma_start3A_1032 = arith.constant 0 : i32
        %dma_start3A_1033 = arith.constant 0 : i32
        %dma_start3A_1034 = tpu.memref_slice %arg10[%dma_start3A_1032, %dma_start3A_1033] : memref<2x128xf32, #tpu.memory_space<vmem>> -> memref<1x128xf32, #tpu.memory_space<vmem>>
        %dma_start3A_1035 = tpu.memref_squeeze %dma_start3A_1034 : memref<1x128xf32, #tpu.memory_space<vmem>> -> memref<128xf32, #tpu.memory_space<vmem>>
        %dma_start3A_1036 = arith.constant 0 : i32
        %dma_start3A_1037 = tpu.memref_slice %arg8[%dma_start3A_1030, %dma_start3A_1031, %dma_start3A_1036] : memref<2x2x128xi32, #tpu.memory_space<vmem>> -> memref<1x1x128xi32, #tpu.memory_space<vmem>>
        %dma_start3A_1038 = tpu.memref_squeeze %dma_start3A_1037 : memref<1x1x128xi32, #tpu.memory_space<vmem>> -> memref<128xi32, #tpu.memory_space<vmem>>
        %dma_start3A_1039 = arith.constant 0 : i32
        %dma_start3A_1040 = tpu.memref_slice %arg3[%dma_start3A_1039] : memref<10240xf32, #tpu.memory_space<hbm>> -> memref<10240xf32, #tpu.memory_space<hbm>>
        tpu.enqueue_indirect_dma source(%dma_start3A_1040 : memref<10240xf32, #tpu.memory_space<hbm>>) target(%dma_start3A_1035 : memref<128xf32, #tpu.memory_space<vmem>>) offsets(%dma_start3A_1038 : memref<128xi32, #tpu.memory_space<vmem>>) semaphore(%arg17 : memref<!tpu.dma_semaphore, #tpu.memory_space<semaphore_mem>>)
        %dma_start3A_1041 = arith.constant 0 : i32
        %dma_start3A_1042 = arith.constant 1 : i32
        %dma_start3A_1043 = arith.constant 0 : i32
        %dma_start3A_1044 = arith.constant 0 : i32
        %dma_start3A_1045 = tpu.memref_slice %arg11[%dma_start3A_1043, %dma_start3A_1044] : memref<2x128xf32, #tpu.memory_space<vmem>> -> memref<1x128xf32, #tpu.memory_space<vmem>>
        %dma_start3A_1046 = tpu.memref_squeeze %dma_start3A_1045 : memref<1x128xf32, #tpu.memory_space<vmem>> -> memref<128xf32, #tpu.memory_space<vmem>>
        %dma_start3A_1047 = arith.constant 0 : i32
        %dma_start3A_1048 = tpu.memref_slice %arg8[%dma_start3A_1041, %dma_start3A_1042, %dma_start3A_1047] : memref<2x2x128xi32, #tpu.memory_space<vmem>> -> memref<1x1x128xi32, #tpu.memory_space<vmem>>
        %dma_start3A_1049 = tpu.memref_squeeze %dma_start3A_1048 : memref<1x1x128xi32, #tpu.memory_space<vmem>> -> memref<128xi32, #tpu.memory_space<vmem>>
        %dma_start3A_1050 = arith.constant 0 : i32
        %dma_start3A_1051 = tpu.memref_slice %arg4[%dma_start3A_1050] : memref<10240xf32, #tpu.memory_space<hbm>> -> memref<10240xf32, #tpu.memory_space<hbm>>
        tpu.enqueue_indirect_dma source(%dma_start3A_1051 : memref<10240xf32, #tpu.memory_space<hbm>>) target(%dma_start3A_1046 : memref<128xf32, #tpu.memory_space<vmem>>) offsets(%dma_start3A_1049 : memref<128xi32, #tpu.memory_space<vmem>>) semaphore(%arg19 : memref<!tpu.dma_semaphore, #tpu.memory_space<semaphore_mem>>)
        %dma_start3A_1052 = arith.constant 0 : i32
        %dma_start3A_1053 = arith.constant 0 : i32
        %dma_start3A_1054 = arith.constant 0 : i32
        %dma_start3A_1055 = arith.constant 0 : i32
        %dma_start3A_1056 = arith.constant 0 : i32
        %dma_start3A_1057 = tpu.memref_slice %arg13[%dma_start3A_1054, %dma_start3A_1055, %dma_start3A_1056] : memref<2x128x64xi32, #tpu.memory_space<vmem>> -> memref<1x128x64xi32, #tpu.memory_space<vmem>>
        %dma_start3A_1058 = tpu.memref_squeeze %dma_start3A_1057 : memref<1x128x64xi32, #tpu.memory_space<vmem>> -> memref<128x64xi32, #tpu.memory_space<vmem>>
        %dma_start3A_1059 = arith.constant 0 : i32
        %dma_start3A_1060 = tpu.memref_slice %arg8[%dma_start3A_1052, %dma_start3A_1053, %dma_start3A_1059] : memref<2x2x128xi32, #tpu.memory_space<vmem>> -> memref<1x1x128xi32, #tpu.memory_space<vmem>>
        %dma_start3A_1061 = tpu.memref_squeeze %dma_start3A_1060 : memref<1x1x128xi32, #tpu.memory_space<vmem>> -> memref<128xi32, #tpu.memory_space<vmem>>
        %dma_start3A_1062 = arith.constant 0 : i32
        %dma_start3A_1063 = arith.constant 0 : i32
        %dma_start3A_1064 = tpu.memref_slice %arg2[%dma_start3A_1062, %dma_start3A_1063] : memref<10240x64xi32, #tpu.memory_space<hbm>> -> memref<10240x64xi32, #tpu.memory_space<hbm>>
        tpu.enqueue_indirect_dma source(%dma_start3A_1064 : memref<10240x64xi32, #tpu.memory_space<hbm>>) target(%dma_start3A_1058 : memref<128x64xi32, #tpu.memory_space<vmem>>) offsets(%dma_start3A_1061 : memref<128xi32, #tpu.memory_space<vmem>>) semaphore(%arg21 : memref<!tpu.dma_semaphore, #tpu.memory_space<semaphore_mem>>)
      } else {
      }
      %add3A_597 = arith.constant 1 : i32
      %add3A_598 = arith.addi %mul3A_135, %add3A_597 : i32
      %dma_wait3A_599 = arith.constant 1 : i32
      %dma_wait3A_600 = arith.constant 0 : i32
      %dma_wait3A_601 = arith.constant 1 : i32
      %dma_wait3A_602 = arith.constant 0 : i32
      %dma_wait3A_603 = tpu.memref_slice %arg10[%dma_wait3A_601, %dma_wait3A_602] : memref<2x128xf32, #tpu.memory_space<vmem>> -> memref<1x128xf32, #tpu.memory_space<vmem>>
      %dma_wait3A_604 = tpu.memref_squeeze %dma_wait3A_603 : memref<1x128xf32, #tpu.memory_space<vmem>> -> memref<128xf32, #tpu.memory_space<vmem>>
      %dma_wait3A_605 = arith.constant 0 : i32
      %dma_wait3A_606 = tpu.memref_slice %arg8[%dma_wait3A_599, %dma_wait3A_600, %dma_wait3A_605] : memref<2x2x128xi32, #tpu.memory_space<vmem>> -> memref<1x1x128xi32, #tpu.memory_space<vmem>>
      %dma_wait3A_607 = tpu.memref_squeeze %dma_wait3A_606 : memref<1x1x128xi32, #tpu.memory_space<vmem>> -> memref<128xi32, #tpu.memory_space<vmem>>
      %dma_wait3A_608 = arith.constant 0 : i32
      %dma_wait3A_609 = tpu.memref_slice %arg3[%dma_wait3A_608] : memref<10240xf32, #tpu.memory_space<hbm>> -> memref<10240xf32, #tpu.memory_space<hbm>>
      tpu.wait_indirect_dma semaphore(%arg18 : memref<!tpu.dma_semaphore, #tpu.memory_space<semaphore_mem>>) src(%dma_wait3A_609 : memref<10240xf32, #tpu.memory_space<hbm>>) dst(%dma_wait3A_604 : memref<128xf32, #tpu.memory_space<vmem>>)
      %dma_wait3A_610 = arith.constant 1 : i32
      %dma_wait3A_611 = arith.constant 1 : i32
      %dma_wait3A_612 = arith.constant 1 : i32
      %dma_wait3A_613 = arith.constant 0 : i32
      %dma_wait3A_614 = tpu.memref_slice %arg11[%dma_wait3A_612, %dma_wait3A_613] : memref<2x128xf32, #tpu.memory_space<vmem>> -> memref<1x128xf32, #tpu.memory_space<vmem>>
      %dma_wait3A_615 = tpu.memref_squeeze %dma_wait3A_614 : memref<1x128xf32, #tpu.memory_space<vmem>> -> memref<128xf32, #tpu.memory_space<vmem>>
      %dma_wait3A_616 = arith.constant 0 : i32
      %dma_wait3A_617 = tpu.memref_slice %arg8[%dma_wait3A_610, %dma_wait3A_611, %dma_wait3A_616] : memref<2x2x128xi32, #tpu.memory_space<vmem>> -> memref<1x1x128xi32, #tpu.memory_space<vmem>>
      %dma_wait3A_618 = tpu.memref_squeeze %dma_wait3A_617 : memref<1x1x128xi32, #tpu.memory_space<vmem>> -> memref<128xi32, #tpu.memory_space<vmem>>
      %dma_wait3A_619 = arith.constant 0 : i32
      %dma_wait3A_620 = tpu.memref_slice %arg4[%dma_wait3A_619] : memref<10240xf32, #tpu.memory_space<hbm>> -> memref<10240xf32, #tpu.memory_space<hbm>>
      tpu.wait_indirect_dma semaphore(%arg20 : memref<!tpu.dma_semaphore, #tpu.memory_space<semaphore_mem>>) src(%dma_wait3A_620 : memref<10240xf32, #tpu.memory_space<hbm>>) dst(%dma_wait3A_615 : memref<128xf32, #tpu.memory_space<vmem>>)
      %ge3A_621 = arith.constant 2 : i32
      %ge3A_622 = arith.cmpi sge, %add3A_598, %ge3A_621 : i32
      %convert_element_type3A_623 = arith.extui %ge3A_622 : i1 to i32
      %cond3A_624 = arith.constant 0 : i32
      %cond3A_625 = arith.cmpi ne, %convert_element_type3A_623, %cond3A_624 : i32
      scf.if %cond3A_625 {
        %dma_wait3A_1027 = arith.constant 1 : i32
        %dma_wait3A_1028 = arith.constant 0 : i32
        %dma_wait3A_1029 = tpu.memref_slice %arg12[%dma_wait3A_1027, %dma_wait3A_1028] : memref<2x128xf32, #tpu.memory_space<vmem>> -> memref<1x128xf32, #tpu.memory_space<vmem>>
        %dma_wait3A_1030 = tpu.memref_squeeze %dma_wait3A_1029 : memref<1x128xf32, #tpu.memory_space<vmem>> -> memref<128xf32, #tpu.memory_space<vmem>>
        %dma_wait3A_1031 = arith.constant 0 : i32
        %dma_wait3A_1032 = tpu.memref_slice %arg3[%dma_wait3A_1031] : memref<10240xf32, #tpu.memory_space<hbm>> -> memref<128xf32, #tpu.memory_space<hbm>>
        %dma_wait3A_1033 = arith.constant 0 : i32
        %dma_wait3A_1034 = tpu.memref_slice %arg12[%dma_wait3A_1027, %dma_wait3A_1033] : memref<2x128xf32, #tpu.memory_space<vmem>> -> memref<1x128xf32, #tpu.memory_space<vmem>>
        %dma_wait3A_1035 = tpu.memref_squeeze %dma_wait3A_1034 : memref<1x128xf32, #tpu.memory_space<vmem>> -> memref<128xf32, #tpu.memory_space<vmem>>
        %dma_wait3A_1036 = arith.constant 0 : i32
        %dma_wait3A_1037 = tpu.memref_slice %arg3[%dma_wait3A_1036] : memref<10240xf32, #tpu.memory_space<hbm>> -> memref<128xf32, #tpu.memory_space<hbm>>
        tpu.wait_dma2 semaphore(%arg24 : memref<!tpu.dma_semaphore, #tpu.memory_space<semaphore_mem>>) src(%dma_wait3A_1037 : memref<128xf32, #tpu.memory_space<hbm>>) dst(%dma_wait3A_1035 : memref<128xf32, #tpu.memory_space<vmem>>)
      } else {
      }
      %ge3A_626 = arith.constant 1 : i32
      %ge3A_627 = arith.cmpi sge, %add3A_598, %ge3A_626 : i32
      %convert_element_type3A_628 = arith.extui %ge3A_627 : i1 to i32
      %cond3A_629 = arith.constant 0 : i32
      %cond3A_630 = arith.cmpi ne, %convert_element_type3A_628, %cond3A_629 : i32
      scf.if %cond3A_630 {
        %dma_wait3A_1027 = arith.constant 0 : i32
        %dma_wait3A_1028 = arith.constant 0 : i32
        %dma_wait3A_1029 = arith.constant 0 : i32
        %dma_wait3A_1030 = tpu.memref_slice %arg6[%dma_wait3A_1027, %dma_wait3A_1028, %dma_wait3A_1029] : memref<2x10240x128xf32, #tpu.memory_space<hbm>> -> memref<1x128x128xf32, #tpu.memory_space<hbm>>
        %dma_wait3A_1031 = tpu.memref_squeeze %dma_wait3A_1030 : memref<1x128x128xf32, #tpu.memory_space<hbm>> -> memref<128x128xf32, #tpu.memory_space<hbm>>
        %dma_wait3A_1032 = arith.constant 0 : i32
        %dma_wait3A_1033 = arith.constant 0 : i32
        %dma_wait3A_1034 = tpu.memref_slice %arg6[%dma_wait3A_1027, %dma_wait3A_1032, %dma_wait3A_1033] : memref<2x10240x128xf32, #tpu.memory_space<hbm>> -> memref<1x128x128xf32, #tpu.memory_space<hbm>>
        %dma_wait3A_1035 = tpu.memref_squeeze %dma_wait3A_1034 : memref<1x128x128xf32, #tpu.memory_space<hbm>> -> memref<128x128xf32, #tpu.memory_space<hbm>>
        tpu.wait_dma2 semaphore(%arg25 : memref<!tpu.dma_semaphore, #tpu.memory_space<semaphore_mem>>) src(%dma_wait3A_1035 : memref<128x128xf32, #tpu.memory_space<hbm>>) dst(%arg14 : memref<128x128xf32, #tpu.memory_space<vmem>>)
      } else {
      }
      %get3A_631 = arith.constant 1 : i32
      %get3A_632 = arith.constant 1 : i32
      %get3A_633 = arith.index_cast %get3A_631 : i32 to index
      %get3A_634 = arith.index_cast %get3A_632 : i32 to index
      %get3A_635 = arith.constant 0 : index
      %get3A_636 = tpu.vector_load %arg8[%get3A_633, %get3A_634, %get3A_635] {strides = array<i32>} : memref<2x2x128xi32, #tpu.memory_space<vmem>>, vector<16xi32>,
      %swap3A_637 = arith.constant 1 : i32
      %swap3A_638 = arith.index_cast %swap3A_637 : i32 to index
      %swap3A_639 = arith.constant 0 : index
      %swap3A_640 = tpu.vector_load %arg9[%swap3A_638, %swap3A_639] {strides = array<i32>} : memref<2x128xi32, #tpu.memory_space<vmem>>, vector<16xi32>,
      tpu.vector_store %arg9[%swap3A_638, %swap3A_639], %get3A_636 {strides = array<i32>} : memref<2x128xi32, #tpu.memory_space<vmem>>, vector<16xi32>,
      %get3A_641 = arith.constant 1 : i32
      %get3A_642 = arith.constant 1 : i32
      %get3A_643 = arith.index_cast %get3A_641 : i32 to index
      %get3A_644 = arith.index_cast %get3A_642 : i32 to index
      %get3A_645 = arith.constant 16 : index
      %get3A_646 = tpu.vector_load %arg8[%get3A_643, %get3A_644, %get3A_645] {strides = array<i32>} : memref<2x2x128xi32, #tpu.memory_space<vmem>>, vector<16xi32>,
      %swap3A_647 = arith.constant 1 : i32
      %swap3A_648 = arith.index_cast %swap3A_647 : i32 to index
      %swap3A_649 = arith.constant 16 : index
      %swap3A_650 = tpu.vector_load %arg9[%swap3A_648, %swap3A_649] {strides = array<i32>} : memref<2x128xi32, #tpu.memory_space<vmem>>, vector<16xi32>,
      tpu.vector_store %arg9[%swap3A_648, %swap3A_649], %get3A_646 {strides = array<i32>} : memref<2x128xi32, #tpu.memory_space<vmem>>, vector<16xi32>,
      %get3A_651 = arith.constant 1 : i32
      %get3A_652 = arith.constant 1 : i32
      %get3A_653 = arith.index_cast %get3A_651 : i32 to index
      %get3A_654 = arith.index_cast %get3A_652 : i32 to index
      %get3A_655 = arith.constant 32 : index
      %get3A_656 = tpu.vector_load %arg8[%get3A_653, %get3A_654, %get3A_655] {strides = array<i32>} : memref<2x2x128xi32, #tpu.memory_space<vmem>>, vector<16xi32>,
      %swap3A_657 = arith.constant 1 : i32
      %swap3A_658 = arith.index_cast %swap3A_657 : i32 to index
      %swap3A_659 = arith.constant 32 : index
      %swap3A_660 = tpu.vector_load %arg9[%swap3A_658, %swap3A_659] {strides = array<i32>} : memref<2x128xi32, #tpu.memory_space<vmem>>, vector<16xi32>,
      tpu.vector_store %arg9[%swap3A_658, %swap3A_659], %get3A_656 {strides = array<i32>} : memref<2x128xi32, #tpu.memory_space<vmem>>, vector<16xi32>,
      %get3A_661 = arith.constant 1 : i32
      %get3A_662 = arith.constant 1 : i32
      %get3A_663 = arith.index_cast %get3A_661 : i32 to index
      %get3A_664 = arith.index_cast %get3A_662 : i32 to index
      %get3A_665 = arith.constant 48 : index
      %get3A_666 = tpu.vector_load %arg8[%get3A_663, %get3A_664, %get3A_665] {strides = array<i32>} : memref<2x2x128xi32, #tpu.memory_space<vmem>>, vector<16xi32>,
      %swap3A_667 = arith.constant 1 : i32
      %swap3A_668 = arith.index_cast %swap3A_667 : i32 to index
      %swap3A_669 = arith.constant 48 : index
      %swap3A_670 = tpu.vector_load %arg9[%swap3A_668, %swap3A_669] {strides = array<i32>} : memref<2x128xi32, #tpu.memory_space<vmem>>, vector<16xi32>,
      tpu.vector_store %arg9[%swap3A_668, %swap3A_669], %get3A_666 {strides = array<i32>} : memref<2x128xi32, #tpu.memory_space<vmem>>, vector<16xi32>,
      %get3A_671 = arith.constant 1 : i32
      %get3A_672 = arith.constant 1 : i32
      %get3A_673 = arith.index_cast %get3A_671 : i32 to index
      %get3A_674 = arith.index_cast %get3A_672 : i32 to index
      %get3A_675 = arith.constant 64 : index
      %get3A_676 = tpu.vector_load %arg8[%get3A_673, %get3A_674, %get3A_675] {strides = array<i32>} : memref<2x2x128xi32, #tpu.memory_space<vmem>>, vector<16xi32>,
      %swap3A_677 = arith.constant 1 : i32
      %swap3A_678 = arith.index_cast %swap3A_677 : i32 to index
      %swap3A_679 = arith.constant 64 : index
      %swap3A_680 = tpu.vector_load %arg9[%swap3A_678, %swap3A_679] {strides = array<i32>} : memref<2x128xi32, #tpu.memory_space<vmem>>, vector<16xi32>,
      tpu.vector_store %arg9[%swap3A_678, %swap3A_679], %get3A_676 {strides = array<i32>} : memref<2x128xi32, #tpu.memory_space<vmem>>, vector<16xi32>,
      %get3A_681 = arith.constant 1 : i32
      %get3A_682 = arith.constant 1 : i32
      %get3A_683 = arith.index_cast %get3A_681 : i32 to index
      %get3A_684 = arith.index_cast %get3A_682 : i32 to index
      %get3A_685 = arith.constant 80 : index
      %get3A_686 = tpu.vector_load %arg8[%get3A_683, %get3A_684, %get3A_685] {strides = array<i32>} : memref<2x2x128xi32, #tpu.memory_space<vmem>>, vector<16xi32>,
      %swap3A_687 = arith.constant 1 : i32
      %swap3A_688 = arith.index_cast %swap3A_687 : i32 to index
      %swap3A_689 = arith.constant 80 : index
      %swap3A_690 = tpu.vector_load %arg9[%swap3A_688, %swap3A_689] {strides = array<i32>} : memref<2x128xi32, #tpu.memory_space<vmem>>, vector<16xi32>,
      tpu.vector_store %arg9[%swap3A_688, %swap3A_689], %get3A_686 {strides = array<i32>} : memref<2x128xi32, #tpu.memory_space<vmem>>, vector<16xi32>,
      %get3A_691 = arith.constant 1 : i32
      %get3A_692 = arith.constant 1 : i32
      %get3A_693 = arith.index_cast %get3A_691 : i32 to index
      %get3A_694 = arith.index_cast %get3A_692 : i32 to index
      %get3A_695 = arith.constant 96 : index
      %get3A_696 = tpu.vector_load %arg8[%get3A_693, %get3A_694, %get3A_695] {strides = array<i32>} : memref<2x2x128xi32, #tpu.memory_space<vmem>>, vector<16xi32>,
      %swap3A_697 = arith.constant 1 : i32
      %swap3A_698 = arith.index_cast %swap3A_697 : i32 to index
      %swap3A_699 = arith.constant 96 : index
      %swap3A_700 = tpu.vector_load %arg9[%swap3A_698, %swap3A_699] {strides = array<i32>} : memref<2x128xi32, #tpu.memory_space<vmem>>, vector<16xi32>,
      tpu.vector_store %arg9[%swap3A_698, %swap3A_699], %get3A_696 {strides = array<i32>} : memref<2x128xi32, #tpu.memory_space<vmem>>, vector<16xi32>,
      %get3A_701 = arith.constant 1 : i32
      %get3A_702 = arith.constant 1 : i32
      %get3A_703 = arith.index_cast %get3A_701 : i32 to index
      %get3A_704 = arith.index_cast %get3A_702 : i32 to index
      %get3A_705 = arith.constant 112 : index
      %get3A_706 = tpu.vector_load %arg8[%get3A_703, %get3A_704, %get3A_705] {strides = array<i32>} : memref<2x2x128xi32, #tpu.memory_space<vmem>>, vector<16xi32>,
      %swap3A_707 = arith.constant 1 : i32
      %swap3A_708 = arith.index_cast %swap3A_707 : i32 to index
      %swap3A_709 = arith.constant 112 : index
      %swap3A_710 = tpu.vector_load %arg9[%swap3A_708, %swap3A_709] {strides = array<i32>} : memref<2x128xi32, #tpu.memory_space<vmem>>, vector<16xi32>,
      tpu.vector_store %arg9[%swap3A_708, %swap3A_709], %get3A_706 {strides = array<i32>} : memref<2x128xi32, #tpu.memory_space<vmem>>, vector<16xi32>,
      %get3A_711 = arith.constant 1 : i32
      %get3A_712 = arith.index_cast %get3A_711 : i32 to index
      %get3A_713 = arith.constant 0 : index
      %get3A_714 = tpu.vector_load %arg10[%get3A_712, %get3A_713] {strides = array<i32>} : memref<2x128xf32, #tpu.memory_space<vmem>>, vector<16xf32>,
      %get3A_715 = arith.constant 1 : i32
      %get3A_716 = arith.index_cast %get3A_715 : i32 to index
      %get3A_717 = arith.constant 0 : index
      %get3A_718 = tpu.vector_load %arg11[%get3A_716, %get3A_717] {strides = array<i32>} : memref<2x128xf32, #tpu.memory_space<vmem>>, vector<16xf32>,
      %add3A_719 = arith.addf %get3A_714, %get3A_718 : vector<16xf32>
      %ge3A_720 = arith.constant 0.000000e+00 : f32
      %ge3A_721 = vector.broadcast %ge3A_720 : f32 to vector<16xf32>
      %ge3A_722 = arith.cmpf oge, %add3A_719, %ge3A_721 : vector<16xf32>
      %mul3A_723 = arith.constant 2.000000e-01 : f32
      %mul3A_724 = vector.broadcast %mul3A_723 : f32 to vector<16xf32>
      %mul3A_725 = arith.mulf %add3A_719, %mul3A_724 : vector<16xf32>
      %select_n3A_726 = arith.select %ge3A_722, %add3A_719, %mul3A_725 : vector<16xi1>, vector<16xf32>
      %exp3A_727 = math.exp %select_n3A_726 : vector<16xf32>
      %mul3A_728 = arith.constant 128 : i32
      %mul3A_729 = arith.muli %add3A_598, %mul3A_728 : i32
      %add3A_730 = arith.addi %mul3A_32, %mul3A_729 : i32
      %add3A_731 = arith.constant 0 : i32
      %add3A_732 = arith.addi %add3A_730, %add3A_731 : i32
      %iota3A_733 = tpu.iota {dimensions = array<i32: 0>} : vector<16xi32>
      %add3A_734 = vector.broadcast %add3A_732 : i32 to vector<16xi32>
      %add3A_735 = arith.addi %add3A_734, %iota3A_733 : vector<16xi32>
      %lt3A_736 = arith.constant 330000 : i32
      %lt3A_737 = vector.broadcast %lt3A_736 : i32 to vector<16xi32>
      %lt3A_738 = arith.cmpi slt, %add3A_735, %lt3A_737 : vector<16xi32>
      %jit3A_739 = arith.constant 0.000000e+00 : f32
      %broadcast_in_dim3A_740 = vector.broadcast %jit3A_739 : f32 to vector<16xf32>
      %select_n3A_741 = arith.select %lt3A_738, %exp3A_727, %broadcast_in_dim3A_740 : vector<16xi1>, vector<16xf32>
      %swap3A_742 = arith.constant 1 : i32
      %swap3A_743 = arith.index_cast %swap3A_742 : i32 to index
      %swap3A_744 = arith.constant 0 : index
      %swap3A_745 = tpu.vector_load %arg12[%swap3A_743, %swap3A_744] {strides = array<i32>} : memref<2x128xf32, #tpu.memory_space<vmem>>, vector<16xf32>,
      tpu.vector_store %arg12[%swap3A_743, %swap3A_744], %select_n3A_741 {strides = array<i32>} : memref<2x128xf32, #tpu.memory_space<vmem>>, vector<16xf32>,
      %get3A_746 = arith.constant 1 : i32
      %get3A_747 = arith.index_cast %get3A_746 : i32 to index
      %get3A_748 = arith.constant 16 : index
      %get3A_749 = tpu.vector_load %arg10[%get3A_747, %get3A_748] {strides = array<i32>} : memref<2x128xf32, #tpu.memory_space<vmem>>, vector<16xf32>,
      %get3A_750 = arith.constant 1 : i32
      %get3A_751 = arith.index_cast %get3A_750 : i32 to index
      %get3A_752 = arith.constant 16 : index
      %get3A_753 = tpu.vector_load %arg11[%get3A_751, %get3A_752] {strides = array<i32>} : memref<2x128xf32, #tpu.memory_space<vmem>>, vector<16xf32>,
      %add3A_754 = arith.addf %get3A_749, %get3A_753 : vector<16xf32>
      %ge3A_755 = arith.constant 0.000000e+00 : f32
      %ge3A_756 = vector.broadcast %ge3A_755 : f32 to vector<16xf32>
      %ge3A_757 = arith.cmpf oge, %add3A_754, %ge3A_756 : vector<16xf32>
      %mul3A_758 = arith.constant 2.000000e-01 : f32
      %mul3A_759 = vector.broadcast %mul3A_758 : f32 to vector<16xf32>
      %mul3A_760 = arith.mulf %add3A_754, %mul3A_759 : vector<16xf32>
      %select_n3A_761 = arith.select %ge3A_757, %add3A_754, %mul3A_760 : vector<16xi1>, vector<16xf32>
      %exp3A_762 = math.exp %select_n3A_761 : vector<16xf32>
      %mul3A_763 = arith.constant 128 : i32
      %mul3A_764 = arith.muli %add3A_598, %mul3A_763 : i32
      %add3A_765 = arith.addi %mul3A_32, %mul3A_764 : i32
      %add3A_766 = arith.constant 16 : i32
      %add3A_767 = arith.addi %add3A_765, %add3A_766 : i32
      %iota3A_768 = tpu.iota {dimensions = array<i32: 0>} : vector<16xi32>
      %add3A_769 = vector.broadcast %add3A_767 : i32 to vector<16xi32>
      %add3A_770 = arith.addi %add3A_769, %iota3A_768 : vector<16xi32>
      %lt3A_771 = arith.constant 330000 : i32
      %lt3A_772 = vector.broadcast %lt3A_771 : i32 to vector<16xi32>
      %lt3A_773 = arith.cmpi slt, %add3A_770, %lt3A_772 : vector<16xi32>
      %jit3A_774 = arith.constant 0.000000e+00 : f32
      %broadcast_in_dim3A_775 = vector.broadcast %jit3A_774 : f32 to vector<16xf32>
      %select_n3A_776 = arith.select %lt3A_773, %exp3A_762, %broadcast_in_dim3A_775 : vector<16xi1>, vector<16xf32>
      %swap3A_777 = arith.constant 1 : i32
      %swap3A_778 = arith.index_cast %swap3A_777 : i32 to index
      %swap3A_779 = arith.constant 16 : index
      %swap3A_780 = tpu.vector_load %arg12[%swap3A_778, %swap3A_779] {strides = array<i32>} : memref<2x128xf32, #tpu.memory_space<vmem>>, vector<16xf32>,
      tpu.vector_store %arg12[%swap3A_778, %swap3A_779], %select_n3A_776 {strides = array<i32>} : memref<2x128xf32, #tpu.memory_space<vmem>>, vector<16xf32>,
      %get3A_781 = arith.constant 1 : i32
      %get3A_782 = arith.index_cast %get3A_781 : i32 to index
      %get3A_783 = arith.constant 32 : index
      %get3A_784 = tpu.vector_load %arg10[%get3A_782, %get3A_783] {strides = array<i32>} : memref<2x128xf32, #tpu.memory_space<vmem>>, vector<16xf32>,
      %get3A_785 = arith.constant 1 : i32
      %get3A_786 = arith.index_cast %get3A_785 : i32 to index
      %get3A_787 = arith.constant 32 : index
      %get3A_788 = tpu.vector_load %arg11[%get3A_786, %get3A_787] {strides = array<i32>} : memref<2x128xf32, #tpu.memory_space<vmem>>, vector<16xf32>,
      %add3A_789 = arith.addf %get3A_784, %get3A_788 : vector<16xf32>
      %ge3A_790 = arith.constant 0.000000e+00 : f32
      %ge3A_791 = vector.broadcast %ge3A_790 : f32 to vector<16xf32>
      %ge3A_792 = arith.cmpf oge, %add3A_789, %ge3A_791 : vector<16xf32>
      %mul3A_793 = arith.constant 2.000000e-01 : f32
      %mul3A_794 = vector.broadcast %mul3A_793 : f32 to vector<16xf32>
      %mul3A_795 = arith.mulf %add3A_789, %mul3A_794 : vector<16xf32>
      %select_n3A_796 = arith.select %ge3A_792, %add3A_789, %mul3A_795 : vector<16xi1>, vector<16xf32>
      %exp3A_797 = math.exp %select_n3A_796 : vector<16xf32>
      %mul3A_798 = arith.constant 128 : i32
      %mul3A_799 = arith.muli %add3A_598, %mul3A_798 : i32
      %add3A_800 = arith.addi %mul3A_32, %mul3A_799 : i32
      %add3A_801 = arith.constant 32 : i32
      %add3A_802 = arith.addi %add3A_800, %add3A_801 : i32
      %iota3A_803 = tpu.iota {dimensions = array<i32: 0>} : vector<16xi32>
      %add3A_804 = vector.broadcast %add3A_802 : i32 to vector<16xi32>
      %add3A_805 = arith.addi %add3A_804, %iota3A_803 : vector<16xi32>
      %lt3A_806 = arith.constant 330000 : i32
      %lt3A_807 = vector.broadcast %lt3A_806 : i32 to vector<16xi32>
      %lt3A_808 = arith.cmpi slt, %add3A_805, %lt3A_807 : vector<16xi32>
      %jit3A_809 = arith.constant 0.000000e+00 : f32
      %broadcast_in_dim3A_810 = vector.broadcast %jit3A_809 : f32 to vector<16xf32>
      %select_n3A_811 = arith.select %lt3A_808, %exp3A_797, %broadcast_in_dim3A_810 : vector<16xi1>, vector<16xf32>
      %swap3A_812 = arith.constant 1 : i32
      %swap3A_813 = arith.index_cast %swap3A_812 : i32 to index
      %swap3A_814 = arith.constant 32 : index
      %swap3A_815 = tpu.vector_load %arg12[%swap3A_813, %swap3A_814] {strides = array<i32>} : memref<2x128xf32, #tpu.memory_space<vmem>>, vector<16xf32>,
      tpu.vector_store %arg12[%swap3A_813, %swap3A_814], %select_n3A_811 {strides = array<i32>} : memref<2x128xf32, #tpu.memory_space<vmem>>, vector<16xf32>,
      %get3A_816 = arith.constant 1 : i32
      %get3A_817 = arith.index_cast %get3A_816 : i32 to index
      %get3A_818 = arith.constant 48 : index
      %get3A_819 = tpu.vector_load %arg10[%get3A_817, %get3A_818] {strides = array<i32>} : memref<2x128xf32, #tpu.memory_space<vmem>>, vector<16xf32>,
      %get3A_820 = arith.constant 1 : i32
      %get3A_821 = arith.index_cast %get3A_820 : i32 to index
      %get3A_822 = arith.constant 48 : index
      %get3A_823 = tpu.vector_load %arg11[%get3A_821, %get3A_822] {strides = array<i32>} : memref<2x128xf32, #tpu.memory_space<vmem>>, vector<16xf32>,
      %add3A_824 = arith.addf %get3A_819, %get3A_823 : vector<16xf32>
      %ge3A_825 = arith.constant 0.000000e+00 : f32
      %ge3A_826 = vector.broadcast %ge3A_825 : f32 to vector<16xf32>
      %ge3A_827 = arith.cmpf oge, %add3A_824, %ge3A_826 : vector<16xf32>
      %mul3A_828 = arith.constant 2.000000e-01 : f32
      %mul3A_829 = vector.broadcast %mul3A_828 : f32 to vector<16xf32>
      %mul3A_830 = arith.mulf %add3A_824, %mul3A_829 : vector<16xf32>
      %select_n3A_831 = arith.select %ge3A_827, %add3A_824, %mul3A_830 : vector<16xi1>, vector<16xf32>
      %exp3A_832 = math.exp %select_n3A_831 : vector<16xf32>
      %mul3A_833 = arith.constant 128 : i32
      %mul3A_834 = arith.muli %add3A_598, %mul3A_833 : i32
      %add3A_835 = arith.addi %mul3A_32, %mul3A_834 : i32
      %add3A_836 = arith.constant 48 : i32
      %add3A_837 = arith.addi %add3A_835, %add3A_836 : i32
      %iota3A_838 = tpu.iota {dimensions = array<i32: 0>} : vector<16xi32>
      %add3A_839 = vector.broadcast %add3A_837 : i32 to vector<16xi32>
      %add3A_840 = arith.addi %add3A_839, %iota3A_838 : vector<16xi32>
      %lt3A_841 = arith.constant 330000 : i32
      %lt3A_842 = vector.broadcast %lt3A_841 : i32 to vector<16xi32>
      %lt3A_843 = arith.cmpi slt, %add3A_840, %lt3A_842 : vector<16xi32>
      %jit3A_844 = arith.constant 0.000000e+00 : f32
      %broadcast_in_dim3A_845 = vector.broadcast %jit3A_844 : f32 to vector<16xf32>
      %select_n3A_846 = arith.select %lt3A_843, %exp3A_832, %broadcast_in_dim3A_845 : vector<16xi1>, vector<16xf32>
      %swap3A_847 = arith.constant 1 : i32
      %swap3A_848 = arith.index_cast %swap3A_847 : i32 to index
      %swap3A_849 = arith.constant 48 : index
      %swap3A_850 = tpu.vector_load %arg12[%swap3A_848, %swap3A_849] {strides = array<i32>} : memref<2x128xf32, #tpu.memory_space<vmem>>, vector<16xf32>,
      tpu.vector_store %arg12[%swap3A_848, %swap3A_849], %select_n3A_846 {strides = array<i32>} : memref<2x128xf32, #tpu.memory_space<vmem>>, vector<16xf32>,
      %get3A_851 = arith.constant 1 : i32
      %get3A_852 = arith.index_cast %get3A_851 : i32 to index
      %get3A_853 = arith.constant 64 : index
      %get3A_854 = tpu.vector_load %arg10[%get3A_852, %get3A_853] {strides = array<i32>} : memref<2x128xf32, #tpu.memory_space<vmem>>, vector<16xf32>,
      %get3A_855 = arith.constant 1 : i32
      %get3A_856 = arith.index_cast %get3A_855 : i32 to index
      %get3A_857 = arith.constant 64 : index
      %get3A_858 = tpu.vector_load %arg11[%get3A_856, %get3A_857] {strides = array<i32>} : memref<2x128xf32, #tpu.memory_space<vmem>>, vector<16xf32>,
      %add3A_859 = arith.addf %get3A_854, %get3A_858 : vector<16xf32>
      %ge3A_860 = arith.constant 0.000000e+00 : f32
      %ge3A_861 = vector.broadcast %ge3A_860 : f32 to vector<16xf32>
      %ge3A_862 = arith.cmpf oge, %add3A_859, %ge3A_861 : vector<16xf32>
      %mul3A_863 = arith.constant 2.000000e-01 : f32
      %mul3A_864 = vector.broadcast %mul3A_863 : f32 to vector<16xf32>
      %mul3A_865 = arith.mulf %add3A_859, %mul3A_864 : vector<16xf32>
      %select_n3A_866 = arith.select %ge3A_862, %add3A_859, %mul3A_865 : vector<16xi1>, vector<16xf32>
      %exp3A_867 = math.exp %select_n3A_866 : vector<16xf32>
      %mul3A_868 = arith.constant 128 : i32
      %mul3A_869 = arith.muli %add3A_598, %mul3A_868 : i32
      %add3A_870 = arith.addi %mul3A_32, %mul3A_869 : i32
      %add3A_871 = arith.constant 64 : i32
      %add3A_872 = arith.addi %add3A_870, %add3A_871 : i32
      %iota3A_873 = tpu.iota {dimensions = array<i32: 0>} : vector<16xi32>
      %add3A_874 = vector.broadcast %add3A_872 : i32 to vector<16xi32>
      %add3A_875 = arith.addi %add3A_874, %iota3A_873 : vector<16xi32>
      %lt3A_876 = arith.constant 330000 : i32
      %lt3A_877 = vector.broadcast %lt3A_876 : i32 to vector<16xi32>
      %lt3A_878 = arith.cmpi slt, %add3A_875, %lt3A_877 : vector<16xi32>
      %jit3A_879 = arith.constant 0.000000e+00 : f32
      %broadcast_in_dim3A_880 = vector.broadcast %jit3A_879 : f32 to vector<16xf32>
      %select_n3A_881 = arith.select %lt3A_878, %exp3A_867, %broadcast_in_dim3A_880 : vector<16xi1>, vector<16xf32>
      %swap3A_882 = arith.constant 1 : i32
      %swap3A_883 = arith.index_cast %swap3A_882 : i32 to index
      %swap3A_884 = arith.constant 64 : index
      %swap3A_885 = tpu.vector_load %arg12[%swap3A_883, %swap3A_884] {strides = array<i32>} : memref<2x128xf32, #tpu.memory_space<vmem>>, vector<16xf32>,
      tpu.vector_store %arg12[%swap3A_883, %swap3A_884], %select_n3A_881 {strides = array<i32>} : memref<2x128xf32, #tpu.memory_space<vmem>>, vector<16xf32>,
      %get3A_886 = arith.constant 1 : i32
      %get3A_887 = arith.index_cast %get3A_886 : i32 to index
      %get3A_888 = arith.constant 80 : index
      %get3A_889 = tpu.vector_load %arg10[%get3A_887, %get3A_888] {strides = array<i32>} : memref<2x128xf32, #tpu.memory_space<vmem>>, vector<16xf32>,
      %get3A_890 = arith.constant 1 : i32
      %get3A_891 = arith.index_cast %get3A_890 : i32 to index
      %get3A_892 = arith.constant 80 : index
      %get3A_893 = tpu.vector_load %arg11[%get3A_891, %get3A_892] {strides = array<i32>} : memref<2x128xf32, #tpu.memory_space<vmem>>, vector<16xf32>,
      %add3A_894 = arith.addf %get3A_889, %get3A_893 : vector<16xf32>
      %ge3A_895 = arith.constant 0.000000e+00 : f32
      %ge3A_896 = vector.broadcast %ge3A_895 : f32 to vector<16xf32>
      %ge3A_897 = arith.cmpf oge, %add3A_894, %ge3A_896 : vector<16xf32>
      %mul3A_898 = arith.constant 2.000000e-01 : f32
      %mul3A_899 = vector.broadcast %mul3A_898 : f32 to vector<16xf32>
      %mul3A_900 = arith.mulf %add3A_894, %mul3A_899 : vector<16xf32>
      %select_n3A_901 = arith.select %ge3A_897, %add3A_894, %mul3A_900 : vector<16xi1>, vector<16xf32>
      %exp3A_902 = math.exp %select_n3A_901 : vector<16xf32>
      %mul3A_903 = arith.constant 128 : i32
      %mul3A_904 = arith.muli %add3A_598, %mul3A_903 : i32
      %add3A_905 = arith.addi %mul3A_32, %mul3A_904 : i32
      %add3A_906 = arith.constant 80 : i32
      %add3A_907 = arith.addi %add3A_905, %add3A_906 : i32
      %iota3A_908 = tpu.iota {dimensions = array<i32: 0>} : vector<16xi32>
      %add3A_909 = vector.broadcast %add3A_907 : i32 to vector<16xi32>
      %add3A_910 = arith.addi %add3A_909, %iota3A_908 : vector<16xi32>
      %lt3A_911 = arith.constant 330000 : i32
      %lt3A_912 = vector.broadcast %lt3A_911 : i32 to vector<16xi32>
      %lt3A_913 = arith.cmpi slt, %add3A_910, %lt3A_912 : vector<16xi32>
      %jit3A_914 = arith.constant 0.000000e+00 : f32
      %broadcast_in_dim3A_915 = vector.broadcast %jit3A_914 : f32 to vector<16xf32>
      %select_n3A_916 = arith.select %lt3A_913, %exp3A_902, %broadcast_in_dim3A_915 : vector<16xi1>, vector<16xf32>
      %swap3A_917 = arith.constant 1 : i32
      %swap3A_918 = arith.index_cast %swap3A_917 : i32 to index
      %swap3A_919 = arith.constant 80 : index
      %swap3A_920 = tpu.vector_load %arg12[%swap3A_918, %swap3A_919] {strides = array<i32>} : memref<2x128xf32, #tpu.memory_space<vmem>>, vector<16xf32>,
      tpu.vector_store %arg12[%swap3A_918, %swap3A_919], %select_n3A_916 {strides = array<i32>} : memref<2x128xf32, #tpu.memory_space<vmem>>, vector<16xf32>,
      %get3A_921 = arith.constant 1 : i32
      %get3A_922 = arith.index_cast %get3A_921 : i32 to index
      %get3A_923 = arith.constant 96 : index
      %get3A_924 = tpu.vector_load %arg10[%get3A_922, %get3A_923] {strides = array<i32>} : memref<2x128xf32, #tpu.memory_space<vmem>>, vector<16xf32>,
      %get3A_925 = arith.constant 1 : i32
      %get3A_926 = arith.index_cast %get3A_925 : i32 to index
      %get3A_927 = arith.constant 96 : index
      %get3A_928 = tpu.vector_load %arg11[%get3A_926, %get3A_927] {strides = array<i32>} : memref<2x128xf32, #tpu.memory_space<vmem>>, vector<16xf32>,
      %add3A_929 = arith.addf %get3A_924, %get3A_928 : vector<16xf32>
      %ge3A_930 = arith.constant 0.000000e+00 : f32
      %ge3A_931 = vector.broadcast %ge3A_930 : f32 to vector<16xf32>
      %ge3A_932 = arith.cmpf oge, %add3A_929, %ge3A_931 : vector<16xf32>
      %mul3A_933 = arith.constant 2.000000e-01 : f32
      %mul3A_934 = vector.broadcast %mul3A_933 : f32 to vector<16xf32>
      %mul3A_935 = arith.mulf %add3A_929, %mul3A_934 : vector<16xf32>
      %select_n3A_936 = arith.select %ge3A_932, %add3A_929, %mul3A_935 : vector<16xi1>, vector<16xf32>
      %exp3A_937 = math.exp %select_n3A_936 : vector<16xf32>
      %mul3A_938 = arith.constant 128 : i32
      %mul3A_939 = arith.muli %add3A_598, %mul3A_938 : i32
      %add3A_940 = arith.addi %mul3A_32, %mul3A_939 : i32
      %add3A_941 = arith.constant 96 : i32
      %add3A_942 = arith.addi %add3A_940, %add3A_941 : i32
      %iota3A_943 = tpu.iota {dimensions = array<i32: 0>} : vector<16xi32>
      %add3A_944 = vector.broadcast %add3A_942 : i32 to vector<16xi32>
      %add3A_945 = arith.addi %add3A_944, %iota3A_943 : vector<16xi32>
      %lt3A_946 = arith.constant 330000 : i32
      %lt3A_947 = vector.broadcast %lt3A_946 : i32 to vector<16xi32>
      %lt3A_948 = arith.cmpi slt, %add3A_945, %lt3A_947 : vector<16xi32>
      %jit3A_949 = arith.constant 0.000000e+00 : f32
      %broadcast_in_dim3A_950 = vector.broadcast %jit3A_949 : f32 to vector<16xf32>
      %select_n3A_951 = arith.select %lt3A_948, %exp3A_937, %broadcast_in_dim3A_950 : vector<16xi1>, vector<16xf32>
      %swap3A_952 = arith.constant 1 : i32
      %swap3A_953 = arith.index_cast %swap3A_952 : i32 to index
      %swap3A_954 = arith.constant 96 : index
      %swap3A_955 = tpu.vector_load %arg12[%swap3A_953, %swap3A_954] {strides = array<i32>} : memref<2x128xf32, #tpu.memory_space<vmem>>, vector<16xf32>,
      tpu.vector_store %arg12[%swap3A_953, %swap3A_954], %select_n3A_951 {strides = array<i32>} : memref<2x128xf32, #tpu.memory_space<vmem>>, vector<16xf32>,
      %get3A_956 = arith.constant 1 : i32
      %get3A_957 = arith.index_cast %get3A_956 : i32 to index
      %get3A_958 = arith.constant 112 : index
      %get3A_959 = tpu.vector_load %arg10[%get3A_957, %get3A_958] {strides = array<i32>} : memref<2x128xf32, #tpu.memory_space<vmem>>, vector<16xf32>,
      %get3A_960 = arith.constant 1 : i32
      %get3A_961 = arith.index_cast %get3A_960 : i32 to index
      %get3A_962 = arith.constant 112 : index
      %get3A_963 = tpu.vector_load %arg11[%get3A_961, %get3A_962] {strides = array<i32>} : memref<2x128xf32, #tpu.memory_space<vmem>>, vector<16xf32>,
      %add3A_964 = arith.addf %get3A_959, %get3A_963 : vector<16xf32>
      %ge3A_965 = arith.constant 0.000000e+00 : f32
      %ge3A_966 = vector.broadcast %ge3A_965 : f32 to vector<16xf32>
      %ge3A_967 = arith.cmpf oge, %add3A_964, %ge3A_966 : vector<16xf32>
      %mul3A_968 = arith.constant 2.000000e-01 : f32
      %mul3A_969 = vector.broadcast %mul3A_968 : f32 to vector<16xf32>
      %mul3A_970 = arith.mulf %add3A_964, %mul3A_969 : vector<16xf32>
      %select_n3A_971 = arith.select %ge3A_967, %add3A_964, %mul3A_970 : vector<16xi1>, vector<16xf32>
      %exp3A_972 = math.exp %select_n3A_971 : vector<16xf32>
      %mul3A_973 = arith.constant 128 : i32
      %mul3A_974 = arith.muli %add3A_598, %mul3A_973 : i32
      %add3A_975 = arith.addi %mul3A_32, %mul3A_974 : i32
      %add3A_976 = arith.constant 112 : i32
      %add3A_977 = arith.addi %add3A_975, %add3A_976 : i32
      %iota3A_978 = tpu.iota {dimensions = array<i32: 0>} : vector<16xi32>
      %add3A_979 = vector.broadcast %add3A_977 : i32 to vector<16xi32>
      %add3A_980 = arith.addi %add3A_979, %iota3A_978 : vector<16xi32>
      %lt3A_981 = arith.constant 330000 : i32
      %lt3A_982 = vector.broadcast %lt3A_981 : i32 to vector<16xi32>
      %lt3A_983 = arith.cmpi slt, %add3A_980, %lt3A_982 : vector<16xi32>
      %jit3A_984 = arith.constant 0.000000e+00 : f32
      %broadcast_in_dim3A_985 = vector.broadcast %jit3A_984 : f32 to vector<16xf32>
      %select_n3A_986 = arith.select %lt3A_983, %exp3A_972, %broadcast_in_dim3A_985 : vector<16xi1>, vector<16xf32>
      %swap3A_987 = arith.constant 1 : i32
      %swap3A_988 = arith.index_cast %swap3A_987 : i32 to index
      %swap3A_989 = arith.constant 112 : index
      %swap3A_990 = tpu.vector_load %arg12[%swap3A_988, %swap3A_989] {strides = array<i32>} : memref<2x128xf32, #tpu.memory_space<vmem>>, vector<16xf32>,
      tpu.vector_store %arg12[%swap3A_988, %swap3A_989], %select_n3A_986 {strides = array<i32>} : memref<2x128xf32, #tpu.memory_space<vmem>>, vector<16xf32>,
      %dma_start3A_991 = arith.constant 1 : i32
      %dma_start3A_992 = arith.constant 1 : i32
      %dma_start3A_993 = arith.constant 0 : i32
      %dma_start3A_994 = tpu.memref_slice %arg12[%dma_start3A_991, %dma_start3A_993] : memref<2x128xf32, #tpu.memory_space<vmem>> -> memref<1x128xf32, #tpu.memory_space<vmem>>
      %dma_start3A_995 = tpu.memref_squeeze %dma_start3A_994 : memref<1x128xf32, #tpu.memory_space<vmem>> -> memref<128xf32, #tpu.memory_space<vmem>>
      %dma_start3A_996 = arith.constant 0 : i32
      %dma_start3A_997 = tpu.memref_slice %arg9[%dma_start3A_992, %dma_start3A_996] : memref<2x128xi32, #tpu.memory_space<vmem>> -> memref<1x128xi32, #tpu.memory_space<vmem>>
      %dma_start3A_998 = tpu.memref_squeeze %dma_start3A_997 : memref<1x128xi32, #tpu.memory_space<vmem>> -> memref<128xi32, #tpu.memory_space<vmem>>
      %dma_start3A_999 = arith.constant 0 : i32
      %dma_start3A_1000 = tpu.memref_slice %arg16[%dma_start3A_999] : memref<10240xf32, #tpu.memory_space<vmem_shared>> -> memref<10240xf32, #tpu.memory_space<vmem_shared>>
      tpu.enqueue_indirect_dma source(%dma_start3A_995 : memref<128xf32, #tpu.memory_space<vmem>>) target(%dma_start3A_1000 : memref<10240xf32, #tpu.memory_space<vmem_shared>>) offsets(%dma_start3A_998 : memref<128xi32, #tpu.memory_space<vmem>>) semaphore(%arg24 : memref<!tpu.dma_semaphore, #tpu.memory_space<semaphore_mem>>) {add = true}
      %dma_wait3A_1001 = arith.constant 1 : i32
      %dma_wait3A_1002 = arith.constant 0 : i32
      %dma_wait3A_1003 = arith.constant 1 : i32
      %dma_wait3A_1004 = arith.constant 0 : i32
      %dma_wait3A_1005 = arith.constant 0 : i32
      %dma_wait3A_1006 = tpu.memref_slice %arg13[%dma_wait3A_1003, %dma_wait3A_1004, %dma_wait3A_1005] : memref<2x128x64xi32, #tpu.memory_space<vmem>> -> memref<1x128x64xi32, #tpu.memory_space<vmem>>
      %dma_wait3A_1007 = tpu.memref_squeeze %dma_wait3A_1006 : memref<1x128x64xi32, #tpu.memory_space<vmem>> -> memref<128x64xi32, #tpu.memory_space<vmem>>
      %dma_wait3A_1008 = arith.constant 0 : i32
      %dma_wait3A_1009 = tpu.memref_slice %arg8[%dma_wait3A_1001, %dma_wait3A_1002, %dma_wait3A_1008] : memref<2x2x128xi32, #tpu.memory_space<vmem>> -> memref<1x1x128xi32, #tpu.memory_space<vmem>>
      %dma_wait3A_1010 = tpu.memref_squeeze %dma_wait3A_1009 : memref<1x1x128xi32, #tpu.memory_space<vmem>> -> memref<128xi32, #tpu.memory_space<vmem>>
      %dma_wait3A_1011 = arith.constant 0 : i32
      %dma_wait3A_1012 = arith.constant 0 : i32
      %dma_wait3A_1013 = tpu.memref_slice %arg2[%dma_wait3A_1011, %dma_wait3A_1012] : memref<10240x64xi32, #tpu.memory_space<hbm>> -> memref<10240x64xi32, #tpu.memory_space<hbm>>
      tpu.wait_indirect_dma semaphore(%arg22 : memref<!tpu.dma_semaphore, #tpu.memory_space<semaphore_mem>>) src(%dma_wait3A_1013 : memref<10240x64xi32, #tpu.memory_space<hbm>>) dst(%dma_wait3A_1007 : memref<128x64xi32, #tpu.memory_space<vmem>>)
      %scan3A_1014 = arith.constant 0 : i32
      %scan3A_1015 = arith.constant 0 : i32
      %scan3A_1016 = arith.constant 128 : i32
      %scan3A_1017 = arith.addi %scan3A_1015, %scan3A_1016 : i32
      %scan3A_1018 = arith.constant 1 : i32
      scf.for %scan3A_1027 = %scan3A_1015 to %scan3A_1017 step %scan3A_1018  : i32 {
        %broadcast_in_dim3A_1028 = vector.broadcast %scan3A_1027 : i32 to vector<16xi32>
        %gather3A = arith.constant 1 : i32
        %gather3A_1029 = arith.constant 0 : i32
        %gather3A_1030 = tpu.memref_slice %arg12[%gather3A, %gather3A_1029] : memref<2x128xf32, #tpu.memory_space<vmem>> -> memref<1x128xf32, #tpu.memory_space<vmem>>
        %gather3A_1031 = tpu.memref_squeeze %gather3A_1030 : memref<1x128xf32, #tpu.memory_space<vmem>> -> memref<128xf32, #tpu.memory_space<vmem>>
        %gather3A_1032 = tpu.vector_load_idx %gather3A_1031[%broadcast_in_dim3A_1028] : memref<128xf32, #tpu.memory_space<vmem>>[vector<16xi32>], vector<16xf32>,
        %get3A_1033 = arith.constant 1 : i32
        %get3A_1034 = arith.index_cast %get3A_1033 : i32 to index
        %get3A_1035 = arith.index_cast %scan3A_1027 : i32 to index
        %get3A_1036 = arith.constant 0 : index
        %get3A_1037 = tpu.vector_load %arg13[%get3A_1034, %get3A_1035, %get3A_1036] {strides = array<i32>} : memref<2x128x64xi32, #tpu.memory_space<vmem>>, vector<16xi32>,
        %shift_left3A = arith.constant 16 : i32
        %shift_left3A_1038 = vector.broadcast %shift_left3A : i32 to vector<16xi32>
        %shift_left3A_1039 = arith.shli %get3A_1037, %shift_left3A_1038 : vector<16xi32>
        %bitcast3A = vector.bitcast %shift_left3A_1039 : vector<16xi32> to vector<16xf32>
        %and3A = arith.andi %get3A_1037, %broadcast_in_dim3A_34 : vector<16xi32>
        %bitcast3A_1040 = vector.bitcast %and3A : vector<16xi32> to vector<16xf32>
        %mul3A_1041 = arith.mulf %bitcast3A, %gather3A_1032 : vector<16xf32>
        %swap3A_1042 = arith.index_cast %scan3A_1027 : i32 to index
        %swap3A_1043 = arith.constant 0 : index
        %swap3A_1044 = tpu.vector_load %arg14[%swap3A_1042, %swap3A_1043] {strides = array<i32>} : memref<128x128xf32, #tpu.memory_space<vmem>>, vector<16xf32>,
        tpu.vector_store %arg14[%swap3A_1042, %swap3A_1043], %mul3A_1041 {strides = array<i32>} : memref<128x128xf32, #tpu.memory_space<vmem>>, vector<16xf32>,
        %mul3A_1045 = arith.mulf %bitcast3A_1040, %gather3A_1032 : vector<16xf32>
        %swap3A_1046 = arith.index_cast %scan3A_1027 : i32 to index
        %swap3A_1047 = arith.constant 16 : index
        %swap3A_1048 = tpu.vector_load %arg14[%swap3A_1046, %swap3A_1047] {strides = array<i32>} : memref<128x128xf32, #tpu.memory_space<vmem>>, vector<16xf32>,
        tpu.vector_store %arg14[%swap3A_1046, %swap3A_1047], %mul3A_1045 {strides = array<i32>} : memref<128x128xf32, #tpu.memory_space<vmem>>, vector<16xf32>,
        %get3A_1049 = arith.constant 1 : i32
        %get3A_1050 = arith.index_cast %get3A_1049 : i32 to index
        %get3A_1051 = arith.index_cast %scan3A_1027 : i32 to index
        %get3A_1052 = arith.constant 16 : index
        %get3A_1053 = tpu.vector_load %arg13[%get3A_1050, %get3A_1051, %get3A_1052] {strides = array<i32>} : memref<2x128x64xi32, #tpu.memory_space<vmem>>, vector<16xi32>,
        %shift_left3A_1054 = arith.constant 16 : i32
        %shift_left3A_1055 = vector.broadcast %shift_left3A_1054 : i32 to vector<16xi32>
        %shift_left3A_1056 = arith.shli %get3A_1053, %shift_left3A_1055 : vector<16xi32>
        %bitcast3A_1057 = vector.bitcast %shift_left3A_1056 : vector<16xi32> to vector<16xf32>
        %and3A_1058 = arith.andi %get3A_1053, %broadcast_in_dim3A_34 : vector<16xi32>
        %bitcast3A_1059 = vector.bitcast %and3A_1058 : vector<16xi32> to vector<16xf32>
        %mul3A_1060 = arith.mulf %bitcast3A_1057, %gather3A_1032 : vector<16xf32>
        %swap3A_1061 = arith.index_cast %scan3A_1027 : i32 to index
        %swap3A_1062 = arith.constant 32 : index
        %swap3A_1063 = tpu.vector_load %arg14[%swap3A_1061, %swap3A_1062] {strides = array<i32>} : memref<128x128xf32, #tpu.memory_space<vmem>>, vector<16xf32>,
        tpu.vector_store %arg14[%swap3A_1061, %swap3A_1062], %mul3A_1060 {strides = array<i32>} : memref<128x128xf32, #tpu.memory_space<vmem>>, vector<16xf32>,
        %mul3A_1064 = arith.mulf %bitcast3A_1059, %gather3A_1032 : vector<16xf32>
        %swap3A_1065 = arith.index_cast %scan3A_1027 : i32 to index
        %swap3A_1066 = arith.constant 48 : index
        %swap3A_1067 = tpu.vector_load %arg14[%swap3A_1065, %swap3A_1066] {strides = array<i32>} : memref<128x128xf32, #tpu.memory_space<vmem>>, vector<16xf32>,
        tpu.vector_store %arg14[%swap3A_1065, %swap3A_1066], %mul3A_1064 {strides = array<i32>} : memref<128x128xf32, #tpu.memory_space<vmem>>, vector<16xf32>,
        %get3A_1068 = arith.constant 1 : i32
        %get3A_1069 = arith.index_cast %get3A_1068 : i32 to index
        %get3A_1070 = arith.index_cast %scan3A_1027 : i32 to index
        %get3A_1071 = arith.constant 32 : index
        %get3A_1072 = tpu.vector_load %arg13[%get3A_1069, %get3A_1070, %get3A_1071] {strides = array<i32>} : memref<2x128x64xi32, #tpu.memory_space<vmem>>, vector<16xi32>,
        %shift_left3A_1073 = arith.constant 16 : i32
        %shift_left3A_1074 = vector.broadcast %shift_left3A_1073 : i32 to vector<16xi32>
        %shift_left3A_1075 = arith.shli %get3A_1072, %shift_left3A_1074 : vector<16xi32>
        %bitcast3A_1076 = vector.bitcast %shift_left3A_1075 : vector<16xi32> to vector<16xf32>
        %and3A_1077 = arith.andi %get3A_1072, %broadcast_in_dim3A_34 : vector<16xi32>
        %bitcast3A_1078 = vector.bitcast %and3A_1077 : vector<16xi32> to vector<16xf32>
        %mul3A_1079 = arith.mulf %bitcast3A_1076, %gather3A_1032 : vector<16xf32>
        %swap3A_1080 = arith.index_cast %scan3A_1027 : i32 to index
        %swap3A_1081 = arith.constant 64 : index
        %swap3A_1082 = tpu.vector_load %arg14[%swap3A_1080, %swap3A_1081] {strides = array<i32>} : memref<128x128xf32, #tpu.memory_space<vmem>>, vector<16xf32>,
        tpu.vector_store %arg14[%swap3A_1080, %swap3A_1081], %mul3A_1079 {strides = array<i32>} : memref<128x128xf32, #tpu.memory_space<vmem>>, vector<16xf32>,
        %mul3A_1083 = arith.mulf %bitcast3A_1078, %gather3A_1032 : vector<16xf32>
        %swap3A_1084 = arith.index_cast %scan3A_1027 : i32 to index
        %swap3A_1085 = arith.constant 80 : index
        %swap3A_1086 = tpu.vector_load %arg14[%swap3A_1084, %swap3A_1085] {strides = array<i32>} : memref<128x128xf32, #tpu.memory_space<vmem>>, vector<16xf32>,
        tpu.vector_store %arg14[%swap3A_1084, %swap3A_1085], %mul3A_1083 {strides = array<i32>} : memref<128x128xf32, #tpu.memory_space<vmem>>, vector<16xf32>,
        %get3A_1087 = arith.constant 1 : i32
        %get3A_1088 = arith.index_cast %get3A_1087 : i32 to index
        %get3A_1089 = arith.index_cast %scan3A_1027 : i32 to index
        %get3A_1090 = arith.constant 48 : index
        %get3A_1091 = tpu.vector_load %arg13[%get3A_1088, %get3A_1089, %get3A_1090] {strides = array<i32>} : memref<2x128x64xi32, #tpu.memory_space<vmem>>, vector<16xi32>,
        %shift_left3A_1092 = arith.constant 16 : i32
        %shift_left3A_1093 = vector.broadcast %shift_left3A_1092 : i32 to vector<16xi32>
        %shift_left3A_1094 = arith.shli %get3A_1091, %shift_left3A_1093 : vector<16xi32>
        %bitcast3A_1095 = vector.bitcast %shift_left3A_1094 : vector<16xi32> to vector<16xf32>
        %and3A_1096 = arith.andi %get3A_1091, %broadcast_in_dim3A_34 : vector<16xi32>
        %bitcast3A_1097 = vector.bitcast %and3A_1096 : vector<16xi32> to vector<16xf32>
        %mul3A_1098 = arith.mulf %bitcast3A_1095, %gather3A_1032 : vector<16xf32>
        %swap3A_1099 = arith.index_cast %scan3A_1027 : i32 to index
        %swap3A_1100 = arith.constant 96 : index
        %swap3A_1101 = tpu.vector_load %arg14[%swap3A_1099, %swap3A_1100] {strides = array<i32>} : memref<128x128xf32, #tpu.memory_space<vmem>>, vector<16xf32>,
        tpu.vector_store %arg14[%swap3A_1099, %swap3A_1100], %mul3A_1098 {strides = array<i32>} : memref<128x128xf32, #tpu.memory_space<vmem>>, vector<16xf32>,
        %mul3A_1102 = arith.mulf %bitcast3A_1097, %gather3A_1032 : vector<16xf32>
        %swap3A_1103 = arith.index_cast %scan3A_1027 : i32 to index
        %swap3A_1104 = arith.constant 112 : index
        %swap3A_1105 = tpu.vector_load %arg14[%swap3A_1103, %swap3A_1104] {strides = array<i32>} : memref<128x128xf32, #tpu.memory_space<vmem>>, vector<16xf32>,
        tpu.vector_store %arg14[%swap3A_1103, %swap3A_1104], %mul3A_1102 {strides = array<i32>} : memref<128x128xf32, #tpu.memory_space<vmem>>, vector<16xf32>,
      }
      %scan3A_1019 = arith.constant 128 : i32
      %dma_start3A_1020 = arith.constant 1 : i32
      %dma_start3A_1021 = arith.constant 0 : i32
      %dma_start3A_1022 = tpu.memref_slice %arg9[%dma_start3A_1020, %dma_start3A_1021] : memref<2x128xi32, #tpu.memory_space<vmem>> -> memref<1x128xi32, #tpu.memory_space<vmem>>
      %dma_start3A_1023 = tpu.memref_squeeze %dma_start3A_1022 : memref<1x128xi32, #tpu.memory_space<vmem>> -> memref<128xi32, #tpu.memory_space<vmem>>
      %dma_start3A_1024 = arith.constant 0 : i32
      %dma_start3A_1025 = arith.constant 0 : i32
      %dma_start3A_1026 = tpu.memref_slice %arg15[%dma_start3A_1024, %dma_start3A_1025] : memref<10240x128xf32, #tpu.memory_space<vmem_shared>> -> memref<10240x128xf32, #tpu.memory_space<vmem_shared>>
      tpu.enqueue_indirect_dma source(%arg14 : memref<128x128xf32, #tpu.memory_space<vmem>>) target(%dma_start3A_1026 : memref<10240x128xf32, #tpu.memory_space<vmem_shared>>) offsets(%dma_start3A_1023 : memref<128xi32, #tpu.memory_space<vmem>>) semaphore(%arg25 : memref<!tpu.dma_semaphore, #tpu.memory_space<semaphore_mem>>) {add = true}
    }
    %scan3A_76 = arith.constant 41 : i32
    %dma_wait3A = arith.constant 0 : i32
    %dma_wait3A_77 = arith.constant 0 : i32
    %dma_wait3A_78 = tpu.memref_slice %arg12[%dma_wait3A, %dma_wait3A_77] : memref<2x128xf32, #tpu.memory_space<vmem>> -> memref<1x128xf32, #tpu.memory_space<vmem>>
    %dma_wait3A_79 = tpu.memref_squeeze %dma_wait3A_78 : memref<1x128xf32, #tpu.memory_space<vmem>> -> memref<128xf32, #tpu.memory_space<vmem>>
    %dma_wait3A_80 = arith.constant 0 : i32
    %dma_wait3A_81 = tpu.memref_slice %arg3[%dma_wait3A_80] : memref<10240xf32, #tpu.memory_space<hbm>> -> memref<128xf32, #tpu.memory_space<hbm>>
    %dma_wait3A_82 = arith.constant 0 : i32
    %dma_wait3A_83 = tpu.memref_slice %arg12[%dma_wait3A, %dma_wait3A_82] : memref<2x128xf32, #tpu.memory_space<vmem>> -> memref<1x128xf32, #tpu.memory_space<vmem>>
    %dma_wait3A_84 = tpu.memref_squeeze %dma_wait3A_83 : memref<1x128xf32, #tpu.memory_space<vmem>> -> memref<128xf32, #tpu.memory_space<vmem>>
    %dma_wait3A_85 = arith.constant 0 : i32
    %dma_wait3A_86 = tpu.memref_slice %arg3[%dma_wait3A_85] : memref<10240xf32, #tpu.memory_space<hbm>> -> memref<128xf32, #tpu.memory_space<hbm>>
    tpu.wait_dma2 semaphore(%arg23 : memref<!tpu.dma_semaphore, #tpu.memory_space<semaphore_mem>>) src(%dma_wait3A_86 : memref<128xf32, #tpu.memory_space<hbm>>) dst(%dma_wait3A_84 : memref<128xf32, #tpu.memory_space<vmem>>)
    %dma_wait3A_87 = arith.constant 1 : i32
    %dma_wait3A_88 = arith.constant 0 : i32
    %dma_wait3A_89 = tpu.memref_slice %arg12[%dma_wait3A_87, %dma_wait3A_88] : memref<2x128xf32, #tpu.memory_space<vmem>> -> memref<1x128xf32, #tpu.memory_space<vmem>>
    %dma_wait3A_90 = tpu.memref_squeeze %dma_wait3A_89 : memref<1x128xf32, #tpu.memory_space<vmem>> -> memref<128xf32, #tpu.memory_space<vmem>>
    %dma_wait3A_91 = arith.constant 0 : i32
    %dma_wait3A_92 = tpu.memref_slice %arg3[%dma_wait3A_91] : memref<10240xf32, #tpu.memory_space<hbm>> -> memref<128xf32, #tpu.memory_space<hbm>>
    %dma_wait3A_93 = arith.constant 0 : i32
    %dma_wait3A_94 = tpu.memref_slice %arg12[%dma_wait3A_87, %dma_wait3A_93] : memref<2x128xf32, #tpu.memory_space<vmem>> -> memref<1x128xf32, #tpu.memory_space<vmem>>
    %dma_wait3A_95 = tpu.memref_squeeze %dma_wait3A_94 : memref<1x128xf32, #tpu.memory_space<vmem>> -> memref<128xf32, #tpu.memory_space<vmem>>
    %dma_wait3A_96 = arith.constant 0 : i32
    %dma_wait3A_97 = tpu.memref_slice %arg3[%dma_wait3A_96] : memref<10240xf32, #tpu.memory_space<hbm>> -> memref<128xf32, #tpu.memory_space<hbm>>
    tpu.wait_dma2 semaphore(%arg24 : memref<!tpu.dma_semaphore, #tpu.memory_space<semaphore_mem>>) src(%dma_wait3A_97 : memref<128xf32, #tpu.memory_space<hbm>>) dst(%dma_wait3A_95 : memref<128xf32, #tpu.memory_space<vmem>>)
    %dma_wait3A_98 = arith.constant 0 : i32
    %dma_wait3A_99 = arith.constant 0 : i32
    %dma_wait3A_100 = arith.constant 0 : i32
    %dma_wait3A_101 = tpu.memref_slice %arg6[%dma_wait3A_98, %dma_wait3A_99, %dma_wait3A_100] : memref<2x10240x128xf32, #tpu.memory_space<hbm>> -> memref<1x128x128xf32, #tpu.memory_space<hbm>>
    %dma_wait3A_102 = tpu.memref_squeeze %dma_wait3A_101 : memref<1x128x128xf32, #tpu.memory_space<hbm>> -> memref<128x128xf32, #tpu.memory_space<hbm>>
    %dma_wait3A_103 = arith.constant 0 : i32
    %dma_wait3A_104 = arith.constant 0 : i32
    %dma_wait3A_105 = tpu.memref_slice %arg6[%dma_wait3A_98, %dma_wait3A_103, %dma_wait3A_104] : memref<2x10240x128xf32, #tpu.memory_space<hbm>> -> memref<1x128x128xf32, #tpu.memory_space<hbm>>
    %dma_wait3A_106 = tpu.memref_squeeze %dma_wait3A_105 : memref<1x128x128xf32, #tpu.memory_space<hbm>> -> memref<128x128xf32, #tpu.memory_space<hbm>>
    tpu.wait_dma2 semaphore(%arg25 : memref<!tpu.dma_semaphore, #tpu.memory_space<semaphore_mem>>) src(%dma_wait3A_106 : memref<128x128xf32, #tpu.memory_space<hbm>>) dst(%arg14 : memref<128x128xf32, #tpu.memory_space<vmem>>)
    %barrier3A_107 = arith.constant 0 : index
    tpu.barrier barrier_id(%barrier3A_107)
    %mul3A_108 = arith.constant 640 : i32
    %mul3A_109 = arith.muli %arg1, %mul3A_108 : i32
    %add3A_110 = arith.constant 0 : i32
    %add3A_111 = arith.addi %mul3A_109, %add3A_110 : i32
    "tpu.region"() ({
      %run_scoped3A_133 = tpu.sem_alloc : memref<!tpu.dma_semaphore, #tpu.memory_space<semaphore_mem>>
      %dma_start3A_134 = arith.constant 0 : i32
      %dma_start3A_135 = tpu.memref_slice %arg6[%arg0, %add3A_111, %dma_start3A_134] : memref<2x10240x128xf32, #tpu.memory_space<hbm>> -> memref<1x128x128xf32, #tpu.memory_space<hbm>>
      %dma_start3A_136 = tpu.memref_squeeze %dma_start3A_135 : memref<1x128x128xf32, #tpu.memory_space<hbm>> -> memref<128x128xf32, #tpu.memory_space<hbm>>
      %dma_start3A_137 = arith.constant 0 : i32
      %dma_start3A_138 = tpu.memref_slice %arg15[%add3A_111, %dma_start3A_137] : memref<10240x128xf32, #tpu.memory_space<vmem_shared>> -> memref<128x128xf32, #tpu.memory_space<vmem_shared>>
      tpu.enqueue_dma source(%dma_start3A_138 : memref<128x128xf32, #tpu.memory_space<vmem_shared>>) target(%dma_start3A_136 : memref<128x128xf32, #tpu.memory_space<hbm>>) target_semaphore(%run_scoped3A_133 : memref<!tpu.dma_semaphore, #tpu.memory_space<semaphore_mem>>)
      %dma_wait3A_139 = arith.constant 0 : i32
      %dma_wait3A_140 = tpu.memref_slice %arg6[%arg0, %add3A_111, %dma_wait3A_139] : memref<2x10240x128xf32, #tpu.memory_space<hbm>> -> memref<1x128x128xf32, #tpu.memory_space<hbm>>
      %dma_wait3A_141 = tpu.memref_squeeze %dma_wait3A_140 : memref<1x128x128xf32, #tpu.memory_space<hbm>> -> memref<128x128xf32, #tpu.memory_space<hbm>>
      %dma_wait3A_142 = arith.constant 0 : i32
      %dma_wait3A_143 = tpu.memref_slice %arg15[%add3A_111, %dma_wait3A_142] : memref<10240x128xf32, #tpu.memory_space<vmem_shared>> -> memref<128x128xf32, #tpu.memory_space<vmem_shared>>
      tpu.wait_dma2 semaphore(%run_scoped3A_133 : memref<!tpu.dma_semaphore, #tpu.memory_space<semaphore_mem>>) src(%dma_wait3A_143 : memref<128x128xf32, #tpu.memory_space<vmem_shared>>) dst(%dma_wait3A_141 : memref<128x128xf32, #tpu.memory_space<hbm>>)
      tpu.yield
    }) : () -> ()
    %run_scoped3A_112 = arith.constant 0 : i32
    "tpu.region"() ({
      %run_scoped3A_133 = tpu.sem_alloc : memref<!tpu.dma_semaphore, #tpu.memory_space<semaphore_mem>>
      %dma_start3A_134 = tpu.memref_slice %arg7[%arg0, %run_scoped3A_112, %add3A_111] : memref<2x1x10240xf32, #tpu.memory_space<hbm>> -> memref<1x1x128xf32, #tpu.memory_space<hbm>>
      %dma_start3A_135 = tpu.memref_squeeze %dma_start3A_134 : memref<1x1x128xf32, #tpu.memory_space<hbm>> -> memref<128xf32, #tpu.memory_space<hbm>>
      %dma_start3A_136 = tpu.memref_slice %arg16[%add3A_111] : memref<10240xf32, #tpu.memory_space<vmem_shared>> -> memref<128xf32, #tpu.memory_space<vmem_shared>>
      tpu.enqueue_dma source(%dma_start3A_136 : memref<128xf32, #tpu.memory_space<vmem_shared>>) target(%dma_start3A_135 : memref<128xf32, #tpu.memory_space<hbm>>) target_semaphore(%run_scoped3A_133 : memref<!tpu.dma_semaphore, #tpu.memory_space<semaphore_mem>>)
      %dma_wait3A_137 = tpu.memref_slice %arg7[%arg0, %run_scoped3A_112, %add3A_111] : memref<2x1x10240xf32, #tpu.memory_space<hbm>> -> memref<1x1x128xf32, #tpu.memory_space<hbm>>
      %dma_wait3A_138 = tpu.memref_squeeze %dma_wait3A_137 : memref<1x1x128xf32, #tpu.memory_space<hbm>> -> memref<128xf32, #tpu.memory_space<hbm>>
      %dma_wait3A_139 = tpu.memref_slice %arg16[%add3A_111] : memref<10240xf32, #tpu.memory_space<vmem_shared>> -> memref<128xf32, #tpu.memory_space<vmem_shared>>
      tpu.wait_dma2 semaphore(%run_scoped3A_133 : memref<!tpu.dma_semaphore, #tpu.memory_space<semaphore_mem>>) src(%dma_wait3A_139 : memref<128xf32, #tpu.memory_space<vmem_shared>>) dst(%dma_wait3A_138 : memref<128xf32, #tpu.memory_space<hbm>>)
      tpu.yield
    }) : () -> ()
    %mul3A_113 = arith.constant 640 : i32
    %mul3A_114 = arith.muli %arg1, %mul3A_113 : i32
    %add3A_115 = arith.constant 128 : i32
    %add3A_116 = arith.addi %mul3A_114, %add3A_115 : i32
    "tpu.region"() ({
      %run_scoped3A_133 = tpu.sem_alloc : memref<!tpu.dma_semaphore, #tpu.memory_space<semaphore_mem>>
      %dma_start3A_134 = arith.constant 0 : i32
      %dma_start3A_135 = tpu.memref_slice %arg6[%arg0, %add3A_116, %dma_start3A_134] : memref<2x10240x128xf32, #tpu.memory_space<hbm>> -> memref<1x128x128xf32, #tpu.memory_space<hbm>>
      %dma_start3A_136 = tpu.memref_squeeze %dma_start3A_135 : memref<1x128x128xf32, #tpu.memory_space<hbm>> -> memref<128x128xf32, #tpu.memory_space<hbm>>
      %dma_start3A_137 = arith.constant 0 : i32
      %dma_start3A_138 = tpu.memref_slice %arg15[%add3A_116, %dma_start3A_137] : memref<10240x128xf32, #tpu.memory_space<vmem_shared>> -> memref<128x128xf32, #tpu.memory_space<vmem_shared>>
      tpu.enqueue_dma source(%dma_start3A_138 : memref<128x128xf32, #tpu.memory_space<vmem_shared>>) target(%dma_start3A_136 : memref<128x128xf32, #tpu.memory_space<hbm>>) target_semaphore(%run_scoped3A_133 : memref<!tpu.dma_semaphore, #tpu.memory_space<semaphore_mem>>)
      %dma_wait3A_139 = arith.constant 0 : i32
      %dma_wait3A_140 = tpu.memref_slice %arg6[%arg0, %add3A_116, %dma_wait3A_139] : memref<2x10240x128xf32, #tpu.memory_space<hbm>> -> memref<1x128x128xf32, #tpu.memory_space<hbm>>
      %dma_wait3A_141 = tpu.memref_squeeze %dma_wait3A_140 : memref<1x128x128xf32, #tpu.memory_space<hbm>> -> memref<128x128xf32, #tpu.memory_space<hbm>>
      %dma_wait3A_142 = arith.constant 0 : i32
      %dma_wait3A_143 = tpu.memref_slice %arg15[%add3A_116, %dma_wait3A_142] : memref<10240x128xf32, #tpu.memory_space<vmem_shared>> -> memref<128x128xf32, #tpu.memory_space<vmem_shared>>
      tpu.wait_dma2 semaphore(%run_scoped3A_133 : memref<!tpu.dma_semaphore, #tpu.memory_space<semaphore_mem>>) src(%dma_wait3A_143 : memref<128x128xf32, #tpu.memory_space<vmem_shared>>) dst(%dma_wait3A_141 : memref<128x128xf32, #tpu.memory_space<hbm>>)
      tpu.yield
    }) : () -> ()
    %run_scoped3A_117 = arith.constant 0 : i32
    "tpu.region"() ({
      %run_scoped3A_133 = tpu.sem_alloc : memref<!tpu.dma_semaphore, #tpu.memory_space<semaphore_mem>>
      %dma_start3A_134 = tpu.memref_slice %arg7[%arg0, %run_scoped3A_117, %add3A_116] : memref<2x1x10240xf32, #tpu.memory_space<hbm>> -> memref<1x1x128xf32, #tpu.memory_space<hbm>>
      %dma_start3A_135 = tpu.memref_squeeze %dma_start3A_134 : memref<1x1x128xf32, #tpu.memory_space<hbm>> -> memref<128xf32, #tpu.memory_space<hbm>>
      %dma_start3A_136 = tpu.memref_slice %arg16[%add3A_116] : memref<10240xf32, #tpu.memory_space<vmem_shared>> -> memref<128xf32, #tpu.memory_space<vmem_shared>>
      tpu.enqueue_dma source(%dma_start3A_136 : memref<128xf32, #tpu.memory_space<vmem_shared>>) target(%dma_start3A_135 : memref<128xf32, #tpu.memory_space<hbm>>) target_semaphore(%run_scoped3A_133 : memref<!tpu.dma_semaphore, #tpu.memory_space<semaphore_mem>>)
      %dma_wait3A_137 = tpu.memref_slice %arg7[%arg0, %run_scoped3A_117, %add3A_116] : memref<2x1x10240xf32, #tpu.memory_space<hbm>> -> memref<1x1x128xf32, #tpu.memory_space<hbm>>
      %dma_wait3A_138 = tpu.memref_squeeze %dma_wait3A_137 : memref<1x1x128xf32, #tpu.memory_space<hbm>> -> memref<128xf32, #tpu.memory_space<hbm>>
      %dma_wait3A_139 = tpu.memref_slice %arg16[%add3A_116] : memref<10240xf32, #tpu.memory_space<vmem_shared>> -> memref<128xf32, #tpu.memory_space<vmem_shared>>
      tpu.wait_dma2 semaphore(%run_scoped3A_133 : memref<!tpu.dma_semaphore, #tpu.memory_space<semaphore_mem>>) src(%dma_wait3A_139 : memref<128xf32, #tpu.memory_space<vmem_shared>>) dst(%dma_wait3A_138 : memref<128xf32, #tpu.memory_space<hbm>>)
      tpu.yield
    }) : () -> ()
    %mul3A_118 = arith.constant 640 : i32
    %mul3A_119 = arith.muli %arg1, %mul3A_118 : i32
    %add3A_120 = arith.constant 256 : i32
    %add3A_121 = arith.addi %mul3A_119, %add3A_120 : i32
    "tpu.region"() ({
      %run_scoped3A_133 = tpu.sem_alloc : memref<!tpu.dma_semaphore, #tpu.memory_space<semaphore_mem>>
      %dma_start3A_134 = arith.constant 0 : i32
      %dma_start3A_135 = tpu.memref_slice %arg6[%arg0, %add3A_121, %dma_start3A_134] : memref<2x10240x128xf32, #tpu.memory_space<hbm>> -> memref<1x128x128xf32, #tpu.memory_space<hbm>>
      %dma_start3A_136 = tpu.memref_squeeze %dma_start3A_135 : memref<1x128x128xf32, #tpu.memory_space<hbm>> -> memref<128x128xf32, #tpu.memory_space<hbm>>
      %dma_start3A_137 = arith.constant 0 : i32
      %dma_start3A_138 = tpu.memref_slice %arg15[%add3A_121, %dma_start3A_137] : memref<10240x128xf32, #tpu.memory_space<vmem_shared>> -> memref<128x128xf32, #tpu.memory_space<vmem_shared>>
      tpu.enqueue_dma source(%dma_start3A_138 : memref<128x128xf32, #tpu.memory_space<vmem_shared>>) target(%dma_start3A_136 : memref<128x128xf32, #tpu.memory_space<hbm>>) target_semaphore(%run_scoped3A_133 : memref<!tpu.dma_semaphore, #tpu.memory_space<semaphore_mem>>)
      %dma_wait3A_139 = arith.constant 0 : i32
      %dma_wait3A_140 = tpu.memref_slice %arg6[%arg0, %add3A_121, %dma_wait3A_139] : memref<2x10240x128xf32, #tpu.memory_space<hbm>> -> memref<1x128x128xf32, #tpu.memory_space<hbm>>
      %dma_wait3A_141 = tpu.memref_squeeze %dma_wait3A_140 : memref<1x128x128xf32, #tpu.memory_space<hbm>> -> memref<128x128xf32, #tpu.memory_space<hbm>>
      %dma_wait3A_142 = arith.constant 0 : i32
      %dma_wait3A_143 = tpu.memref_slice %arg15[%add3A_121, %dma_wait3A_142] : memref<10240x128xf32, #tpu.memory_space<vmem_shared>> -> memref<128x128xf32, #tpu.memory_space<vmem_shared>>
      tpu.wait_dma2 semaphore(%run_scoped3A_133 : memref<!tpu.dma_semaphore, #tpu.memory_space<semaphore_mem>>) src(%dma_wait3A_143 : memref<128x128xf32, #tpu.memory_space<vmem_shared>>) dst(%dma_wait3A_141 : memref<128x128xf32, #tpu.memory_space<hbm>>)
      tpu.yield
    }) : () -> ()
    %run_scoped3A_122 = arith.constant 0 : i32
    "tpu.region"() ({
      %run_scoped3A_133 = tpu.sem_alloc : memref<!tpu.dma_semaphore, #tpu.memory_space<semaphore_mem>>
      %dma_start3A_134 = tpu.memref_slice %arg7[%arg0, %run_scoped3A_122, %add3A_121] : memref<2x1x10240xf32, #tpu.memory_space<hbm>> -> memref<1x1x128xf32, #tpu.memory_space<hbm>>
      %dma_start3A_135 = tpu.memref_squeeze %dma_start3A_134 : memref<1x1x128xf32, #tpu.memory_space<hbm>> -> memref<128xf32, #tpu.memory_space<hbm>>
      %dma_start3A_136 = tpu.memref_slice %arg16[%add3A_121] : memref<10240xf32, #tpu.memory_space<vmem_shared>> -> memref<128xf32, #tpu.memory_space<vmem_shared>>
      tpu.enqueue_dma source(%dma_start3A_136 : memref<128xf32, #tpu.memory_space<vmem_shared>>) target(%dma_start3A_135 : memref<128xf32, #tpu.memory_space<hbm>>) target_semaphore(%run_scoped3A_133 : memref<!tpu.dma_semaphore, #tpu.memory_space<semaphore_mem>>)
      %dma_wait3A_137 = tpu.memref_slice %arg7[%arg0, %run_scoped3A_122, %add3A_121] : memref<2x1x10240xf32, #tpu.memory_space<hbm>> -> memref<1x1x128xf32, #tpu.memory_space<hbm>>
      %dma_wait3A_138 = tpu.memref_squeeze %dma_wait3A_137 : memref<1x1x128xf32, #tpu.memory_space<hbm>> -> memref<128xf32, #tpu.memory_space<hbm>>
      %dma_wait3A_139 = tpu.memref_slice %arg16[%add3A_121] : memref<10240xf32, #tpu.memory_space<vmem_shared>> -> memref<128xf32, #tpu.memory_space<vmem_shared>>
      tpu.wait_dma2 semaphore(%run_scoped3A_133 : memref<!tpu.dma_semaphore, #tpu.memory_space<semaphore_mem>>) src(%dma_wait3A_139 : memref<128xf32, #tpu.memory_space<vmem_shared>>) dst(%dma_wait3A_138 : memref<128xf32, #tpu.memory_space<hbm>>)
      tpu.yield
    }) : () -> ()
    %mul3A_123 = arith.constant 640 : i32
    %mul3A_124 = arith.muli %arg1, %mul3A_123 : i32
    %add3A_125 = arith.constant 384 : i32
    %add3A_126 = arith.addi %mul3A_124, %add3A_125 : i32
    "tpu.region"() ({
      %run_scoped3A_133 = tpu.sem_alloc : memref<!tpu.dma_semaphore, #tpu.memory_space<semaphore_mem>>
      %dma_start3A_134 = arith.constant 0 : i32
      %dma_start3A_135 = tpu.memref_slice %arg6[%arg0, %add3A_126, %dma_start3A_134] : memref<2x10240x128xf32, #tpu.memory_space<hbm>> -> memref<1x128x128xf32, #tpu.memory_space<hbm>>
      %dma_start3A_136 = tpu.memref_squeeze %dma_start3A_135 : memref<1x128x128xf32, #tpu.memory_space<hbm>> -> memref<128x128xf32, #tpu.memory_space<hbm>>
      %dma_start3A_137 = arith.constant 0 : i32
      %dma_start3A_138 = tpu.memref_slice %arg15[%add3A_126, %dma_start3A_137] : memref<10240x128xf32, #tpu.memory_space<vmem_shared>> -> memref<128x128xf32, #tpu.memory_space<vmem_shared>>
      tpu.enqueue_dma source(%dma_start3A_138 : memref<128x128xf32, #tpu.memory_space<vmem_shared>>) target(%dma_start3A_136 : memref<128x128xf32, #tpu.memory_space<hbm>>) target_semaphore(%run_scoped3A_133 : memref<!tpu.dma_semaphore, #tpu.memory_space<semaphore_mem>>)
      %dma_wait3A_139 = arith.constant 0 : i32
      %dma_wait3A_140 = tpu.memref_slice %arg6[%arg0, %add3A_126, %dma_wait3A_139] : memref<2x10240x128xf32, #tpu.memory_space<hbm>> -> memref<1x128x128xf32, #tpu.memory_space<hbm>>
      %dma_wait3A_141 = tpu.memref_squeeze %dma_wait3A_140 : memref<1x128x128xf32, #tpu.memory_space<hbm>> -> memref<128x128xf32, #tpu.memory_space<hbm>>
      %dma_wait3A_142 = arith.constant 0 : i32
      %dma_wait3A_143 = tpu.memref_slice %arg15[%add3A_126, %dma_wait3A_142] : memref<10240x128xf32, #tpu.memory_space<vmem_shared>> -> memref<128x128xf32, #tpu.memory_space<vmem_shared>>
      tpu.wait_dma2 semaphore(%run_scoped3A_133 : memref<!tpu.dma_semaphore, #tpu.memory_space<semaphore_mem>>) src(%dma_wait3A_143 : memref<128x128xf32, #tpu.memory_space<vmem_shared>>) dst(%dma_wait3A_141 : memref<128x128xf32, #tpu.memory_space<hbm>>)
      tpu.yield
    }) : () -> ()
    %run_scoped3A_127 = arith.constant 0 : i32
    "tpu.region"() ({
      %run_scoped3A_133 = tpu.sem_alloc : memref<!tpu.dma_semaphore, #tpu.memory_space<semaphore_mem>>
      %dma_start3A_134 = tpu.memref_slice %arg7[%arg0, %run_scoped3A_127, %add3A_126] : memref<2x1x10240xf32, #tpu.memory_space<hbm>> -> memref<1x1x128xf32, #tpu.memory_space<hbm>>
      %dma_start3A_135 = tpu.memref_squeeze %dma_start3A_134 : memref<1x1x128xf32, #tpu.memory_space<hbm>> -> memref<128xf32, #tpu.memory_space<hbm>>
      %dma_start3A_136 = tpu.memref_slice %arg16[%add3A_126] : memref<10240xf32, #tpu.memory_space<vmem_shared>> -> memref<128xf32, #tpu.memory_space<vmem_shared>>
      tpu.enqueue_dma source(%dma_start3A_136 : memref<128xf32, #tpu.memory_space<vmem_shared>>) target(%dma_start3A_135 : memref<128xf32, #tpu.memory_space<hbm>>) target_semaphore(%run_scoped3A_133 : memref<!tpu.dma_semaphore, #tpu.memory_space<semaphore_mem>>)
      %dma_wait3A_137 = tpu.memref_slice %arg7[%arg0, %run_scoped3A_127, %add3A_126] : memref<2x1x10240xf32, #tpu.memory_space<hbm>> -> memref<1x1x128xf32, #tpu.memory_space<hbm>>
      %dma_wait3A_138 = tpu.memref_squeeze %dma_wait3A_137 : memref<1x1x128xf32, #tpu.memory_space<hbm>> -> memref<128xf32, #tpu.memory_space<hbm>>
      %dma_wait3A_139 = tpu.memref_slice %arg16[%add3A_126] : memref<10240xf32, #tpu.memory_space<vmem_shared>> -> memref<128xf32, #tpu.memory_space<vmem_shared>>
      tpu.wait_dma2 semaphore(%run_scoped3A_133 : memref<!tpu.dma_semaphore, #tpu.memory_space<semaphore_mem>>) src(%dma_wait3A_139 : memref<128xf32, #tpu.memory_space<vmem_shared>>) dst(%dma_wait3A_138 : memref<128xf32, #tpu.memory_space<hbm>>)
      tpu.yield
    }) : () -> ()
    %mul3A_128 = arith.constant 640 : i32
    %mul3A_129 = arith.muli %arg1, %mul3A_128 : i32
    %add3A_130 = arith.constant 512 : i32
    %add3A_131 = arith.addi %mul3A_129, %add3A_130 : i32
    "tpu.region"() ({
      %run_scoped3A_133 = tpu.sem_alloc : memref<!tpu.dma_semaphore, #tpu.memory_space<semaphore_mem>>
      %dma_start3A_134 = arith.constant 0 : i32
      %dma_start3A_135 = tpu.memref_slice %arg6[%arg0, %add3A_131, %dma_start3A_134] : memref<2x10240x128xf32, #tpu.memory_space<hbm>> -> memref<1x128x128xf32, #tpu.memory_space<hbm>>
      %dma_start3A_136 = tpu.memref_squeeze %dma_start3A_135 : memref<1x128x128xf32, #tpu.memory_space<hbm>> -> memref<128x128xf32, #tpu.memory_space<hbm>>
      %dma_start3A_137 = arith.constant 0 : i32
      %dma_start3A_138 = tpu.memref_slice %arg15[%add3A_131, %dma_start3A_137] : memref<10240x128xf32, #tpu.memory_space<vmem_shared>> -> memref<128x128xf32, #tpu.memory_space<vmem_shared>>
      tpu.enqueue_dma source(%dma_start3A_138 : memref<128x128xf32, #tpu.memory_space<vmem_shared>>) target(%dma_start3A_136 : memref<128x128xf32, #tpu.memory_space<hbm>>) target_semaphore(%run_scoped3A_133 : memref<!tpu.dma_semaphore, #tpu.memory_space<semaphore_mem>>)
      %dma_wait3A_139 = arith.constant 0 : i32
      %dma_wait3A_140 = tpu.memref_slice %arg6[%arg0, %add3A_131, %dma_wait3A_139] : memref<2x10240x128xf32, #tpu.memory_space<hbm>> -> memref<1x128x128xf32, #tpu.memory_space<hbm>>
      %dma_wait3A_141 = tpu.memref_squeeze %dma_wait3A_140 : memref<1x128x128xf32, #tpu.memory_space<hbm>> -> memref<128x128xf32, #tpu.memory_space<hbm>>
      %dma_wait3A_142 = arith.constant 0 : i32
      %dma_wait3A_143 = tpu.memref_slice %arg15[%add3A_131, %dma_wait3A_142] : memref<10240x128xf32, #tpu.memory_space<vmem_shared>> -> memref<128x128xf32, #tpu.memory_space<vmem_shared>>
      tpu.wait_dma2 semaphore(%run_scoped3A_133 : memref<!tpu.dma_semaphore, #tpu.memory_space<semaphore_mem>>) src(%dma_wait3A_143 : memref<128x128xf32, #tpu.memory_space<vmem_shared>>) dst(%dma_wait3A_141 : memref<128x128xf32, #tpu.memory_space<hbm>>)
      tpu.yield
    }) : () -> ()
    %run_scoped3A_132 = arith.constant 0 : i32
    "tpu.region"() ({
      %run_scoped3A_133 = tpu.sem_alloc : memref<!tpu.dma_semaphore, #tpu.memory_space<semaphore_mem>>
      %dma_start3A_134 = tpu.memref_slice %arg7[%arg0, %run_scoped3A_132, %add3A_131] : memref<2x1x10240xf32, #tpu.memory_space<hbm>> -> memref<1x1x128xf32, #tpu.memory_space<hbm>>
      %dma_start3A_135 = tpu.memref_squeeze %dma_start3A_134 : memref<1x1x128xf32, #tpu.memory_space<hbm>> -> memref<128xf32, #tpu.memory_space<hbm>>
      %dma_start3A_136 = tpu.memref_slice %arg16[%add3A_131] : memref<10240xf32, #tpu.memory_space<vmem_shared>> -> memref<128xf32, #tpu.memory_space<vmem_shared>>
      tpu.enqueue_dma source(%dma_start3A_136 : memref<128xf32, #tpu.memory_space<vmem_shared>>) target(%dma_start3A_135 : memref<128xf32, #tpu.memory_space<hbm>>) target_semaphore(%run_scoped3A_133 : memref<!tpu.dma_semaphore, #tpu.memory_space<semaphore_mem>>)
      %dma_wait3A_137 = tpu.memref_slice %arg7[%arg0, %run_scoped3A_132, %add3A_131] : memref<2x1x10240xf32, #tpu.memory_space<hbm>> -> memref<1x1x128xf32, #tpu.memory_space<hbm>>
      %dma_wait3A_138 = tpu.memref_squeeze %dma_wait3A_137 : memref<1x1x128xf32, #tpu.memory_space<hbm>> -> memref<128xf32, #tpu.memory_space<hbm>>
      %dma_wait3A_139 = tpu.memref_slice %arg16[%add3A_131] : memref<10240xf32, #tpu.memory_space<vmem_shared>> -> memref<128xf32, #tpu.memory_space<vmem_shared>>
      tpu.wait_dma2 semaphore(%run_scoped3A_133 : memref<!tpu.dma_semaphore, #tpu.memory_space<semaphore_mem>>) src(%dma_wait3A_139 : memref<128xf32, #tpu.memory_space<vmem_shared>>) dst(%dma_wait3A_138 : memref<128xf32, #tpu.memory_space<hbm>>)
      tpu.yield
    }) : () -> ()
    return
  }
}

module attributes {stable_mosaic.version = 14 : i64} {
  func.func @_mm_body(%arg0: i32, %arg1: memref<1024x128xf32, #tpu.memory_space<vmem>>, %arg2: memref<128x128xf32, #tpu.memory_space<vmem>>, %arg3: memref<8x128xf32, #tpu.memory_space<vmem>>, %arg4: memref<1024x128xbf16, #tpu.memory_space<vmem>>, %arg5: memref<8x1024xf32, #tpu.memory_space<vmem>>) attributes {dimension_semantics = [#tpu.dimension_semantics<arbitrary>], iteration_bounds = array<i64: 10>, scalar_prefetch = 0 : i64, scratch_operands = 0 : i64, tpu.core_type = #tpu.core_type<tc>, window_params = [{transform_indices = @transform_0, window_bounds = array<i64: 1024, 128>}, {pipeline_mode = #tpu.pipeline_mode<synchronous>, transform_indices = @transform_1, window_bounds = array<i64: 128, 128>}, {pipeline_mode = #tpu.pipeline_mode<synchronous>, transform_indices = @transform_2, window_bounds = array<i64: 8, 128>}, {transform_indices = @transform_3, window_bounds = array<i64: 1024, 128>}, {transform_indices = @transform_4, window_bounds = array<i64: 8, 1024>}]} {
    %get3A = arith.constant 0 : index
    %get3A_0 = arith.constant 0 : index
    %get3A_1 = vector.load %arg1[%get3A, %get3A_0] : memref<1024x128xf32, #tpu.memory_space<vmem>>, vector<1024x128xf32>
    %get3A_2 = arith.constant 0 : index
    %get3A_3 = arith.constant 0 : index
    %get3A_4 = vector.load %arg2[%get3A_2, %get3A_3] : memref<128x128xf32, #tpu.memory_space<vmem>>, vector<128x128xf32>
    %dot_general3A = arith.constant dense<0.000000e+00> : vector<1024x128xf32>
    %dot_general3A_5 = tpu.matmul %get3A_1, %get3A_4, %dot_general3A {dimension_numbers = #tpu.dot_dimension_numbers<[1], [0], [0], [1], [0, 0, 1, 1], [], []>, transpose_lhs_hint = false} : vector<1024x128xf32>, vector<128x128xf32>, vector<1024x128xf32> -> vector<1024x128xf32>
    %convert_element_type3A = arith.truncf %dot_general3A_5 : vector<1024x128xf32> to vector<1024x128xbf16>
    %swap3A = arith.constant 0 : index
    %swap3A_6 = arith.constant 0 : index
    %swap3A_7 = vector.load %arg4[%swap3A, %swap3A_6] : memref<1024x128xbf16, #tpu.memory_space<vmem>>, vector<1024x128xbf16>
    tpu.vector_store %arg4[%swap3A, %swap3A_6], %convert_element_type3A {strides = array<i32>} : memref<1024x128xbf16, #tpu.memory_space<vmem>>, vector<1024x128xbf16>,
    %get3A_8 = arith.constant 0 : index
    %get3A_9 = arith.constant 0 : index
    %get3A_10 = vector.load %arg3[%get3A_8, %get3A_9] : memref<8x128xf32, #tpu.memory_space<vmem>>, vector<8x128xf32>
    %dot_general3A_11 = arith.constant dense<0.000000e+00> : vector<8x1024xf32>
    %dot_general3A_12 = tpu.matmul %get3A_10, %dot_general3A_5, %dot_general3A_11 {dimension_numbers = #tpu.dot_dimension_numbers<[1], [1], [0], [0], [0, 0, 1, 0], [], []>, transpose_lhs_hint = false} : vector<8x128xf32>, vector<1024x128xf32>, vector<8x1024xf32> -> vector<8x1024xf32>
    %swap3A_13 = arith.constant 0 : index
    %swap3A_14 = arith.constant 0 : index
    %swap3A_15 = vector.load %arg5[%swap3A_13, %swap3A_14] : memref<8x1024xf32, #tpu.memory_space<vmem>>, vector<8x1024xf32>
    tpu.vector_store %arg5[%swap3A_13, %swap3A_14], %dot_general3A_12 {strides = array<i32>} : memref<8x1024xf32, #tpu.memory_space<vmem>>, vector<8x1024xf32>,
    return
  }
  func.func @transform_0(%arg0: i32) -> (i32, i32) {
    %c0_i32 = arith.constant 0 : i32
    %c0_i32_0 = arith.constant 0 : i32
    return %arg0, %c0_i32 : i32, i32
  }
  func.func @transform_1(%arg0: i32) -> (i32, i32) {
    %c0_i32 = arith.constant 0 : i32
    %c0_i32_0 = arith.constant 0 : i32
    %c0_i32_1 = arith.constant 0 : i32
    return %c0_i32, %c0_i32_0 : i32, i32
  }
  func.func @transform_2(%arg0: i32) -> (i32, i32) {
    %c0_i32 = arith.constant 0 : i32
    %c0_i32_0 = arith.constant 0 : i32
    %c0_i32_1 = arith.constant 0 : i32
    return %c0_i32, %c0_i32_0 : i32, i32
  }
  func.func @transform_3(%arg0: i32) -> (i32, i32) {
    %c0_i32 = arith.constant 0 : i32
    %c0_i32_0 = arith.constant 0 : i32
    return %arg0, %c0_i32 : i32, i32
  }
  func.func @transform_4(%arg0: i32) -> (i32, i32) {
    %c0_i32 = arith.constant 0 : i32
    %c0_i32_0 = arith.constant 0 : i32
    return %c0_i32, %arg0 : i32, i32
  }
}

module attributes {stable_mosaic.version = 14 : i64} {
  func.func @_fin1_body(%arg0: i32, %arg1: memref<2x400x128xf32, #tpu.memory_space<vmem>>, %arg2: memref<400x2xf32, #tpu.memory_space<vmem>>, %arg3: memref<1x128xf32, #tpu.memory_space<vmem>>, %arg4: memref<400x128xf32, #tpu.memory_space<vmem>>, %arg5: memref<8x128xf32, #tpu.memory_space<vmem>>) attributes {dimension_semantics = [#tpu.dimension_semantics<arbitrary>], iteration_bounds = array<i64: 25>, scalar_prefetch = 0 : i64, scratch_operands = 0 : i64, tpu.core_type = #tpu.core_type<tc>, window_params = [{transform_indices = @transform_0, window_bounds = array<i64: 2, 400, 128>}, {transform_indices = @transform_1, window_bounds = array<i64: 400, 2>}, {pipeline_mode = #tpu.pipeline_mode<synchronous>, transform_indices = @transform_2, window_bounds = array<i64: 1, 128>}, {transform_indices = @transform_3, window_bounds = array<i64: 400, 128>}, {pipeline_mode = #tpu.pipeline_mode<synchronous>, transform_indices = @transform_4, window_bounds = array<i64: 8, 128>}]} {
    %get3A = arith.constant 0 : index
    %get3A_0 = arith.constant 0 : index
    %get3A_1 = arith.constant 0 : index
    %get3A_2 = vector.load %arg1[%get3A, %get3A_0, %get3A_1] : memref<2x400x128xf32, #tpu.memory_space<vmem>>, vector<1x400x128xf32>
    %get3A_3 = vector.shape_cast %get3A_2 : vector<1x400x128xf32> to vector<400x128xf32>
    %get3A_4 = arith.constant 1 : index
    %get3A_5 = arith.constant 0 : index
    %get3A_6 = arith.constant 0 : index
    %get3A_7 = vector.load %arg1[%get3A_4, %get3A_5, %get3A_6] : memref<2x400x128xf32, #tpu.memory_space<vmem>>, vector<1x400x128xf32>
    %get3A_8 = vector.shape_cast %get3A_7 : vector<1x400x128xf32> to vector<400x128xf32>
    %add3A = arith.addf %get3A_3, %get3A_8 : vector<400x128xf32>
    %get3A_9 = arith.constant 0 : index
    %get3A_10 = arith.constant 0 : index
    %get3A_11 = vector.load %arg2[%get3A_9, %get3A_10] : memref<400x2xf32, #tpu.memory_space<vmem>>, vector<400x1xf32>
    %get3A_12 = vector.shape_cast %get3A_11 : vector<400x1xf32> to vector<400xf32>
    %get3A_13 = arith.constant 0 : index
    %get3A_14 = arith.constant 1 : index
    %get3A_15 = vector.load %arg2[%get3A_13, %get3A_14] : memref<400x2xf32, #tpu.memory_space<vmem>>, vector<400x1xf32>
    %get3A_16 = vector.shape_cast %get3A_15 : vector<400x1xf32> to vector<400xf32>
    %add3A_17 = arith.addf %get3A_12, %get3A_16 : vector<400xf32>
    %add3A_18 = arith.constant 1.000000e-16 : f32
    %add3A_19 = vector.broadcast %add3A_18 : f32 to vector<400xf32>
    %add3A_20 = arith.addf %add3A_17, %add3A_19 : vector<400xf32>
    %broadcast_in_dim3A = vector.shape_cast %add3A_20 : vector<400xf32> to vector<400x1xf32>
    %div3A = vector.broadcast %broadcast_in_dim3A : vector<400x1xf32> to vector<400x128xf32>
    %div3A_21 = arith.divf %add3A, %div3A : vector<400x128xf32>
    %get3A_22 = arith.constant 0 : index
    %get3A_23 = arith.constant 0 : index
    %get3A_24 = vector.load %arg3[%get3A_22, %get3A_23] : memref<1x128xf32, #tpu.memory_space<vmem>>, vector<1x128xf32>
    %add3A_25 = vector.broadcast %get3A_24 : vector<1x128xf32> to vector<400x128xf32>
    %add3A_26 = arith.addf %div3A_21, %add3A_25 : vector<400x128xf32>
    %swap3A = arith.constant 0 : index
    %swap3A_27 = arith.constant 0 : index
    %swap3A_28 = vector.load %arg4[%swap3A, %swap3A_27] : memref<400x128xf32, #tpu.memory_space<vmem>>, vector<400x128xf32>
    tpu.vector_store %arg4[%swap3A, %swap3A_27], %add3A_26 {strides = array<i32>} : memref<400x128xf32, #tpu.memory_space<vmem>>, vector<400x128xf32>,
    %eq3A = arith.constant 0 : i32
    %eq3A_29 = arith.cmpi eq, %arg0, %eq3A : i32
    %convert_element_type3A = arith.extui %eq3A_29 : i1 to i32
    %cond3A = arith.constant 0 : i32
    %cond3A_30 = arith.cmpi ne, %convert_element_type3A, %cond3A : i32
    scf.if %cond3A_30 {
      %broadcast_in_dim3A_54 = arith.constant 0.000000e+00 : f32
      %broadcast_in_dim3A_55 = vector.broadcast %broadcast_in_dim3A_54 : f32 to vector<8x128xf32>
      %swap3A_56 = arith.constant 0 : index
      %swap3A_57 = arith.constant 0 : index
      %swap3A_58 = vector.load %arg5[%swap3A_56, %swap3A_57] : memref<8x128xf32, #tpu.memory_space<vmem>>, vector<8x128xf32>
      tpu.vector_store %arg5[%swap3A_56, %swap3A_57], %broadcast_in_dim3A_55 {strides = array<i32>} : memref<8x128xf32, #tpu.memory_space<vmem>>, vector<8x128xf32>,
    } else {
    }
    %get3A_31 = arith.constant 0 : index
    %get3A_32 = arith.constant 0 : index
    %get3A_33 = vector.load %arg5[%get3A_31, %get3A_32] : memref<8x128xf32, #tpu.memory_space<vmem>>, vector<1x128xf32>
    %get3A_34 = vector.shape_cast %get3A_33 : vector<1x128xf32> to vector<128xf32>
    %reduce_sum3A = arith.constant dense<0.000000e+00> : vector<128xf32>
    %reduce_sum3A_35 = vector.multi_reduction <add>, %add3A_26, %reduce_sum3A [0] : vector<400x128xf32> to vector<128xf32>
    %add3A_36 = arith.addf %get3A_34, %reduce_sum3A_35 : vector<128xf32>
    %swap3A_37 = arith.constant 0 : index
    %swap3A_38 = arith.constant 0 : index
    %swap3A_39 = vector.load %arg5[%swap3A_37, %swap3A_38] : memref<8x128xf32, #tpu.memory_space<vmem>>, vector<1x128xf32>
    %swap3A_40 = vector.shape_cast %swap3A_39 : vector<1x128xf32> to vector<128xf32>
    %swap3A_41 = vector.shape_cast %add3A_36 : vector<128xf32> to vector<1x128xf32>
    tpu.vector_store %arg5[%swap3A_37, %swap3A_38], %swap3A_41 {strides = array<i32>} : memref<8x128xf32, #tpu.memory_space<vmem>>, vector<1x128xf32>,
    %get3A_42 = arith.constant 1 : index
    %get3A_43 = arith.constant 0 : index
    %get3A_44 = vector.load %arg5[%get3A_42, %get3A_43] : memref<8x128xf32, #tpu.memory_space<vmem>>, vector<1x128xf32>
    %get3A_45 = vector.shape_cast %get3A_44 : vector<1x128xf32> to vector<128xf32>
    %mul3A = arith.mulf %add3A_26, %add3A_26 : vector<400x128xf32>
    %reduce_sum3A_46 = arith.constant dense<0.000000e+00> : vector<128xf32>
    %reduce_sum3A_47 = vector.multi_reduction <add>, %mul3A, %reduce_sum3A_46 [0] : vector<400x128xf32> to vector<128xf32>
    %add3A_48 = arith.addf %get3A_45, %reduce_sum3A_47 : vector<128xf32>
    %swap3A_49 = arith.constant 1 : index
    %swap3A_50 = arith.constant 0 : index
    %swap3A_51 = vector.load %arg5[%swap3A_49, %swap3A_50] : memref<8x128xf32, #tpu.memory_space<vmem>>, vector<1x128xf32>
    %swap3A_52 = vector.shape_cast %swap3A_51 : vector<1x128xf32> to vector<128xf32>
    %swap3A_53 = vector.shape_cast %add3A_48 : vector<128xf32> to vector<1x128xf32>
    tpu.vector_store %arg5[%swap3A_49, %swap3A_50], %swap3A_53 {strides = array<i32>} : memref<8x128xf32, #tpu.memory_space<vmem>>, vector<1x128xf32>,
    return
  }
  func.func @transform_0(%arg0: i32) -> (i32, i32, i32) {
    %c0_i32 = arith.constant 0 : i32
    %c0_i32_0 = arith.constant 0 : i32
    %c0_i32_1 = arith.constant 0 : i32
    return %c0_i32, %arg0, %c0_i32_0 : i32, i32, i32
  }
  func.func @transform_1(%arg0: i32) -> (i32, i32) {
    %c0_i32 = arith.constant 0 : i32
    %c0_i32_0 = arith.constant 0 : i32
    return %arg0, %c0_i32 : i32, i32
  }
  func.func @transform_2(%arg0: i32) -> (i32, i32) {
    %c0_i32 = arith.constant 0 : i32
    %c0_i32_0 = arith.constant 0 : i32
    %c0_i32_1 = arith.constant 0 : i32
    return %c0_i32, %c0_i32_0 : i32, i32
  }
  func.func @transform_3(%arg0: i32) -> (i32, i32) {
    %c0_i32 = arith.constant 0 : i32
    %c0_i32_0 = arith.constant 0 : i32
    return %arg0, %c0_i32 : i32, i32
  }
  func.func @transform_4(%arg0: i32) -> (i32, i32) {
    %c0_i32 = arith.constant 0 : i32
    %c0_i32_0 = arith.constant 0 : i32
    %c0_i32_1 = arith.constant 0 : i32
    return %c0_i32, %c0_i32_0 : i32, i32
  }
}

module attributes {stable_mosaic.version = 14 : i64} {
  func.func @_fin2_body(%arg0: i32, %arg1: memref<400x128xf32, #tpu.memory_space<vmem>>, %arg2: memref<8x128xf32, #tpu.memory_space<vmem>>, %arg3: memref<1x128xf32, #tpu.memory_space<vmem>>, %arg4: memref<1x128xf32, #tpu.memory_space<vmem>>, %arg5: memref<400x128xf32, #tpu.memory_space<vmem>>) attributes {dimension_semantics = [#tpu.dimension_semantics<arbitrary>], iteration_bounds = array<i64: 25>, scalar_prefetch = 0 : i64, scratch_operands = 0 : i64, tpu.core_type = #tpu.core_type<tc>, window_params = [{transform_indices = @transform_0, window_bounds = array<i64: 400, 128>}, {pipeline_mode = #tpu.pipeline_mode<synchronous>, transform_indices = @transform_1, window_bounds = array<i64: 8, 128>}, {pipeline_mode = #tpu.pipeline_mode<synchronous>, transform_indices = @transform_2, window_bounds = array<i64: 1, 128>}, {pipeline_mode = #tpu.pipeline_mode<synchronous>, transform_indices = @transform_3, window_bounds = array<i64: 1, 128>}, {transform_indices = @transform_4, window_bounds = array<i64: 400, 128>}]} {
    %get3A = arith.constant 0 : index
    %get3A_0 = arith.constant 0 : index
    %get3A_1 = vector.load %arg2[%get3A, %get3A_0] : memref<8x128xf32, #tpu.memory_space<vmem>>, vector<1x128xf32>
    %get3A_2 = vector.shape_cast %get3A_1 : vector<1x128xf32> to vector<128xf32>
    %div3A = arith.constant 1.000000e+04 : f32
    %div3A_3 = vector.broadcast %div3A : f32 to vector<128xf32>
    %div3A_4 = arith.divf %get3A_2, %div3A_3 : vector<128xf32>
    %get3A_5 = arith.constant 1 : index
    %get3A_6 = arith.constant 0 : index
    %get3A_7 = vector.load %arg2[%get3A_5, %get3A_6] : memref<8x128xf32, #tpu.memory_space<vmem>>, vector<1x128xf32>
    %get3A_8 = vector.shape_cast %get3A_7 : vector<1x128xf32> to vector<128xf32>
    %div3A_9 = arith.constant 1.000000e+04 : f32
    %div3A_10 = vector.broadcast %div3A_9 : f32 to vector<128xf32>
    %div3A_11 = arith.divf %get3A_8, %div3A_10 : vector<128xf32>
    %mul3A = arith.mulf %div3A_4, %div3A_4 : vector<128xf32>
    %sub3A = arith.subf %div3A_11, %mul3A : vector<128xf32>
    %get3A_12 = arith.constant 0 : index
    %get3A_13 = arith.constant 0 : index
    %get3A_14 = vector.load %arg3[%get3A_12, %get3A_13] : memref<1x128xf32, #tpu.memory_space<vmem>>, vector<1x128xf32>
    %add3A = arith.constant 9.99999974E-6 : f32
    %add3A_15 = vector.broadcast %add3A : f32 to vector<128xf32>
    %add3A_16 = arith.addf %sub3A, %add3A_15 : vector<128xf32>
    %rsqrt3A = math.rsqrt %add3A_16 : vector<128xf32>
    %broadcast_in_dim3A = vector.shape_cast %rsqrt3A : vector<128xf32> to vector<1x128xf32>
    %mul3A_17 = arith.mulf %get3A_14, %broadcast_in_dim3A : vector<1x128xf32>
    %get3A_18 = arith.constant 0 : index
    %get3A_19 = arith.constant 0 : index
    %get3A_20 = vector.load %arg1[%get3A_18, %get3A_19] : memref<400x128xf32, #tpu.memory_space<vmem>>, vector<400x128xf32>
    %broadcast_in_dim3A_21 = vector.shape_cast %div3A_4 : vector<128xf32> to vector<1x128xf32>
    %sub3A_22 = vector.broadcast %broadcast_in_dim3A_21 : vector<1x128xf32> to vector<400x128xf32>
    %sub3A_23 = arith.subf %get3A_20, %sub3A_22 : vector<400x128xf32>
    %mul3A_24 = vector.broadcast %mul3A_17 : vector<1x128xf32> to vector<400x128xf32>
    %mul3A_25 = arith.mulf %sub3A_23, %mul3A_24 : vector<400x128xf32>
    %get3A_26 = arith.constant 0 : index
    %get3A_27 = arith.constant 0 : index
    %get3A_28 = vector.load %arg4[%get3A_26, %get3A_27] : memref<1x128xf32, #tpu.memory_space<vmem>>, vector<1x128xf32>
    %add3A_29 = vector.broadcast %get3A_28 : vector<1x128xf32> to vector<400x128xf32>
    %add3A_30 = arith.addf %mul3A_25, %add3A_29 : vector<400x128xf32>
    %max3A = arith.constant 0.000000e+00 : f32
    %max3A_31 = vector.broadcast %max3A : f32 to vector<400x128xf32>
    %max3A_32 = arith.maximumf %add3A_30, %max3A_31 : vector<400x128xf32>
    %swap3A = arith.constant 0 : index
    %swap3A_33 = arith.constant 0 : index
    %swap3A_34 = vector.load %arg5[%swap3A, %swap3A_33] : memref<400x128xf32, #tpu.memory_space<vmem>>, vector<400x128xf32>
    tpu.vector_store %arg5[%swap3A, %swap3A_33], %max3A_32 {strides = array<i32>} : memref<400x128xf32, #tpu.memory_space<vmem>>, vector<400x128xf32>,
    return
  }
  func.func @transform_0(%arg0: i32) -> (i32, i32) {
    %c0_i32 = arith.constant 0 : i32
    %c0_i32_0 = arith.constant 0 : i32
    return %arg0, %c0_i32 : i32, i32
  }
  func.func @transform_1(%arg0: i32) -> (i32, i32) {
    %c0_i32 = arith.constant 0 : i32
    %c0_i32_0 = arith.constant 0 : i32
    %c0_i32_1 = arith.constant 0 : i32
    return %c0_i32, %c0_i32_0 : i32, i32
  }
  func.func @transform_2(%arg0: i32) -> (i32, i32) {
    %c0_i32 = arith.constant 0 : i32
    %c0_i32_0 = arith.constant 0 : i32
    %c0_i32_1 = arith.constant 0 : i32
    return %c0_i32, %c0_i32_0 : i32, i32
  }
  func.func @transform_3(%arg0: i32) -> (i32, i32) {
    %c0_i32 = arith.constant 0 : i32
    %c0_i32_0 = arith.constant 0 : i32
    %c0_i32_1 = arith.constant 0 : i32
    return %c0_i32, %c0_i32_0 : i32, i32
  }
  func.func @transform_4(%arg0: i32) -> (i32, i32) {
    %c0_i32 = arith.constant 0 : i32
    %c0_i32_0 = arith.constant 0 : i32
    return %arg0, %c0_i32 : i32, i32
  }
}

</mosaic_0001>

<sc_bundles>
// kernel: kernel.6.cloned.1.call-start
scs
__scs_entry_jumppad:
0x0: {  	(pc) =	sbr.rel $0x88, $3  }
0x1: {  	(tag) =	ssettag $0x0;
	lr =	simm.s32 $0x1  }
0x2: {  	[smem:$0x3F99] =	sst lr;
	_ =	strace $0xD0000000  }
0x3: {  	_ = 	snop  }
0x4: {  	_ = 	snop  }
0x5: {  	_ = 	snop  }
0x6: {  	_ = 	snop  }
0x7: {  	_ = 	snop  }
__scs_overlays_trampoline_lowered:
0x8: {  	[smem:$0x3FA8] =	sst s0  }
0x9: {  	[smem:$0x3FA9] =	sst s1  }
0xa: {  	[smem:$0x3FAA] =	sst s2  }
0xb: {  	[smem:$0x3FAB] =	sst s3  }
0xc: {  	[smem:$0x3FAC] =	sst s4  }
0xd: {  	[smem:$0x3FAD] =	sst s5  }
0xe: {  	[smem:$0x3FAE] =	sst s6  }
0xf: {  	[smem:$0x3FAF] =	sst s7  }
0x10: {  	[smem:$0x3FB0] =	sst s8  }
0x11: {  	[smem:$0x3FB1] =	sst s9;
	s0 =	simm.s32 @!p0 $0x0  }
0x12: {  	s1 =	sld [smem:$0x3F97];
	s0 =	simm.s32 @p0 $0x1  }
0x13: {  	[smem:$0x3FB2] =	sst s0;
	s0 =	simm.s32 @!p1 $0x0  }
0x14: {  	s2 =	sld [smem:$0x3F96];
	s0 =	simm.s32 @p1 $0x1  }
0x15: {  	[smem:$0x3FB3] =	sst s0;
	s0 =	simm.s32 @!p2 $0x0  }
0x16: {  	s3 =	sld [smem:$0x3FDB];
	s0 =	simm.s32 @p2 $0x1  }
0x17: {  	s4 =	simm.s32 $0x1BF5;
	[smem:$0x3FB5] =	sst s0  }
0x18: {  	s0 =	sld [smem:$0x3F98];
	_ =	swait.ge [sflag:s4], $0x0  }
0x19: {  	s7 =	sld [smem:$0x3F99]  }
0x1a: {  	s8 =	sadd.s32 $0xFFFFE003, lr  }
0x1b: {  	s9 =	sadd.s32 $0xFFFFFEF7, lr;
	s5 =	simm.s32 $0xFFFFFFFF;
	p2 =	slt.u32 s8, $0xFFFFF086  }
0x1c: {  	p1 =	slt.u32 s9, $0xF7A;
	s5 =	simm.s32 @!p2 $0x0  }
0x1d: {  	s5 =	simm.s32 @p1 $0x1;
	p0 =	seq.s32 s7, s2  }
0x1e: {  	s7 =	smul.u32 @!p0 $0xF7A, s2;
	p2 =	seq.s32 @!p0 s5, $0x0  }
0x1f: {  	s9 =	smul.u32 $0xF7A, s1;
	s8 =	simm.s32 @!p0 $0x1BF5;
	p2 =	por !p2, p0  }
0x20: {  	[sflag:s8] =	ssyncset.s32 @!p0 $0xFFFFF086;
	s6 =	sadd.s32 @!p0 s3, s7;
	s7 =	simm.s32 @!p0 $0x108  }
0x21: {  	s3 =	sadd.s32 s3, s9;
	s6 =	sadd.s32 @!p0 $0x88, s6;
	s7 =	simm.s32 @p2 $0x1082  }
0x22: {  	[simem:s7], [sflag:s8] =	dma.local @!p0 [hbm:s6], $0xF7A  }
0x23: {  	s9 =	sor.u32 $0xD0000000, s2;
	s6 =	simm.s32 $0x108;
	_ =	swait.ge @!p0 [sflag:s8], $0x0  }
0x24: {  	s3 =	sadd.s32 $0x88, s3;
	s6 =	simm.s32 @!p1 $0x1082;
	[sflag:s4] =	ssyncset.s32 $0xFFFFF086  }
0x25: {  	[simem:s6], [sflag:s4] =	dma.local [hbm:s3], $0xF7A  }
0x26: {  	[smem:$0x3F99] =	sst s1;
	(tag) =	ssettag s2;
	_ =	strace s9  }
0x27: {  	s1 =	sld [smem:$0x3FA9]  }
0x28: {  	s2 =	sld [smem:$0x3FAA]  }
0x29: {  	s4 =	sld [smem:$0x3FAC]  }
0x2a: {  	p0 =	seq.s32 s5, $0x0;
	s5 =	sld [smem:$0x3FAD]  }
0x2b: {  	s6 =	sld [smem:$0x3FAE]  }
0x2c: {  	s7 =	sld [smem:$0x3FAF]  }
0x2d: {  	s3 =	simm.s32 $0x108;
	s8 =	sld [smem:$0x3FB0]  }
0x2e: {  	s3 =	simm.s32 @!p0 $0x1082;
	s9 =	sld [smem:$0x3FB1]  }
0x2f: {  	lr =	sadd.s32 s0, s3;
	s0 =	sld [smem:$0x3FA8]  }
0x30: {  	s3 =	sld [smem:$0x3FAB]  }
0x31: {  	[smem:$0x3FB4] =	sst s10  }
0x32: {  	s10 =	sld [smem:$0x3FB2];
	_ =	sdelay $0x3  }
0x33: {  	p0 =	seq.s32 s10, $0x1;
	s10 =	sld [smem:$0x3FB4];
	_ =	sdelay $0x3  }
0x34: {  	[smem:$0x3FB4] =	sst s10  }
0x35: {  	s10 =	sld [smem:$0x3FB3];
	_ =	sdelay $0x3  }
0x36: {  	p1 =	seq.s32 s10, $0x1;
	s10 =	sld [smem:$0x3FB4];
	_ =	sdelay $0x3  }
0x37: {  	[smem:$0x3FB4] =	sst s10  }
0x38: {  	s10 =	sld [smem:$0x3FB5]  }
0x39: {  	_ = 	snop;
	(pc) =	sbr.ind lr, $3  }
0x3a: {  	_ = 	snop  }
0x3b: {  	_ = 	snop  }
0x3c: {  	p2 =	seq.s32 s10, $0x1;
	s10 =	sld [smem:$0x3FB4]  }
0x3d: {  	_ =	shalt  }
0x3e: {  	_ =	shalt  }
0x3f: {  	_ =	shalt  }
0x40: {  	_ =	shalt  }
0x41: {  	_ =	shalt  }
0x42: {  	_ =	shalt  }
0x43: {  	_ =	shalt  }
0x44: {  	_ =	shalt  }
0x45: {  	_ =	shalt  }
0x46: {  	_ =	shalt  }
0x47: {  	_ =	shalt  }
0x48: {  	_ =	shalt  }
0x49: {  	_ =	shalt  }
0x4a: {  	_ =	shalt  }
0x4b: {  	_ =	shalt  }
0x4c: {  	_ =	shalt  }
0x4d: {  	_ =	shalt  }
0x4e: {  	_ =	shalt  }
0x4f: {  	_ =	shalt  }
0x50: {  	_ =	shalt  }
0x51: {  	_ =	shalt  }
0x52: {  	_ =	shalt  }
0x53: {  	_ =	shalt  }
0x54: {  	_ =	shalt  }
0x55: {  	_ =	shalt  }
0x56: {  	_ =	shalt  }
0x57: {  	_ =	shalt  }
0x58: {  	_ =	shalt  }
0x59: {  	_ =	shalt  }
0x5a: {  	_ =	shalt  }
0x5b: {  	_ =	shalt  }
0x5c: {  	_ =	shalt  }
0x5d: {  	_ =	shalt  }
0x5e: {  	_ =	shalt  }
0x5f: {  	_ =	shalt  }
0x60: {  	_ =	shalt  }
0x61: {  	_ =	shalt  }
0x62: {  	_ =	shalt  }
0x63: {  	_ =	shalt  }
0x64: {  	_ =	shalt  }
0x65: {  	_ =	shalt  }
0x66: {  	_ =	shalt  }
0x67: {  	_ =	shalt  }
0x68: {  	_ =	shalt  }
0x69: {  	_ =	shalt  }
0x6a: {  	_ =	shalt  }
0x6b: {  	_ =	shalt  }
0x6c: {  	_ =	shalt  }
0x6d: {  	_ =	shalt  }
0x6e: {  	_ =	shalt  }
0x6f: {  	_ =	shalt  }
0x70: {  	_ =	shalt  }
0x71: {  	_ =	shalt  }
0x72: {  	_ =	shalt  }
0x73: {  	_ =	shalt  }
0x74: {  	_ =	shalt  }
0x75: {  	_ =	shalt  }
0x76: {  	_ =	shalt  }
0x77: {  	_ =	shalt  }
0x78: {  	_ =	shalt  }
0x79: {  	_ =	shalt  }
0x7a: {  	_ =	shalt  }
0x7b: {  	_ =	shalt  }
0x7c: {  	_ =	shalt  }
0x7d: {  	_ =	shalt  }
0x7e: {  	_ =	shalt  }
0x7f: {  	_ =	shalt  }
0x80: {  	_ =	shalt  }
0x81: {  	_ =	shalt  }
0x82: {  	_ =	shalt  }
0x83: {  	_ =	shalt  }
0x84: {  	_ =	shalt  }
0x85: {  	_ =	shalt  }
0x86: {  	_ =	shalt  }
0x87: {  	_ =	shalt  }
.Lfunc_end0:
.L_simem_size_0:
called_computation_lowered:
.L_overlay_start_0:
0x88: {  	s2 =	sld [smem:$0x3FD9]  }
0x89: {  	s3 =	sld [smem:$0x3FFE];
	_ =	sdelay $0x1  }
0x8a: {  	s1 =	srdreg.scid  }
0x8b: {  	s0 =	sand.u32 $0x1, s1  }
0x8c: {  	s17 =	sshll.u32 s0, $0xA;
	s2 =	sadd.s32 s3, s2  }
0x8d: {  	s2 =	sadd.s32 s2, s17  }
0x8e: {  	[smem:$0x3FC0] =	sst s2  }
0x8f: {  	_ = 	snop  }
0x90: {  	s2 =	sld [smem:$0x3FD0];
	(tm) =	ssettm $0x1  }
0x91: {  	s18 =	sld [smem:$0x3FFB];
	_ =	sdelay $0x3  }
0x92: {  	_ =	strace s18  }
0x93: {  	s3 =	sld [smem:$0x3FFC];
	_ =	sdelay $0x3  }
0x94: {  	_ =	strace s3  }
0x95: {  	s3 =	sld [smem:$0x3FFD];
	_ =	sdelay $0x3  }
0x96: {  	_ =	strace s3  }
0x97: {  	_ =	strace $0x8FFFFFFF  }
0x98: {  	s19 =	sld [smem:$0x3FDB];
	_ =	sdelay $0x1  }
0x99: {  	s4 =	simm.s32 $_scs_section_size  }
0x9a: {  	s5 =	simm.s32 $_size__tile_overlayer_lowered;
	s6 =	simm.s32 $_tile_overlayer_lowered  }
0x9b: {  	s22 =	simm.s32 $0x1BFF;
	s21 =	sshll.u32 s6, $0x1;
	s3 =	sadd.s32 s4, s19  }
0x9c: {  	s7 =	simm.s32 $0x0;
	s20 =	sshll.u32 s5, $0x1;
	s5 =	sadd.s32 s21, s3  }
0x9d: {  	[timem:s7], [sflag:s22] =	dma.local [hbm:s5], s20  }
0x9e: {  	_ =	swait.ge [sflag:s22], s20  }
0x9f: {  	s4 =	ssub.s32 $0x0, s20;
	[sflag:s22] =	ssyncset.done $0x0  }
0xa0: {  	[sflag:s22] =	ssyncadd.s32 s4;
	_ =	sdelay $0x1  }
0xa1: {  	s23 =	simm.s32 $0x1B8B  }
0xa2: {  	_ =	swait.ge [sflag:s23], $0x1  }
0xa3: {  	[sflag:s23] =	ssyncset.done $0x0  }
0xa4: {  	s25 =	simm.s32 $0x1B8E;
	s24 =	sld [smem:$0x3FFE];
	[sflag:s23] =	ssyncadd.s32 $0xFFFFFFFF  }
0xa5: {  	s26 =	simm.s32 $execute0_lowered;
	[smem:$0x3FD2] =	sst s25  }
0xa6: {  	s5 =	sshll.u32 s26, $0x1;
	_ =	strace $0x80000046;
	[dreg:$0x1] =	wrdreg $0xFFFFFFFF  }
0xa7: {  	s28 =	simm.s32 $_size_execute0_lowered;
	s3 =	sadd.s32 s3, s5;
	[dreg:$0x0] =	wrdreg $0x0  }
0xa8: {  	s5 =	sshll.u32 s28, $0x1;
	[dreg:$0x2] =	wrdreg s3  }
0xa9: {  	[dreg:$0x3] =	wrdreg s5  }
0xaa: {  	[dreg:$0x4] =	wrdreg $0xC0  }
0xab: {  	_ =	task [dreg:s7], $0x5FFFF  }
0xac: {  	[dreg:$0x1] =	wrdreg $0xFFFFFFFF  }
0xad: {  	[dreg:$0x0] =	wrdreg $0x60  }
0xae: {  	[dreg:$0x2] =	wrdreg s24  }
0xaf: {  	[dreg:$0x3] =	wrdreg s2  }
0xb0: {  	[dreg:$0x4] =	wrdreg $0x86000  }
0xb1: {  	[dreg:$0x5] =	wrdreg $0x1C6000  }
0xb2: {  	[dreg:$0x6] =	wrdreg $0x9  }
0xb3: {  	_ =	task.clear_ibuf [dreg:s7], $0x7FFFF;
	_ =	strace $0x90000046  }
0xb4: {  	s29 =	simm.s32 $0x9;
	_ =	strace $0x80000048  }
0xb5: {  	_ =	swait.ge [sflag:s29], $0x1  }
0xb6: {  	[sflag:s29] =	ssyncadd.s32 $0xFFFFFFFF  }
0xb7: {  	_ =	strace $0x90000048  }
0xb8: {  	_ =	sfence  }
0xb9: {  	s30 =	sld [smem:$0x0];
	_ =	sdelay $0x2  }
0xba: {  	s31 =	sshll.u32 s1, $0xD;
	s1 =	sshrl.u32 s1, $0x2  }
0xbb: {  	s3 =	sand.u32 $0x4000, s31;
	s1 =	sadd.s32 s1, s30  }
0xbc: {  	s0 =	sor.u32 s3, s0;
	s1 =	sshll.u32 s1, $0x11  }
0xbd: {  	s0 =	sor.u32 s1, s0  }
0xbe: {  	s0 =	sadd.s32 $0x8F2B, s0  }
0xbf: {  	[sflag:s0] =	ssyncadd.remote.s32 $0x1  }
0xc0: {  	_ =	sfence.sel $0xFFFF  }
0xc1: {  	[dreg:$0x0] =	wrdreg $0xFFFFFFFF;
	(pc) =	sbr.abs _section_cstart, $3  }
0xc2: {  	[dreg:$0x1] =	wrdreg $0xFFFFFFFF  }
0xc3: {  	_ =	task.clear_ibuf [dreg:s7], $0x2FFFF;
	_ =	strace $0x9FFFFFFF  }
0xc4: {  	(tm) =	ssettm $0x7FFFFFFF  }
0xc5: {  	_ =	shalt  }
tec
execute0_lowered:
.L_overlay_start_1:
0x0: {  	(tag) =	ssettag $0x1  }
0x1: {  	s2 =	rddreg [dreg:$0x0];
	s0 =	srdreg.scid  }
0x2: {  	s1 =	rddreg [dreg:$0x1];
	s4 =	simm.s32 $0x0;
	s8 =	stileid.u32  }
0x3: {  	s28 =	simm.s32 $0x6;
	s3 =	sand.u32 $0x1, s0;
	[smem:$0x7FF] =	sst s4  }
0x4: {  	s23 =	sadd.s32 $0x17400, s2;
	s6 =	smul.u32 $0x280, s8;
	s7 =	sadd.s32 $0x16A00, s2  }
0x5: {  	s24 =	sshll.u32 s8, $0x1;
	s8 =	smul.u32 $0x14000, s8;
	s0 =	ssub.s32 $0x2, s3  }
0x6: {  	s12 =	smul.u32 $0x140000, s3;
	s5 =	sshrl.u32 s0, $0x1;
	s9 =	sadd.s32 $0x80, s6  }
0x7: {  	s10 =	sadd.s32 $0x100, s6;
	s11 =	sadd.s32 $0x180, s6;
	s20 =	sadd.s32 $0x200, s6  }
0x8: {  	s0 =	ssub.s32 s0, s5;
	s5 =	sor.u32 s3, s24;
	s14 =	sshll.u32 s9, $0x7  }
0x9: {  	s15 =	sshll.u32 s10, $0x7;
	s19 =	sshll.u32 s11, $0x7;
	s13 =	sadd.s32 s8, s12  }
0xa: {  	s3 =	smul.u32 $0x2800, s3;
	s21 =	sshll.u32 s20, $0x7;
	s13 =	sshrl.u32 s13, $0x3  }
0xb: {  	s16 =	sadd.s32 s12, s14;
	s17 =	sadd.s32 s12, s15;
	s18 =	sadd.s32 s12, s19  }
0xc: {  	s12 =	sadd.s32 s12, s21;
	s31 =	smul.u32 $0x2900, s5;
	s0 =	smax.u32 s0, $0x1  }
0xd: {  	s13 =	sadd.s32 s23, s13;
	s25 =	sadd.s32 s6, s3;
	s16 =	sshrl.u32 s16, $0x3  }
0xe: {  	s26 =	sadd.s32 s3, s9;
	s17 =	sshrl.u32 s17, $0x3;
	s18 =	sshrl.u32 s18, $0x3  }
0xf: {  	s12 =	sshrl.u32 s12, $0x3;
	s22 =	sadd.s32 s3, s10;
	[dreg:$0x5] =	wrdreg s13  }
0x10: {  	s16 =	sadd.s32 s23, s16;
	s17 =	sadd.s32 s23, s17;
	s13 =	rddreg [dreg:$0x3]  }
0x11: {  	s4 =	sadd.s32 s23, s12;
	s24 =	sshrl.u32 s26, $0x3;
	[dreg:$0x6] =	wrdreg s16  }
0x12: {  	s26 =	sadd.s32 s3, s11;
	s3 =	sadd.s32 s3, s20;
	[dreg:$0x7] =	wrdreg s17  }
0x13: {  	s17 =	sadd.s32 s23, s18;
	[dreg:$0x9] =	wrdreg s4;
	s23 =	sshrl.u32 s25, $0x3  }
0x14: {  	s4 =	sshrl.u32 s22, $0x3;
	s25 =	sadd.s32 s7, s24;
	s3 =	sshrl.u32 s3, $0x3  }
0x15: {  	s16 =	sadd.s32 $0x2A00, s2;
	s18 =	sadd.s32 $0x1E00, s2;
	[dreg:$0x8] =	wrdreg s17  }
0x16: {  	s30 =	sadd.s32 s6, s13;
	s12 =	sadd.s32 s7, s23;
	[dreg:$0xb] =	wrdreg s25  }
0x17: {  	s9 =	sadd.s32 s9, s13;
	s4 =	sadd.s32 s7, s4;
	[dreg:$0xa] =	wrdreg s12  }
0x18: {  	s10 =	sadd.s32 s10, s13;
	s22 =	sadd.s32 s11, s13;
	[dreg:$0xc] =	wrdreg s4  }
0x19: {  	s3 =	sadd.s32 s7, s3;
	s12 =	rddreg [dreg:$0x2];
	s4 =	sshrl.u32 s26, $0x3  }
0x1a: {  	s6 =	simm.s32 $0x80;
	[dreg:$0xe] =	wrdreg s3;
	s4 =	sadd.s32 s7, s4  }
0x1b: {  	s11 =	simm.s32 $0x3;
	s17 =	sadd.s32 $0x2400, s2;
	[dreg:$0xd] =	wrdreg s4  }
0x1c: {  	s15 =	sadd.s32 s15, s12;
	_ =	strace $0x80000047;
	[dreg:$0x12] =	wrdreg s9  }
0x1d: {  	s23 =	smul.u32 $0x5200, s5;
	s19 =	sadd.s32 s19, s12;
	[dreg:$0x13] =	wrdreg s15  }
0x1e: {  	s5 =	simm.s32 $0xA;
	s26 =	sadd.s32 s20, s13;
	[dreg:$0x15] =	wrdreg s19  }
0x1f: {  	s20 =	simm.s32 $0x5;
	s24 =	sadd.s32 s21, s12;
	[dreg:$0x16] =	wrdreg s22  }
0x20: {  	s29 =	sadd.s32 s8, s12;
	s25 =	sshrl.u32 s23, $0x3;
	[dreg:$0x17] =	wrdreg s24  }
0x21: {  	s14 =	sadd.s32 s14, s12;
	s2 =	sadd.s32 s1, s25;
	[dreg:$0x18] =	wrdreg s26  }
0x22: {  	s3 =	sadd.s32 $0x200, s23;
	s7 =	simm.s32 $0x100;
	[dreg:$0x19] =	wrdreg s2  }
0x23: {  	s21 =	simm.s32 $0x2;
	s8 =	simm.s32 $0x0;
	[dreg:$0x1a] =	wrdreg s0  }
0x24: {  	s4 =	simm.s32 $0x4600;
	s25 =	simm.s32 $0x280;
	[dreg:$0xf] =	wrdreg s29  }
0x25: {  	s15 =	simm.s32 $0x1;
	s0 =	simm.s32 $0x200;
	[dreg:$0x10] =	wrdreg s30  }
0x26: {  	s19 =	simm.s32 $0x500;
	s22 =	simm.s32 $0x4;
	[dreg:$0x11] =	wrdreg s14  }
0x27: {  	v0 =	vimm.f32 $0.0e+00;
	s24 =	simm.s32 $0x9;
	s26 =	simm.s32 $0x580;
	[dreg:$0x14] =	wrdreg s10  }
.LBB2_1:
0x28: {  	[dreg:$0x1b] =	wrdreg s8;
	s2 =	simm.s32 $0x0;
	s8 =	simm.s32 $0x200  }
.LBB2_2:
0x29: {  	p0 =	sne.s32 s8, $0xFE00;
	[tilespmem:s2+$0x4670] =	vst v0  }
0x2a: {  	[tilespmem:s2+$0x4600] =	vst v0  }
0x2b: {  	[tilespmem:s2+$0x4610] =	vst v0  }
.Ltmp0:
0x2c: {  	[tilespmem:s2+$0x4620] =	vst v0;
	(pc) =	sbr.rel @p0 .LBB2_2-.Ltmp0, $4  }
0x2d: {  	[tilespmem:s2+$0x4630] =	vst v0  }
0x2e: {  	[tilespmem:s2+$0x4640] =	vst v0  }
0x2f: {  	[tilespmem:s2+$0x4650] =	vst v0  }
0x30: {  	[tilespmem:s2+$0x4660] =	vst v0;
	s2 =	sshra.s32 s8, $0x2;
	s8 =	sadd.s32 $0x200, s8  }
0x31: {  	[tilespmem:s2+$0x4670] =	vst v0  }
0x32: {  	[tilespmem:s2+$0x4600] =	vst v0  }
0x33: {  	[tilespmem:s2+$0x4610] =	vst v0  }
0x34: {  	[tilespmem:s2+$0x4620] =	vst v0  }
0x35: {  	[tilespmem:s2+$0x4630] =	vst v0  }
0x36: {  	[tilespmem:s2+$0x4640] =	vst v0  }
0x37: {  	[tilespmem:s2+$0x4650] =	vst v0  }
0x38: {  	[tilespmem:s2+$0x4660] =	vst v0  }
0x39: {  	[spmem:s29] =	stream.linear.scatter [tilespmem:s4], [sflag:$0xA], $0x4000, $0x38;
	[tilespmem:$0x1C880] =	vst v63  }
0x3a: {  	_ =	swait.ge [sflag:s5], $0x4000  }
0x3b: {  	[sflag:s5] =	ssyncset.done $0x0  }
0x3c: {  	[sflag:s5] =	ssyncadd.s32 $0xFFFFC000  }
0x3d: {  	[spmem:s30] =	stream.linear.scatter [tilespmem:s4], [sflag:$0xA], $0x80, $0x38;
	[tilespmem:$0x1C880] =	vst v63  }
0x3e: {  	_ =	swait.ge [sflag:s5], $0x80  }
0x3f: {  	[sflag:s5] =	ssyncset.done $0x0  }
0x40: {  	[sflag:s5] =	ssyncadd.s32 $0xFFFFFF80  }
0x41: {  	[spmem:s14] =	stream.linear.scatter [tilespmem:s4], [sflag:$0xA], $0x4000, $0x38;
	[tilespmem:$0x1C880] =	vst v63  }
0x42: {  	_ =	swait.ge [sflag:s5], $0x4000  }
0x43: {  	[sflag:s5] =	ssyncset.done $0x0  }
0x44: {  	s9 =	rddreg [dreg:$0x12];
	[sflag:s5] =	ssyncadd.s32 $0xFFFFC000  }
0x45: {  	[spmem:s9] =	stream.linear.scatter [tilespmem:s4], [sflag:$0xA], $0x80, $0x38;
	[tilespmem:$0x1C880] =	vst v63  }
0x46: {  	_ =	swait.ge [sflag:s5], $0x80  }
0x47: {  	[sflag:s5] =	ssyncset.done $0x0  }
0x48: {  	s14 =	rddreg [dreg:$0x13];
	[sflag:s5] =	ssyncadd.s32 $0xFFFFFF80  }
0x49: {  	[spmem:s14] =	stream.linear.scatter [tilespmem:s4], [sflag:$0xA], $0x4000, $0x38;
	[tilespmem:$0x1C880] =	vst v63  }
0x4a: {  	_ =	swait.ge [sflag:s5], $0x4000  }
0x4b: {  	[sflag:s5] =	ssyncset.done $0x0  }
0x4c: {  	[sflag:s5] =	ssyncadd.s32 $0xFFFFC000  }
0x4d: {  	[spmem:s10] =	stream.linear.scatter [tilespmem:s4], [sflag:$0xA], $0x80, $0x38;
	[tilespmem:$0x1C880] =	vst v63  }
0x4e: {  	_ =	swait.ge [sflag:s5], $0x80  }
0x4f: {  	[sflag:s5] =	ssyncset.done $0x0  }
0x50: {  	s8 =	rddreg [dreg:$0x15];
	[sflag:s5] =	ssyncadd.s32 $0xFFFFFF80  }
0x51: {  	[spmem:s8] =	stream.linear.scatter [tilespmem:s4], [sflag:$0xA], $0x4000, $0x38;
	[tilespmem:$0x1C880] =	vst v63  }
0x52: {  	_ =	swait.ge [sflag:s5], $0x4000  }
0x53: {  	[sflag:s5] =	ssyncset.done $0x0  }
0x54: {  	s9 =	rddreg [dreg:$0x16];
	[sflag:s5] =	ssyncadd.s32 $0xFFFFC000  }
0x55: {  	[spmem:s9] =	stream.linear.scatter [tilespmem:s4], [sflag:$0xA], $0x80, $0x38;
	[tilespmem:$0x1C880] =	vst v63  }
0x56: {  	_ =	swait.ge [sflag:s5], $0x80  }
0x57: {  	[sflag:s5] =	ssyncset.done $0x0  }
0x58: {  	s10 =	rddreg [dreg:$0x17];
	[sflag:s5] =	ssyncadd.s32 $0xFFFFFF80  }
0x59: {  	[spmem:s10] =	stream.linear.scatter [tilespmem:s4], [sflag:$0xA], $0x4000, $0x38;
	[tilespmem:$0x1C880] =	vst v63  }
0x5a: {  	_ =	swait.ge [sflag:s5], $0x4000  }
0x5b: {  	[sflag:s5] =	ssyncset.done $0x0  }
0x5c: {  	s14 =	rddreg [dreg:$0x18];
	[sflag:s5] =	ssyncadd.s32 $0xFFFFC000  }
0x5d: {  	[spmem:s14] =	stream.linear.scatter [tilespmem:s4], [sflag:$0xA], $0x80, $0x38;
	[tilespmem:$0x1C880] =	vst v63  }
0x5e: {  	_ =	swait.ge [sflag:s5], $0x80  }
0x5f: {  	[sflag:s5] =	ssyncset.done $0x0  }
0x60: {  	[sflag:s5] =	ssyncadd.s32 $0xFFFFFF80  }
0x61: {  	[bflag:$0x0] =	sbarrier.arrive $0xFFFF  }
0x62: {  	s30 =	simm.s32 $0x0;
	s8 =	rddreg [dreg:$0x19]  }
0x63: {  	[tilespmem:s30], [sflag:$0xA] =	stream.linear.gather [hbm4b:s8+s30], $0x100, $0x38;
	[tilespmem:$0x1C880] =	vst v63  }
0x64: {  	_ =	swait.ge [sflag:s5], $0x100  }
0x65: {  	[sflag:s5] =	ssyncset.done $0x0  }
0x66: {  	s9 =	simm.s32 $0x300;
	[sflag:s5] =	ssyncadd.s32 $0xFFFFFF00  }
0x67: {  	[tilespmem:s9], [sflag:$0x1] =	stream.indirect.gather [hbm4b:s17+s6], $0x1, s30, s6, $0xb8;
	[tilespmem:$0x1C880] =	vst v63  }
0x68: {  	s10 =	simm.s32 $0x400  }
0x69: {  	[tilespmem:s10], [sflag:$0x3] =	stream.indirect.gather [hbm4b:s18+s6], $0x1, s6, s6, $0xb8;
	[tilespmem:$0x1C880] =	vst v63  }
0x6a: {  	s29 =	simm.s32 $0x0;
	s14 =	simm.s32 $0x600  }
0x6b: {  	[tilespmem:s14], [sflag:$0x5] =	stream.indirect.gather [hbm4b:s16+s6], $0x40, s30, s6, $0xb8;
	[tilespmem:$0x1C880] =	vst v63  }
.LBB2_4:
0x6c: {  	s2 =	sshllo.u32 s29, $0x1  }
0x6d: {  	s8 =	sshll.u32 s2, $0x8  }
0x6e: {  	s8 =	sadd.s32 s23, s8  }
0x6f: {  	s8 =	sshrl.u32 s8, $0x3  }
0x70: {  	s9 =	simm.s32 $0x0;
	s8 =	sadd.s32 s1, s8  }
0x71: {  	[tilespmem:s7], [sflag:$0xA] =	stream.linear.gather [hbm4b:s8+s9], $0x100, $0x38;
	[tilespmem:$0x1C880] =	vst v63  }
0x72: {  	_ =	swait.ge [sflag:s5], $0x100  }
0x73: {  	[sflag:s5] =	ssyncset.done $0x0  }
0x74: {  	s14 =	simm.s32 $0x380;
	[sflag:s5] =	ssyncadd.s32 $0xFFFFFF00  }
0x75: {  	[tilespmem:s14], [sflag:$0x2] =	stream.indirect.gather [hbm4b:s17+s6], $0x1, s7, s6, $0xb8;
	[tilespmem:$0x1C880] =	vst v63  }
0x76: {  	s10 =	simm.s32 $0x480;
	s9 =	simm.s32 $0x180  }
0x77: {  	[tilespmem:s10], [sflag:$0x4] =	stream.indirect.gather [hbm4b:s18+s6], $0x1, s9, s6, $0xb8;
	[tilespmem:$0x1C880] =	vst v63  }
0x78: {  	s14 =	simm.s32 $0x2600  }
0x79: {  	[tilespmem:s14], [sflag:$0x6] =	stream.indirect.gather [hbm4b:s16+s6], $0x40, s7, s6, $0xb8;
	[tilespmem:$0x1C880] =	vst v63  }
0x7a: {  	_ =	swait.ge [sflag:s15], $0x80  }
0x7b: {  	[sflag:s15] =	ssyncset.done $0x0  }
0x7c: {  	[sflag:s15] =	ssyncadd.s32 $0xFFFFFF80  }
0x7d: {  	_ =	swait.ge [sflag:s11], $0x80  }
0x7e: {  	p0 =	seq.s32 s29, $0x0;
	[sflag:s11] =	ssyncset.done $0x0  }
0x7f: {  	s8 =	simm.s32 @!p0 $0x7;
	[sflag:s11] =	ssyncadd.s32 $0xFFFFFF80  }
0x80: {  	_ =	swait.ge @!p0 [sflag:s8], $0x80  }
0x81: {  	[sflag:s8] =	ssyncset.done @!p0 $0x0  }
0x82: {  	[sflag:s8] =	ssyncadd.s32 @!p0 $0xFFFFFF80;
	s8 =	simm.s32 @!p0 $0x9  }
0x83: {  	_ =	swait.ge @!p0 [sflag:s8], $0x4000  }
0x84: {  	[sflag:s8] =	ssyncset.done @!p0 $0x0  }
0x85: {  	[sflag:s8] =	ssyncadd.s32 @!p0 $0xFFFFC000  }
0x86: {  	v1 =	vld [tilespmem:$0x300]  }
0x87: {  	v2 =	vld [tilespmem:$0x400]  }
0x88: {  	v3 =	vld [tilespmem:$0x310]  }
0x89: {  	v4 =	vld [tilespmem:$0x410]  }
0x8a: {  	v5 =	vld [tilespmem:$0x320]  }
0x8b: {  	v6 =	vld [tilespmem:$0x420]  }
0x8c: {  	v7 =	vld [tilespmem:$0x430];
	v1 =	vadd.f32 v2, v1  }
0x8d: {  	v2 =	vld [tilespmem:$0x330]  }
0x8e: {  	v9 =	vld [tilespmem:$0x340];
	v8 =	vmul.f32 $2.000000030e-01, v1  }
0x8f: {  	v10 =	vld [tilespmem:$0x440];
	vm0 =	vge.f32 v1, $0.0e+00  }
0x90: {  	v49 =	vld [tilespmem:$0x350];
	v3 =	vadd.f32 v4, v3;
	v1 =	vsel vm0, v1, v8  }
0x91: {  	v50 =	vld [tilespmem:$0x450];
	v5 =	vadd.f32 v6, v5;
	v1 =	vmul.f32 $1.442695020e+00, v1  }
0x92: {  	v52 =	vld [tilespmem:$0x360];
	v51 =	vmul.f32 $2.000000030e-01, v3;
	v2 =	vadd.f32 v7, v2  }
0x93: {  	v11 =	vld [tilespmem:$0x460];
	vm9 =	vge.f32 v3, $0.0e+00;
	(erf) = vpow2.f32 v1;
	v1 =	vmul.f32 $2.000000030e-01, v5  }
0x94: {  	v12 =	vld [tilespmem:$0x370];
	vm10 =	vge.f32 v5, $0.0e+00;
	v3 =	vsel vm9, v3, v51;
	v53 =	vmul.f32 $2.000000030e-01, v2  }
0x95: {  	v54 =	vld [tilespmem:$0x470];
	v3 =	vmul.f32 $1.442695020e+00, v3;
	vm11 =	vge.f32 v2, $0.0e+00;
	v1 =	vsel vm10, v5, v1  }
0x96: {  	v4 =	vadd.f32 v50, v49;
	v2 =	vsel vm11, v2, v53;
	v1 =	vmul.f32 $1.442695020e+00, v1  }
0x97: {  	v55 =	vadd.f32 v10, v9;
	(erf) = vpow2.f32 v3;
	v2 =	vmul.f32 $1.442695020e+00, v2  }
0x98: {  	v56 =	vld [tilespmem:$0x90];
	v58 =	vmul.f32 $2.000000030e-01, v4;
	(erf) = vpow2.f32 v1  }
0x99: {  	v3 =	vld [tilespmem:$0x80];
	v1 =	vmul.f32 $2.000000030e-01, v55;
	(erf) = vpow2.f32 v2;
	v2 =	vadd.f32 v11, v52  }
0x9a: {  	v57 =	vld [tilespmem:$0xA0];
	vm12 =	vge.f32 v55, $0.0e+00;
	vm13 =	vge.f32 v4, $0.0e+00;
	v5 =	vadd.f32 v54, v12  }
0x9b: {  	v59 =	vld [tilespmem:$0xB0];
	v4 =	vsel vm13, v4, v58;
	v1 =	vsel vm12, v55, v1;
	v60 =	vmul.f32 $2.000000030e-01, v2  }
0x9c: {  	v61 =	vld [tilespmem:$0xC0];
	v62 =	vmul.f32 $2.000000030e-01, v5;
	v1 =	vmul.f32 $1.442695020e+00, v1;
	vm14 =	vge.f32 v2, $0.0e+00  }
0x9d: {  	v63 =	vld [tilespmem:$0xF0];
	[tilespmem:$0x210] =	vst v56;
	v4 =	vmul.f32 $1.442695020e+00, v4;
	vm15 =	vge.f32 v5, $0.0e+00;
	v2 =	vsel vm14, v2, v60  }
0x9e: {  	[tilespmem:$0x200] =	vst v3;
	v3 =	vld [tilespmem:$0xD0];
	v5 =	vsel vm15, v5, v62;
	(erf) = vpow2.f32 v1;
	v2 =	vmul.f32 $1.442695020e+00, v2  }
0x9f: {  	[tilespmem:$0x220] =	vst v57;
	v5 =	vmul.f32 $1.442695020e+00, v5;
	v1 =	vld [tilespmem:$0xE0];
	(erf) = vpow2.f32 v4  }
0xa0: {  	s9 =	sshll.u32 s29, $0x8;
	[tilespmem:$0x230] =	vst v59;
	(erf) = vpow2.f32 v2  }
0xa1: {  	s8 =	sadd.s32 s31, s9;
	[tilespmem:$0x240] =	vst v61;
	(erf) = vpow2.f32 v5  }
0xa2: {  	p1 =	slt.u32 s8, $0x50910;
	[tilespmem:$0x270] =	vst v63;
	v2 =	vpop (erf)  }
0xa3: {  	s10 =	sor.u32 $0x10, s8;
	[tilespmem:$0x250] =	vst v3;
	v2 =	vpsel !p1, $0x0, v2  }
0xa4: {  	s14 =	sor.u32 $0x20, s8;
	p5 =	slt.u32 s10, $0x50910;
	[tilespmem:$0x260] =	vst v1;
	v1 =	vpop (erf)  }
0xa5: {  	p6 =	slt.u32 s14, $0x50910;
	s10 =	sor.u32 $0x30, s8;
	v3 =	vpop (erf);
	[tilespmem:$0x500] =	vst v2;
	v1 =	vpsel !p5, $0x0, v1  }
0xa6: {  	s14 =	sor.u32 $0x40, s8;
	p2 =	slt.u32 s10, $0x50910;
	[tilespmem:$0x510] =	vst v1;
	v1 =	vpsel !p6, $0x0, v3;
	v2 =	vpop (erf)  }
0xa7: {  	p3 =	slt.u32 s14, $0x50910;
	s10 =	sor.u32 $0x50, s8;
	[tilespmem:$0x520] =	vst v1;
	v3 =	vpop (erf);
	v1 =	vpsel !p2, $0x0, v2  }
0xa8: {  	s14 =	sor.u32 $0x60, s8;
	p4 =	slt.u32 s10, $0x50910;
	v2 =	vpop (erf);
	[tilespmem:$0x530] =	vst v1;
	v1 =	vpsel !p3, $0x0, v3  }
0xa9: {  	s8 =	sor.u32 $0x70, s8;
	p5 =	slt.u32 s14, $0x50910;
	v3 =	vpop (erf);
	[tilespmem:$0x540] =	vst v1;
	v1 =	vpsel !p4, $0x0, v2  }
0xaa: {  	p6 =	slt.u32 s8, $0x50910;
	[tilespmem:$0x550] =	vst v1;
	v1 =	vpsel !p5, $0x0, v3;
	v2 =	vpop (erf)  }
0xab: {  	[tilespmem:$0x560] =	vst v1;
	v1 =	vpsel !p6, $0x0, v2  }
0xac: {  	[tilespmem:$0x570] =	vst v1  }
0xad: {  	v1 =	vmov s30;
	[spmem:s13] =	stream.indirect.scatter.add.f32 [tilespmem:s19], [sflag:$0x7], $0x1, s0, s6, $0xb8;
	[tilespmem:$0x1C880] =	vst v63  }
0xae: {  	_ =	swait.ge [sflag:s20], $0x2000  }
0xaf: {  	[sflag:s20] =	ssyncset.done $0x0  }
0xb0: {  	s8 =	simm.s32 $0x620;
	[sflag:s20] =	ssyncadd.s32 $0xFFFFE000  }
0xb1: {  	v2 =	vld [tilespmem:s8+$0xFFFFFFE0]  }
0xb2: {  	v1 =	vld.idx.msk [tilespmem:v1+s19+$0x0], $0xffff;
	_ =	sdelay $0x3  }
0xb3: {  	v3 =	vshll.u32 v2, $0x10  }
0xb4: {  	v2 =	vand.u32 $0xFFFF0000, v2;
	v3 =	vmul.f32 v3, v1  }
0xb5: {  	s9 =	simm.s32 $0x4640;
	v2 =	vmul.f32 v2, v1  }
0xb6: {  	[tilespmem:s9+$0xFFFFFFC0] =	vst v3  }
0xb7: {  	[tilespmem:s9+$0xFFFFFFD0] =	vst v2  }
0xb8: {  	v2 =	vld [tilespmem:s8+$0xFFFFFFF0];
	_ =	sdelay $0x4  }
0xb9: {  	v3 =	vshll.u32 v2, $0x10  }
0xba: {  	v2 =	vand.u32 $0xFFFF0000, v2;
	v3 =	vmul.f32 v3, v1  }
0xbb: {  	v2 =	vmul.f32 v2, v1  }
0xbc: {  	[tilespmem:s9+$0xFFFFFFE0] =	vst v3  }
0xbd: {  	[tilespmem:s9+$0xFFFFFFF0] =	vst v2  }
0xbe: {  	v2 =	vld [tilespmem:s8+$0x0];
	_ =	sdelay $0x4  }
0xbf: {  	v3 =	vshll.u32 v2, $0x10  }
0xc0: {  	v2 =	vand.u32 $0xFFFF0000, v2;
	v3 =	vmul.f32 v3, v1  }
0xc1: {  	v2 =	vmul.f32 v2, v1  }
0xc2: {  	[tilespmem:s9+$0x0] =	vst v3  }
0xc3: {  	[tilespmem:s9+$0x10] =	vst v2  }
0xc4: {  	s10 =	simm.s32 $0x4640;
	s14 =	simm.s32 $0x1;
	v2 =	vld [tilespmem:s8+$0x10]  }
.LBB2_5:
0xc5: {  	_ =	sdelay $0x3  }
0xc6: {  	p1 =	sne.s32 s14, $0x7F;
	s9 =	sadd.s32 $0x80, s9;
	s8 =	sadd.s32 $0x40, s8;
	v3 =	vshll.u32 v2, $0x10;
	v2 =	vand.u32 $0xFFFF0000, v2  }
0xc7: {  	v4 =	vmov s14;
	s14 =	sadd.s32 $0x1, s14;
	v3 =	vmul.f32 v3, v1;
	v1 =	vmul.f32 v2, v1;
	_ =	sdelay $0x1  }
0xc8: {  	[tilespmem:s10+$0x20] =	vst v3  }
0xc9: {  	[tilespmem:s10+$0x30] =	vst v1;
	s10 =	smov.u32 s9  }
0xca: {  	v2 =	vld [tilespmem:s8+$0xFFFFFFE0]  }
0xcb: {  	v1 =	vld.idx.msk [tilespmem:v4+s19+$0x0], $0xffff;
	_ =	sdelay $0x4  }
0xcc: {  	v3 =	vshll.u32 v2, $0x10;
	v2 =	vand.u32 $0xFFFF0000, v2  }
0xcd: {  	v3 =	vmul.f32 v3, v1;
	v2 =	vmul.f32 v2, v1;
	_ =	sdelay $0x1  }
0xce: {  	[tilespmem:s9+$0xFFFFFFC0] =	vst v3  }
0xcf: {  	[tilespmem:s9+$0xFFFFFFD0] =	vst v2  }
0xd0: {  	v2 =	vld [tilespmem:s8+$0xFFFFFFF0];
	_ =	sdelay $0x4  }
0xd1: {  	v3 =	vshll.u32 v2, $0x10;
	v2 =	vand.u32 $0xFFFF0000, v2  }
0xd2: {  	v3 =	vmul.f32 v3, v1;
	v2 =	vmul.f32 v2, v1;
	_ =	sdelay $0x1  }
0xd3: {  	[tilespmem:s9+$0xFFFFFFE0] =	vst v3  }
0xd4: {  	[tilespmem:s9+$0xFFFFFFF0] =	vst v2  }
0xd5: {  	v2 =	vld [tilespmem:s8+$0x0];
	_ =	sdelay $0x4  }
0xd6: {  	v3 =	vshll.u32 v2, $0x10;
	v2 =	vand.u32 $0xFFFF0000, v2  }
.Ltmp1:
0xd7: {  	v3 =	vmul.f32 v3, v1;
	v2 =	vmul.f32 v2, v1;
	(pc) =	sbr.rel @p1 .LBB2_5-.Ltmp1, $4  }
0xd8: {  	_ = 	snop  }
0xd9: {  	[tilespmem:s9+$0x0] =	vst v3  }
0xda: {  	[tilespmem:s9+$0x10] =	vst v2  }
0xdb: {  	v2 =	vld [tilespmem:s8+$0x10]  }
0xdc: {  	_ =	sdelay $0x3  }
0xdd: {  	v3 =	vshll.u32 v2, $0x10  }
0xde: {  	p1 =	seq.s32 s29, $0x28;
	v2 =	vand.u32 $0xFFFF0000, v2;
	v3 =	vmul.f32 v3, v1  }
0xdf: {  	s8 =	sshll.u32 @!p1 s29, $0x9;
	v1 =	vmul.f32 v2, v1  }
0xe0: {  	s8 =	sadd.s32 @!p1 s8, s3;
	[tilespmem:s10+$0x20] =	vst v3  }
0xe1: {  	s8 =	sshrl.u32 @!p1 s8, $0x3;
	[tilespmem:s10+$0x30] =	vst v1  }
0xe2: {  	[spmem:s12] =	stream.indirect.scatter.add.f32 [tilespmem:s4], [sflag:$0x9], $0x80, s0, s6, $0xb8;
	[tilespmem:$0x1C880] =	vst v63  }
0xe3: {  	s9 =	simm.s32 @!p1 $0x0;
	s8 =	sadd.s32 @!p1 s1, s8  }
0xe4: {  	[tilespmem:s9], [sflag:$0xA] =	stream.linear.gather @!p1 [hbm4b:s8+s9], $0x100, $0x38;
	[tilespmem:$0x1C880] =	vst v63  }
0xe5: {  	s8 =	simm.s32 @!p1 $0xA  }
0xe6: {  	_ =	swait.ge @!p1 [sflag:s8], $0x100  }
0xe7: {  	[sflag:s8] =	ssyncset.done @!p1 $0x0  }
0xe8: {  	s10 =	simm.s32 @!p1 $0x300;
	[sflag:s8] =	ssyncadd.s32 @!p1 $0xFFFFFF00;
	s8 =	simm.s32 @!p1 $0x80  }
0xe9: {  	[tilespmem:s10], [sflag:$0x1] =	stream.indirect.gather @!p1 [hbm4b:s17+s8], $0x1, s9, s8, $0xb8;
	[tilespmem:$0x1C880] =	vst v63  }
0xea: {  	s10 =	simm.s32 @!p1 $0x400  }
0xeb: {  	[tilespmem:s10], [sflag:$0x3] =	stream.indirect.gather @!p1 [hbm4b:s18+s8], $0x1, s8, s8, $0xb8;
	[tilespmem:$0x1C880] =	vst v63  }
0xec: {  	s10 =	simm.s32 @!p1 $0x600  }
0xed: {  	[tilespmem:s10], [sflag:$0x5] =	stream.indirect.gather @!p1 [hbm4b:s16+s8], $0x40, s9, s8, $0xb8;
	[tilespmem:$0x1C880] =	vst v63  }
0xee: {  	_ =	swait.ge [sflag:s21], $0x80  }
0xef: {  	[sflag:s21] =	ssyncset.done $0x0  }
0xf0: {  	[sflag:s21] =	ssyncadd.s32 $0xFFFFFF80  }
0xf1: {  	_ =	swait.ge [sflag:s22], $0x80  }
0xf2: {  	[sflag:s22] =	ssyncset.done $0x0  }
0xf3: {  	s8 =	simm.s32 @!p0 $0x8;
	[sflag:s22] =	ssyncadd.s32 $0xFFFFFF80  }
0xf4: {  	_ =	swait.ge @!p0 [sflag:s8], $0x80  }
0xf5: {  	[sflag:s8] =	ssyncset.done @!p0 $0x0  }
0xf6: {  	[sflag:s8] =	ssyncadd.s32 @!p0 $0xFFFFFF80  }
0xf7: {  	_ =	swait.ge [sflag:s24], $0x4000  }
0xf8: {  	[sflag:s24] =	ssyncset.done $0x0  }
0xf9: {  	[sflag:s24] =	ssyncadd.s32 $0xFFFFC000  }
0xfa: {  	v1 =	vld [tilespmem:$0x380]  }
0xfb: {  	v2 =	vld [tilespmem:$0x480]  }
0xfc: {  	v3 =	vld [tilespmem:$0x390]  }
0xfd: {  	v4 =	vld [tilespmem:$0x490]  }
0xfe: {  	v5 =	vld [tilespmem:$0x3A0]  }
0xff: {  	v6 =	vld [tilespmem:$0x4A0]  }
0x100: {  	v7 =	vld [tilespmem:$0x4B0];
	v1 =	vadd.f32 v2, v1  }
0x101: {  	v2 =	vld [tilespmem:$0x3B0]  }
0x102: {  	v9 =	vld [tilespmem:$0x3C0];
	v8 =	vmul.f32 $2.000000030e-01, v1  }
0x103: {  	v10 =	vld [tilespmem:$0x4C0];
	vm0 =	vge.f32 v1, $0.0e+00  }
0x104: {  	v49 =	vld [tilespmem:$0x3D0];
	v3 =	vadd.f32 v4, v3;
	v1 =	vsel vm0, v1, v8  }
0x105: {  	v50 =	vld [tilespmem:$0x4D0];
	v5 =	vadd.f32 v6, v5;
	v1 =	vmul.f32 $1.442695020e+00, v1  }
0x106: {  	v52 =	vld [tilespmem:$0x3E0];
	v51 =	vmul.f32 $2.000000030e-01, v3;
	v2 =	vadd.f32 v7, v2  }
0x107: {  	v11 =	vld [tilespmem:$0x4E0];
	vm9 =	vge.f32 v3, $0.0e+00;
	(erf) = vpow2.f32 v1;
	v1 =	vmul.f32 $2.000000030e-01, v5  }
0x108: {  	v12 =	vld [tilespmem:$0x3F0];
	vm10 =	vge.f32 v5, $0.0e+00;
	v3 =	vsel vm9, v3, v51;
	v53 =	vmul.f32 $2.000000030e-01, v2  }
0x109: {  	v54 =	vld [tilespmem:$0x4F0];
	v3 =	vmul.f32 $1.442695020e+00, v3;
	vm11 =	vge.f32 v2, $0.0e+00;
	v1 =	vsel vm10, v5, v1  }
0x10a: {  	v4 =	vadd.f32 v50, v49;
	v2 =	vsel vm11, v2, v53;
	v1 =	vmul.f32 $1.442695020e+00, v1  }
0x10b: {  	v55 =	vadd.f32 v10, v9;
	(erf) = vpow2.f32 v3;
	v2 =	vmul.f32 $1.442695020e+00, v2  }
0x10c: {  	v56 =	vld [tilespmem:$0x190];
	v58 =	vmul.f32 $2.000000030e-01, v4;
	(erf) = vpow2.f32 v1  }
0x10d: {  	v3 =	vld [tilespmem:$0x180];
	v1 =	vmul.f32 $2.000000030e-01, v55;
	(erf) = vpow2.f32 v2;
	v2 =	vadd.f32 v11, v52  }
0x10e: {  	v57 =	vld [tilespmem:$0x1A0];
	vm12 =	vge.f32 v55, $0.0e+00;
	vm13 =	vge.f32 v4, $0.0e+00;
	v5 =	vadd.f32 v54, v12  }
0x10f: {  	v59 =	vld [tilespmem:$0x1B0];
	v4 =	vsel vm13, v4, v58;
	v1 =	vsel vm12, v55, v1;
	v60 =	vmul.f32 $2.000000030e-01, v2  }
0x110: {  	v61 =	vld [tilespmem:$0x1C0];
	v62 =	vmul.f32 $2.000000030e-01, v5;
	v1 =	vmul.f32 $1.442695020e+00, v1;
	vm14 =	vge.f32 v2, $0.0e+00  }
0x111: {  	v63 =	vld [tilespmem:$0x1F0];
	[tilespmem:$0x290] =	vst v56;
	v4 =	vmul.f32 $1.442695020e+00, v4;
	vm15 =	vge.f32 v5, $0.0e+00;
	v2 =	vsel vm14, v2, v60  }
0x112: {  	[tilespmem:$0x280] =	vst v3;
	v3 =	vld [tilespmem:$0x1D0];
	v5 =	vsel vm15, v5, v62;
	(erf) = vpow2.f32 v1;
	v2 =	vmul.f32 $1.442695020e+00, v2  }
0x113: {  	[tilespmem:$0x2A0] =	vst v57;
	v5 =	vmul.f32 $1.442695020e+00, v5;
	v1 =	vld [tilespmem:$0x1E0];
	(erf) = vpow2.f32 v4  }
0x114: {  	s2 =	sshll.u32 s2, $0x7;
	[tilespmem:$0x2B0] =	vst v59;
	(erf) = vpow2.f32 v2  }
0x115: {  	s2 =	sadd.s32 s31, s2;
	[tilespmem:$0x2C0] =	vst v61;
	(erf) = vpow2.f32 v5  }
0x116: {  	p5 =	slt.u32 s2, $0x50910;
	[tilespmem:$0x2F0] =	vst v63;
	v2 =	vpop (erf)  }
0x117: {  	s14 =	sor.u32 $0x10, s2;
	[tilespmem:$0x2D0] =	vst v3;
	v2 =	vpsel !p5, $0x0, v2  }
0x118: {  	p6 =	slt.u32 s14, $0x50910;
	s9 =	sor.u32 $0x20, s2;
	[tilespmem:$0x2E0] =	vst v1;
	v1 =	vpop (erf)  }
0x119: {  	s10 =	sor.u32 $0x30, s2;
	p1 =	slt.u32 s9, $0x50910;
	v3 =	vpop (erf);
	[tilespmem:$0x580] =	vst v2;
	v1 =	vpsel !p6, $0x0, v1  }
0x11a: {  	s14 =	sor.u32 $0x40, s2;
	p2 =	slt.u32 s10, $0x50910;
	[tilespmem:$0x590] =	vst v1;
	v1 =	vpsel !p1, $0x0, v3;
	v2 =	vpop (erf)  }
0x11b: {  	p3 =	slt.u32 s14, $0x50910;
	s9 =	sor.u32 $0x50, s2;
	[tilespmem:$0x5A0] =	vst v1;
	v3 =	vpop (erf);
	v1 =	vpsel !p2, $0x0, v2  }
0x11c: {  	s10 =	sor.u32 $0x60, s2;
	p4 =	slt.u32 s9, $0x50910;
	v2 =	vpop (erf);
	[tilespmem:$0x5B0] =	vst v1;
	v1 =	vpsel !p3, $0x0, v3  }
0x11d: {  	s2 =	sor.u32 $0x70, s2;
	p5 =	slt.u32 s10, $0x50910;
	v3 =	vpop (erf);
	[tilespmem:$0x5C0] =	vst v1;
	v1 =	vpsel !p4, $0x0, v2  }
0x11e: {  	p6 =	slt.u32 s2, $0x50910;
	[tilespmem:$0x5D0] =	vst v1;
	v1 =	vpsel !p5, $0x0, v3;
	v2 =	vpop (erf)  }
0x11f: {  	[tilespmem:$0x5E0] =	vst v1;
	v1 =	vpsel !p6, $0x0, v2  }
0x120: {  	s14 =	simm.s32 $0x0;
	[tilespmem:$0x5F0] =	vst v1  }
0x121: {  	v1 =	vmov s14;
	[spmem:s13] =	stream.indirect.scatter.add.f32 [tilespmem:s26], [sflag:$0x8], $0x1, s25, s6, $0xb8;
	[tilespmem:$0x1C880] =	vst v63  }
0x122: {  	_ =	swait.ge [sflag:s28], $0x2000  }
0x123: {  	[sflag:s28] =	ssyncset.done $0x0  }
0x124: {  	s2 =	simm.s32 $0x2630;
	[sflag:s28] =	ssyncadd.s32 $0xFFFFE000  }
0x125: {  	v2 =	vld [tilespmem:s2+$0xFFFFFFD0]  }
0x126: {  	v1 =	vld.idx.msk [tilespmem:v1+s26+$0x0], $0xffff;
	_ =	sdelay $0x3  }
0x127: {  	v3 =	vshll.u32 v2, $0x10  }
0x128: {  	v2 =	vand.u32 $0xFFFF0000, v2;
	v3 =	vmul.f32 v3, v1  }
0x129: {  	s8 =	simm.s32 $0x4640;
	v2 =	vmul.f32 v2, v1  }
0x12a: {  	[tilespmem:s8+$0xFFFFFFC0] =	vst v3  }
0x12b: {  	[tilespmem:s8+$0xFFFFFFD0] =	vst v2  }
0x12c: {  	v2 =	vld [tilespmem:s2+$0xFFFFFFE0];
	_ =	sdelay $0x4  }
0x12d: {  	v3 =	vshll.u32 v2, $0x10  }
0x12e: {  	v2 =	vand.u32 $0xFFFF0000, v2;
	v3 =	vmul.f32 v3, v1  }
0x12f: {  	v2 =	vmul.f32 v2, v1  }
0x130: {  	[tilespmem:s8+$0xFFFFFFE0] =	vst v3  }
0x131: {  	[tilespmem:s8+$0xFFFFFFF0] =	vst v2  }
0x132: {  	v2 =	vld [tilespmem:s2+$0xFFFFFFF0];
	_ =	sdelay $0x4  }
0x133: {  	v3 =	vshll.u32 v2, $0x10  }
0x134: {  	v2 =	vand.u32 $0xFFFF0000, v2;
	v3 =	vmul.f32 v3, v1  }
0x135: {  	v2 =	vmul.f32 v2, v1  }
0x136: {  	[tilespmem:s8+$0x0] =	vst v3  }
0x137: {  	[tilespmem:s8+$0x10] =	vst v2  }
0x138: {  	s9 =	simm.s32 $0x4640;
	s10 =	simm.s32 $0x1;
	v2 =	vld [tilespmem:s2+$0x0]  }
.LBB2_7:
0x139: {  	_ =	sdelay $0x3  }
0x13a: {  	p0 =	sne.s32 s10, $0x7F;
	s8 =	sadd.s32 $0x80, s8;
	s2 =	sadd.s32 $0x40, s2;
	v3 =	vshll.u32 v2, $0x10;
	v2 =	vand.u32 $0xFFFF0000, v2  }
0x13b: {  	v4 =	vmov s10;
	s10 =	sadd.s32 $0x1, s10;
	v3 =	vmul.f32 v3, v1;
	v1 =	vmul.f32 v2, v1;
	_ =	sdelay $0x1  }
0x13c: {  	[tilespmem:s9+$0x20] =	vst v3  }
0x13d: {  	[tilespmem:s9+$0x30] =	vst v1;
	s9 =	smov.u32 s8  }
0x13e: {  	v2 =	vld [tilespmem:s2+$0xFFFFFFD0]  }
0x13f: {  	v1 =	vld.idx.msk [tilespmem:v4+s26+$0x0], $0xffff;
	_ =	sdelay $0x4  }
0x140: {  	v3 =	vshll.u32 v2, $0x10;
	v2 =	vand.u32 $0xFFFF0000, v2  }
0x141: {  	v3 =	vmul.f32 v3, v1;
	v2 =	vmul.f32 v2, v1;
	_ =	sdelay $0x1  }
0x142: {  	[tilespmem:s8+$0xFFFFFFC0] =	vst v3  }
0x143: {  	[tilespmem:s8+$0xFFFFFFD0] =	vst v2  }
0x144: {  	v2 =	vld [tilespmem:s2+$0xFFFFFFE0];
	_ =	sdelay $0x4  }
0x145: {  	v3 =	vshll.u32 v2, $0x10;
	v2 =	vand.u32 $0xFFFF0000, v2  }
0x146: {  	v3 =	vmul.f32 v3, v1;
	v2 =	vmul.f32 v2, v1;
	_ =	sdelay $0x1  }
0x147: {  	[tilespmem:s8+$0xFFFFFFE0] =	vst v3  }
0x148: {  	[tilespmem:s8+$0xFFFFFFF0] =	vst v2  }
0x149: {  	v2 =	vld [tilespmem:s2+$0xFFFFFFF0];
	_ =	sdelay $0x4  }
0x14a: {  	v3 =	vshll.u32 v2, $0x10;
	v2 =	vand.u32 $0xFFFF0000, v2  }
.Ltmp2:
0x14b: {  	v3 =	vmul.f32 v3, v1;
	v2 =	vmul.f32 v2, v1;
	(pc) =	sbr.rel @p0 .LBB2_7-.Ltmp2, $4  }
0x14c: {  	_ = 	snop  }
0x14d: {  	[tilespmem:s8+$0x0] =	vst v3  }
0x14e: {  	[tilespmem:s8+$0x10] =	vst v2  }
0x14f: {  	v2 =	vld [tilespmem:s2+$0x0]  }
0x150: {  	_ =	sdelay $0x2  }
0x151: {  	s29 =	sadd.s32 $0x1, s29  }
0x152: {  	p0 =	sne.s32 s29, $0x29;
	v3 =	vshll.u32 v2, $0x10  }
.Ltmp3:
0x153: {  	v2 =	vand.u32 $0xFFFF0000, v2;
	v3 =	vmul.f32 v3, v1;
	(pc) =	sbr.rel @p0 .LBB2_4-.Ltmp3, $4  }
0x154: {  	v1 =	vmul.f32 v2, v1  }
0x155: {  	[tilespmem:s9+$0x20] =	vst v3  }
0x156: {  	[tilespmem:s9+$0x30] =	vst v1  }
0x157: {  	[spmem:s12] =	stream.indirect.scatter.add.f32 [tilespmem:s4], [sflag:$0x9], $0x80, s25, s6, $0xb8;
	[tilespmem:$0x1C880] =	vst v63  }
0x158: {  	s2 =	simm.s32 $0x7  }
0x159: {  	_ =	swait.ge [sflag:s2], $0x80  }
0x15a: {  	[sflag:s2] =	ssyncset.done $0x0  }
0x15b: {  	s8 =	simm.s32 $0x8;
	[sflag:s2] =	ssyncadd.s32 $0xFFFFFF80  }
0x15c: {  	_ =	swait.ge [sflag:s8], $0x80  }
0x15d: {  	[sflag:s8] =	ssyncset.done $0x0  }
0x15e: {  	[sflag:s8] =	ssyncadd.s32 $0xFFFFFF80  }
0x15f: {  	_ =	swait.ge [sflag:s24], $0x4000  }
0x160: {  	[sflag:s24] =	ssyncset.done $0x0  }
0x161: {  	[sflag:s24] =	ssyncadd.s32 $0xFFFFC000  }
0x162: {  	s9 =	stileid.u32;
	[bflag:$0x0] =	sbarrier.arrive $0xFFFF  }
0x163: {  	s2 =	sshll.u32 s9, $0x6;
	s29 =	rddreg [dreg:$0xf]  }
0x164: {  	s2 =	sor.u32 $0x1C0A, s2;
	s9 =	rddreg [dreg:$0x5];
	s8 =	sshrl.u32 s29, $0x3  }
0x165: {  	[hbm:s9], [sflag:s2] =	dma.local [spmem:s8], $0x800  }
0x166: {  	_ =	swait.ge [sflag:s5], $0x800  }
0x167: {  	[sflag:s5] =	ssyncset.done $0x0;
	s30 =	rddreg [dreg:$0x10]  }
0x168: {  	s14 =	rddreg [dreg:$0xa];
	[sflag:s5] =	ssyncadd.s32 $0xFFFFF800;
	s10 =	sshrl.u32 s30, $0x3  }
0x169: {  	[hbm:s14], [sflag:s2] =	dma.local [spmem:s10], $0x10  }
0x16a: {  	_ =	swait.ge [sflag:s5], $0x10  }
0x16b: {  	[sflag:s5] =	ssyncset.done $0x0;
	s14 =	rddreg [dreg:$0x11]  }
0x16c: {  	s10 =	rddreg [dreg:$0x6];
	[sflag:s5] =	ssyncadd.s32 $0xFFFFFFF0;
	s9 =	sshrl.u32 s14, $0x3  }
0x16d: {  	[hbm:s10], [sflag:s2] =	dma.local [spmem:s9], $0x800  }
0x16e: {  	_ =	swait.ge [sflag:s5], $0x800  }
0x16f: {  	[sflag:s5] =	ssyncset.done $0x0;
	s9 =	rddreg [dreg:$0x12]  }
0x170: {  	s10 =	rddreg [dreg:$0xb];
	[sflag:s5] =	ssyncadd.s32 $0xFFFFF800;
	s8 =	sshrl.u32 s9, $0x3  }
0x171: {  	[hbm:s10], [sflag:s2] =	dma.local [spmem:s8], $0x10  }
0x172: {  	_ =	swait.ge [sflag:s5], $0x10  }
0x173: {  	[sflag:s5] =	ssyncset.done $0x0;
	s9 =	rddreg [dreg:$0x13]  }
0x174: {  	s10 =	rddreg [dreg:$0x7];
	[sflag:s5] =	ssyncadd.s32 $0xFFFFFFF0;
	s8 =	sshrl.u32 s9, $0x3  }
0x175: {  	[hbm:s10], [sflag:s2] =	dma.local [spmem:s8], $0x800  }
0x176: {  	_ =	swait.ge [sflag:s5], $0x800  }
0x177: {  	[sflag:s5] =	ssyncset.done $0x0;
	s10 =	rddreg [dreg:$0x14]  }
0x178: {  	s9 =	rddreg [dreg:$0xc];
	[sflag:s5] =	ssyncadd.s32 $0xFFFFF800;
	s8 =	sshrl.u32 s10, $0x3  }
0x179: {  	[hbm:s9], [sflag:s2] =	dma.local [spmem:s8], $0x10  }
0x17a: {  	_ =	swait.ge [sflag:s5], $0x10  }
0x17b: {  	[sflag:s5] =	ssyncset.done $0x0;
	s9 =	rddreg [dreg:$0x15]  }
0x17c: {  	[sflag:s5] =	ssyncadd.s32 $0xFFFFFFF0;
	s8 =	sshrl.u32 s9, $0x3;
	s9 =	rddreg [dreg:$0x8]  }
0x17d: {  	[hbm:s9], [sflag:s2] =	dma.local [spmem:s8], $0x800  }
0x17e: {  	_ =	swait.ge [sflag:s5], $0x800  }
0x17f: {  	[sflag:s5] =	ssyncset.done $0x0;
	s9 =	rddreg [dreg:$0x16]  }
0x180: {  	[sflag:s5] =	ssyncadd.s32 $0xFFFFF800;
	s8 =	sshrl.u32 s9, $0x3;
	s9 =	rddreg [dreg:$0xd]  }
0x181: {  	[hbm:s9], [sflag:s2] =	dma.local [spmem:s8], $0x10  }
0x182: {  	_ =	swait.ge [sflag:s5], $0x10  }
0x183: {  	[sflag:s5] =	ssyncset.done $0x0;
	s9 =	rddreg [dreg:$0x17]  }
0x184: {  	[sflag:s5] =	ssyncadd.s32 $0xFFFFFFF0;
	s8 =	sshrl.u32 s9, $0x3;
	s9 =	rddreg [dreg:$0x9]  }
0x185: {  	[hbm:s9], [sflag:s2] =	dma.local [spmem:s8], $0x800  }
0x186: {  	_ =	swait.ge [sflag:s5], $0x800  }
0x187: {  	[sflag:s5] =	ssyncset.done $0x0;
	s9 =	rddreg [dreg:$0x18]  }
0x188: {  	[sflag:s5] =	ssyncadd.s32 $0xFFFFF800;
	s8 =	sshrl.u32 s9, $0x3;
	s9 =	rddreg [dreg:$0xe]  }
0x189: {  	[hbm:s9], [sflag:s2] =	dma.local [spmem:s8], $0x10  }
0x18a: {  	_ =	swait.ge [sflag:s5], $0x10  }
0x18b: {  	s2 =	rddreg [dreg:$0x1b]  }
0x18c: {  	s9 =	rddreg [dreg:$0x1a];
	s8 =	sadd.s32 $0x1, s2  }
0x18d: {  	p0 =	sne.s32 s8, s9  }
.Ltmp4:
0x18e: {  	_ = 	snop;
	(pc) =	sbr.rel @p0 .LBB2_1-.Ltmp4, $3  }
0x18f: {  	_ =	sdelay $0x1  }
0x190: {  	[sflag:s5] =	ssyncset.done $0x0  }
0x191: {  	[sflag:s5] =	ssyncadd.s32 $0xFFFFFFF0  }
0x192: {  	_ =	sfence.sel $0x180000  }
0x193: {  	[bflag:$0x0] =	sbarrier.arrive $0xFFFF  }
0x194: {  	_ =	strace $0x90000047  }
0x195: {  	s0 =	stileid.u32;
	[bflag:$0x2] =	sbarrier.arrive $0xFFFF  }
0x196: {  	p0 =	sne.s32 s0, $0x0;
	s0 =	rddreg [dreg:$0x4]  }
0x197: {  	s0 =	sadd.s32 @!p0 $0x100000, s0  }
0x198: {  	[sflag:s0] =	ssyncadd.tile.s32 @!p0 $0x1;
	_ =	shalt  }
.Lfunc_end2:
_tile_overlayer_lowered:
.L_overlay_start_2:
0x199: {  	(tag) =	ssettag $0x2  }
0x19a: {  	s0 =	rddreg [dreg:$0x0];
	s2 =	stileid.u32  }
0x19b: {  	s1 =	rddreg [dreg:$0x1];
	p0 =	sne.s32 s2, $0x0  }
0x19c: {  	s3 =	rddreg [dreg:$0x2];
	[bflag:$0x3] =	sbarrier.arrive $0xFFFF;
	s2 =	simm.s32 @!p0 $0x1C0A  }
0x19d: {  	[timem:s3], [sflag:s2] =	dma.local @!p0 [hbm:s0], s1  }
0x19e: {  	s0 =	simm.s32 @!p0 $0xA  }
0x19f: {  	_ =	swait.ge @!p0 [sflag:s0], s1  }
0x1a0: {  	s1 =	ssub.s32 @!p0 $0x0, s1;
	[sflag:s0] =	ssyncset.done @!p0 $0x0  }
0x1a1: {  	[sflag:s0] =	ssyncadd.s32 @!p0 s1  }
0x1a2: {  	[bflag:$0x3] =	sbarrier.arrive $0xFFFF  }
0x1a3: {  	_ =	shalt  }

</sc_bundles>
